<compile_context>
chip_gen: v7x
topology: tpu7x:2x2x1
jax: 0.10.2.dev20260603
libtpu: 0.0.44.dev20260713+nightly
codegen_flags: <defaults>
</compile_context>

<pallas_src>
import functools

import jax
import jax.numpy as jnp
from jax import lax
from jax.experimental import pallas as pl
from jax.experimental.pallas import tpu as pltpu
from jax.experimental.pallas import tpu_sc as plsc

NC, NS, L = 2, 16, 16
NW = NC * NS

K = 64
V = 513
D = 768
R = 512
RPW = R // NW
IPW = RPW * K
NV = D // L

_mesh = plsc.VectorSubcoreMesh(core_axis_name="c", subcore_axis_name="s")


@functools.partial(
    pl.kernel,
    out_type=jax.ShapeDtypeStruct((R, D), jnp.float32),
    mesh=_mesh,
    scratch_types=[
        pltpu.VMEM((IPW,), jnp.int32),
        pltpu.VMEM((IPW,), jnp.int32),
        pltpu.VMEM((8, RPW, D), jnp.float32),
        pltpu.VMEM((RPW, D), jnp.float32),
        pltpu.SemaphoreType.DMA,
        pltpu.SemaphoreType.DMA,
        pltpu.SemaphoreType.DMA,
        pltpu.SemaphoreType.DMA,
        pltpu.SemaphoreType.DMA,
        pltpu.SemaphoreType.DMA,
        pltpu.SemaphoreType.DMA,
        pltpu.SemaphoreType.DMA,
    ],
    compiler_params=pltpu.CompilerParams(use_tc_tiling_on_sc=True, needs_layout_passes=False),
)
def _emb_sum(ids_hbm, table_hbm, out_hbm, idx_v, idxt_v, rows_v, acc_v,
             sem_0, sem_1, sem_2, sem_3, sem_4, sem_5, sem_6, sem_7):
    wid = lax.axis_index("s") * NC + lax.axis_index("c")
    base = wid * IPW
    pltpu.sync_copy(ids_hbm.at[pl.ds(base, IPW)], idx_v)

    lane64 = lax.iota(jnp.int32, L) * K

    def transpose(i, _):
        vec = plsc.load_gather(idx_v, [lane64 + i])
        idxt_v[pl.ds(i * L, L)] = vec
        return 0

    lax.fori_loop(0, K, transpose, 0)

    zero = jnp.zeros((L,), jnp.float32)

    def clear(c, _):
        for j in range(RPW):
            acc_v[j, pl.ds(c * L, L)] = zero
        return 0

    lax.fori_loop(0, NV, clear, 0)

    def gather(i, b, sem):
        return pltpu.make_async_copy(
            table_hbm.at[i].at[idxt_v.at[pl.ds(i * L, L)]], rows_v.at[b],
            sem)

    def accum4(b0, b1, b2, b3):
        def body(c, _):
            for j in range(RPW):
                ds = pl.ds(c * L, L)
                s = ((rows_v[b0, j, ds] + rows_v[b1, j, ds]) +
                     (rows_v[b2, j, ds] + rows_v[b3, j, ds]))
                plsc.addupdate(acc_v.at[j, ds], s)
            return 0

        lax.fori_loop(0, NV, body, 0)

    sems = (sem_0, sem_1, sem_2, sem_3, sem_4, sem_5, sem_6, sem_7)

    for b in range(8):
        gather(b, b, sems[b]).start()

    def ring(h, _):
        i0 = 8 * h
        for b in (0, 4):
            i = i0 + b
            for t in range(4):
                gather(i + t, b + t, sems[b + t]).wait()
            accum4(b, b + 1, b + 2, b + 3)
            for t in range(4):
                @pl.when(i + 8 + t < K)
                def _():
                    gather(i + 8 + t, b + t, sems[b + t]).start()
        return 0

    lax.fori_loop(0, K // 8, ring, 0)
    pltpu.sync_copy(acc_v, out_hbm.at[pl.ds(wid * RPW, RPW)])


def kernel(input_ids, tables):
    b, seq = input_ids.shape
    ids = input_ids.astype(jnp.int32).reshape(-1)
    out = _emb_sum(ids, tables)
    return out.reshape(b, seq // K, D)

# --- scband reference (transcript-rebuilt; emitter-appended) ---
"""Pipeline reference for scband-embedding-sum-62251255989122 (READ-ONLY COPY).

The authoritative reference and input builder live on the scoring server;
editing this copy changes nothing except your own understanding.
"""

import jax, jax.numpy as jnp
import numpy as np


def setup_inputs(seed: int = 0) -> dict:
    key = jax.random.key(seed)
    k1, k2 = jax.random.split(key)
    # forward arg per input_specs
    input_ids = jax.random.randint(k1, (4, 8192), 0, 513, dtype=jnp.int64)
    # learned parameters: k=64 codebooks, each [num_embeddings=513, embedding_dim=768]
    tables = jax.random.normal(k2, (64, 513, 768), dtype=jnp.float32) * 0.02
    return {"input_ids": input_ids, "tables": tables}


def reference(input_ids, tables):
    # Faithful translation of EmbeddingSum.forward:
    # for each codebook i, gather columns i, i+k, i+2k, ... of input_ids
    # through embedding table i, and accumulate the embedded results.
    k = tables.shape[0]
    embedded = None
    for i in range(k):
        ids_i = input_ids[..., i::k]                # [B, L//k]
        res = jnp.take(tables[i], ids_i, axis=0)    # [B, L//k, D] embedding lookup
        embedded = res if embedded is None else embedded + res
    return embedded

if __name__ == "__main__":
    import jax
    _d = setup_inputs()
    print(jax.jit(kernel)(*tuple(_d.values())))

</pallas_src>

<mosaic_0001>
#map = affine_map<(d0, d1) -> (0)>
#map1 = affine_map<(d0, d1) -> (0, 0, 0)>
#map2 = affine_map<(d0, d1) -> (0, 0)>
module attributes {stable_mosaic.version = 14 : i64} {
  func.func @_emb_sum(%arg0: i32, %arg1: i32, %arg2: memref<32768xi32, #tpu.memory_space<hbm>>, %arg3: memref<64x513x768xf32, #tpu.memory_space<hbm>>, %arg4: memref<512x768xf32, #tpu.memory_space<hbm>>, %arg5: memref<1024xi32, #tpu.memory_space<vmem>>, %arg6: memref<1024xi32, #tpu.memory_space<vmem>>, %arg7: memref<8x16x768xf32, #tpu.memory_space<vmem>>, %arg8: memref<16x768xf32, #tpu.memory_space<vmem>>, %arg9: memref<!tpu.dma_semaphore, #tpu.memory_space<semaphore_mem>>, %arg10: memref<!tpu.dma_semaphore, #tpu.memory_space<semaphore_mem>>, %arg11: memref<!tpu.dma_semaphore, #tpu.memory_space<semaphore_mem>>, %arg12: memref<!tpu.dma_semaphore, #tpu.memory_space<semaphore_mem>>, %arg13: memref<!tpu.dma_semaphore, #tpu.memory_space<semaphore_mem>>, %arg14: memref<!tpu.dma_semaphore, #tpu.memory_space<semaphore_mem>>, %arg15: memref<!tpu.dma_semaphore, #tpu.memory_space<semaphore_mem>>, %arg16: memref<!tpu.dma_semaphore, #tpu.memory_space<semaphore_mem>>) attributes {dimension_semantics = [#tpu.dimension_semantics<core_parallel>, #tpu.dimension_semantics<subcore_parallel>], iteration_bounds = array<i64: 2, 16>, scalar_prefetch = 0 : i64, scratch_operands = 12 : i64, tpu.core_type = #tpu.core_type<sc_vector_subcore>, window_params = [{transform_indices = #map}, {transform_indices = #map1}, {transform_indices = #map2}]} {
    %mul3A = arith.constant 2 : i32
    %mul3A_0 = arith.muli %arg1, %mul3A : i32
    %add3A = arith.addi %mul3A_0, %arg0 : i32
    %mul3A_1 = arith.constant 1024 : i32
    %mul3A_2 = arith.muli %add3A, %mul3A_1 : i32
    "tpu.region"() ({
      %run_scoped3A = tpu.sem_alloc : memref<!tpu.dma_semaphore, #tpu.memory_space<semaphore_mem>>
      %dma_start3A_148 = tpu.memref_slice %arg2[%mul3A_2] : memref<32768xi32, #tpu.memory_space<hbm>> -> memref<1024xi32, #tpu.memory_space<hbm>>
      %dma_start3A_149 = tpu.memref_slice %arg2[%mul3A_2] : memref<32768xi32, #tpu.memory_space<hbm>> -> memref<1024xi32, #tpu.memory_space<hbm>>
      tpu.enqueue_dma source(%dma_start3A_149 : memref<1024xi32, #tpu.memory_space<hbm>>) target(%arg5 : memref<1024xi32, #tpu.memory_space<vmem>>) target_semaphore(%run_scoped3A : memref<!tpu.dma_semaphore, #tpu.memory_space<semaphore_mem>>)
      %dma_wait3A = tpu.memref_slice %arg2[%mul3A_2] : memref<32768xi32, #tpu.memory_space<hbm>> -> memref<1024xi32, #tpu.memory_space<hbm>>
      %dma_wait3A_150 = tpu.memref_slice %arg2[%mul3A_2] : memref<32768xi32, #tpu.memory_space<hbm>> -> memref<1024xi32, #tpu.memory_space<hbm>>
      tpu.wait_dma2 semaphore(%run_scoped3A : memref<!tpu.dma_semaphore, #tpu.memory_space<semaphore_mem>>) src(%dma_wait3A_150 : memref<1024xi32, #tpu.memory_space<hbm>>) dst(%arg5 : memref<1024xi32, #tpu.memory_space<vmem>>)
      tpu.yield
    }) : () -> ()
    %iota3A = tpu.iota {dimensions = array<i32: 0>} : vector<16xi32>
    %mul3A_3 = arith.constant 64 : i32
    %mul3A_4 = vector.broadcast %mul3A_3 : i32 to vector<16xi32>
    %mul3A_5 = arith.muli %iota3A, %mul3A_4 : vector<16xi32>
    %scan3A = arith.constant 0 : i32
    %scan3A_6 = arith.constant 0 : i32
    %scan3A_7 = arith.constant 64 : i32
    %scan3A_8 = arith.addi %scan3A_6, %scan3A_7 : i32
    %scan3A_9 = arith.constant 1 : i32
    %scan3A_10 = scf.for %scan3A_148 = %scan3A_6 to %scan3A_8 step %scan3A_9 iter_args(%scan3A_149 = %scan3A) -> (i32)  : i32 {
      %add3A_150 = vector.broadcast %scan3A_148 : i32 to vector<16xi32>
      %add3A_151 = arith.addi %mul3A_5, %add3A_150 : vector<16xi32>
      %gather3A = tpu.vector_load_idx %arg5[%add3A_151] : memref<1024xi32, #tpu.memory_space<vmem>>[vector<16xi32>], vector<16xi32>,
      %mul3A_152 = arith.constant 16 : i32
      %mul3A_153 = arith.muli %scan3A_148, %mul3A_152 : i32
      %swap3A = arith.index_cast %mul3A_153 : i32 to index
      %swap3A_154 = tpu.vector_load %arg6[%swap3A] {strides = array<i32>} : memref<1024xi32, #tpu.memory_space<vmem>>, vector<16xi32>,
      tpu.vector_store %arg6[%swap3A], %gather3A {strides = array<i32>} : memref<1024xi32, #tpu.memory_space<vmem>>, vector<16xi32>,
      %scan3A_155 = arith.constant 0 : i32
      scf.yield %scan3A_155 : i32
    }
    %scan3A_11 = arith.constant 64 : i32
    %broadcast_in_dim3A = arith.constant 0.000000e+00 : f32
    %broadcast_in_dim3A_12 = vector.broadcast %broadcast_in_dim3A : f32 to vector<16xf32>
    %scan3A_13 = arith.constant 0 : i32
    %scan3A_14 = arith.constant 0 : i32
    %scan3A_15 = arith.constant 48 : i32
    %scan3A_16 = arith.addi %scan3A_14, %scan3A_15 : i32
    %scan3A_17 = arith.constant 1 : i32
    %scan3A_18 = scf.for %scan3A_148 = %scan3A_14 to %scan3A_16 step %scan3A_17 iter_args(%scan3A_149 = %scan3A_13) -> (i32)  : i32 {
      %mul3A_150 = arith.constant 16 : i32
      %mul3A_151 = arith.muli %scan3A_148, %mul3A_150 : i32
      %swap3A = arith.constant 0 : i32
      %swap3A_152 = arith.index_cast %swap3A : i32 to index
      %swap3A_153 = arith.index_cast %mul3A_151 : i32 to index
      %swap3A_154 = tpu.vector_load %arg8[%swap3A_152, %swap3A_153] {strides = array<i32>} : memref<16x768xf32, #tpu.memory_space<vmem>>, vector<16xf32>,
      tpu.vector_store %arg8[%swap3A_152, %swap3A_153], %broadcast_in_dim3A_12 {strides = array<i32>} : memref<16x768xf32, #tpu.memory_space<vmem>>, vector<16xf32>,
      %mul3A_155 = arith.constant 16 : i32
      %mul3A_156 = arith.muli %scan3A_148, %mul3A_155 : i32
      %swap3A_157 = arith.constant 1 : i32
      %swap3A_158 = arith.index_cast %swap3A_157 : i32 to index
      %swap3A_159 = arith.index_cast %mul3A_156 : i32 to index
      %swap3A_160 = tpu.vector_load %arg8[%swap3A_158, %swap3A_159] {strides = array<i32>} : memref<16x768xf32, #tpu.memory_space<vmem>>, vector<16xf32>,
      tpu.vector_store %arg8[%swap3A_158, %swap3A_159], %broadcast_in_dim3A_12 {strides = array<i32>} : memref<16x768xf32, #tpu.memory_space<vmem>>, vector<16xf32>,
      %mul3A_161 = arith.constant 16 : i32
      %mul3A_162 = arith.muli %scan3A_148, %mul3A_161 : i32
      %swap3A_163 = arith.constant 2 : i32
      %swap3A_164 = arith.index_cast %swap3A_163 : i32 to index
      %swap3A_165 = arith.index_cast %mul3A_162 : i32 to index
      %swap3A_166 = tpu.vector_load %arg8[%swap3A_164, %swap3A_165] {strides = array<i32>} : memref<16x768xf32, #tpu.memory_space<vmem>>, vector<16xf32>,
      tpu.vector_store %arg8[%swap3A_164, %swap3A_165], %broadcast_in_dim3A_12 {strides = array<i32>} : memref<16x768xf32, #tpu.memory_space<vmem>>, vector<16xf32>,
      %mul3A_167 = arith.constant 16 : i32
      %mul3A_168 = arith.muli %scan3A_148, %mul3A_167 : i32
      %swap3A_169 = arith.constant 3 : i32
      %swap3A_170 = arith.index_cast %swap3A_169 : i32 to index
      %swap3A_171 = arith.index_cast %mul3A_168 : i32 to index
      %swap3A_172 = tpu.vector_load %arg8[%swap3A_170, %swap3A_171] {strides = array<i32>} : memref<16x768xf32, #tpu.memory_space<vmem>>, vector<16xf32>,
      tpu.vector_store %arg8[%swap3A_170, %swap3A_171], %broadcast_in_dim3A_12 {strides = array<i32>} : memref<16x768xf32, #tpu.memory_space<vmem>>, vector<16xf32>,
      %mul3A_173 = arith.constant 16 : i32
      %mul3A_174 = arith.muli %scan3A_148, %mul3A_173 : i32
      %swap3A_175 = arith.constant 4 : i32
      %swap3A_176 = arith.index_cast %swap3A_175 : i32 to index
      %swap3A_177 = arith.index_cast %mul3A_174 : i32 to index
      %swap3A_178 = tpu.vector_load %arg8[%swap3A_176, %swap3A_177] {strides = array<i32>} : memref<16x768xf32, #tpu.memory_space<vmem>>, vector<16xf32>,
      tpu.vector_store %arg8[%swap3A_176, %swap3A_177], %broadcast_in_dim3A_12 {strides = array<i32>} : memref<16x768xf32, #tpu.memory_space<vmem>>, vector<16xf32>,
      %mul3A_179 = arith.constant 16 : i32
      %mul3A_180 = arith.muli %scan3A_148, %mul3A_179 : i32
      %swap3A_181 = arith.constant 5 : i32
      %swap3A_182 = arith.index_cast %swap3A_181 : i32 to index
      %swap3A_183 = arith.index_cast %mul3A_180 : i32 to index
      %swap3A_184 = tpu.vector_load %arg8[%swap3A_182, %swap3A_183] {strides = array<i32>} : memref<16x768xf32, #tpu.memory_space<vmem>>, vector<16xf32>,
      tpu.vector_store %arg8[%swap3A_182, %swap3A_183], %broadcast_in_dim3A_12 {strides = array<i32>} : memref<16x768xf32, #tpu.memory_space<vmem>>, vector<16xf32>,
      %mul3A_185 = arith.constant 16 : i32
      %mul3A_186 = arith.muli %scan3A_148, %mul3A_185 : i32
      %swap3A_187 = arith.constant 6 : i32
      %swap3A_188 = arith.index_cast %swap3A_187 : i32 to index
      %swap3A_189 = arith.index_cast %mul3A_186 : i32 to index
      %swap3A_190 = tpu.vector_load %arg8[%swap3A_188, %swap3A_189] {strides = array<i32>} : memref<16x768xf32, #tpu.memory_space<vmem>>, vector<16xf32>,
      tpu.vector_store %arg8[%swap3A_188, %swap3A_189], %broadcast_in_dim3A_12 {strides = array<i32>} : memref<16x768xf32, #tpu.memory_space<vmem>>, vector<16xf32>,
      %mul3A_191 = arith.constant 16 : i32
      %mul3A_192 = arith.muli %scan3A_148, %mul3A_191 : i32
      %swap3A_193 = arith.constant 7 : i32
      %swap3A_194 = arith.index_cast %swap3A_193 : i32 to index
      %swap3A_195 = arith.index_cast %mul3A_192 : i32 to index
      %swap3A_196 = tpu.vector_load %arg8[%swap3A_194, %swap3A_195] {strides = array<i32>} : memref<16x768xf32, #tpu.memory_space<vmem>>, vector<16xf32>,
      tpu.vector_store %arg8[%swap3A_194, %swap3A_195], %broadcast_in_dim3A_12 {strides = array<i32>} : memref<16x768xf32, #tpu.memory_space<vmem>>, vector<16xf32>,
      %mul3A_197 = arith.constant 16 : i32
      %mul3A_198 = arith.muli %scan3A_148, %mul3A_197 : i32
      %swap3A_199 = arith.constant 8 : i32
      %swap3A_200 = arith.index_cast %swap3A_199 : i32 to index
      %swap3A_201 = arith.index_cast %mul3A_198 : i32 to index
      %swap3A_202 = tpu.vector_load %arg8[%swap3A_200, %swap3A_201] {strides = array<i32>} : memref<16x768xf32, #tpu.memory_space<vmem>>, vector<16xf32>,
      tpu.vector_store %arg8[%swap3A_200, %swap3A_201], %broadcast_in_dim3A_12 {strides = array<i32>} : memref<16x768xf32, #tpu.memory_space<vmem>>, vector<16xf32>,
      %mul3A_203 = arith.constant 16 : i32
      %mul3A_204 = arith.muli %scan3A_148, %mul3A_203 : i32
      %swap3A_205 = arith.constant 9 : i32
      %swap3A_206 = arith.index_cast %swap3A_205 : i32 to index
      %swap3A_207 = arith.index_cast %mul3A_204 : i32 to index
      %swap3A_208 = tpu.vector_load %arg8[%swap3A_206, %swap3A_207] {strides = array<i32>} : memref<16x768xf32, #tpu.memory_space<vmem>>, vector<16xf32>,
      tpu.vector_store %arg8[%swap3A_206, %swap3A_207], %broadcast_in_dim3A_12 {strides = array<i32>} : memref<16x768xf32, #tpu.memory_space<vmem>>, vector<16xf32>,
      %mul3A_209 = arith.constant 16 : i32
      %mul3A_210 = arith.muli %scan3A_148, %mul3A_209 : i32
      %swap3A_211 = arith.constant 10 : i32
      %swap3A_212 = arith.index_cast %swap3A_211 : i32 to index
      %swap3A_213 = arith.index_cast %mul3A_210 : i32 to index
      %swap3A_214 = tpu.vector_load %arg8[%swap3A_212, %swap3A_213] {strides = array<i32>} : memref<16x768xf32, #tpu.memory_space<vmem>>, vector<16xf32>,
      tpu.vector_store %arg8[%swap3A_212, %swap3A_213], %broadcast_in_dim3A_12 {strides = array<i32>} : memref<16x768xf32, #tpu.memory_space<vmem>>, vector<16xf32>,
      %mul3A_215 = arith.constant 16 : i32
      %mul3A_216 = arith.muli %scan3A_148, %mul3A_215 : i32
      %swap3A_217 = arith.constant 11 : i32
      %swap3A_218 = arith.index_cast %swap3A_217 : i32 to index
      %swap3A_219 = arith.index_cast %mul3A_216 : i32 to index
      %swap3A_220 = tpu.vector_load %arg8[%swap3A_218, %swap3A_219] {strides = array<i32>} : memref<16x768xf32, #tpu.memory_space<vmem>>, vector<16xf32>,
      tpu.vector_store %arg8[%swap3A_218, %swap3A_219], %broadcast_in_dim3A_12 {strides = array<i32>} : memref<16x768xf32, #tpu.memory_space<vmem>>, vector<16xf32>,
      %mul3A_221 = arith.constant 16 : i32
      %mul3A_222 = arith.muli %scan3A_148, %mul3A_221 : i32
      %swap3A_223 = arith.constant 12 : i32
      %swap3A_224 = arith.index_cast %swap3A_223 : i32 to index
      %swap3A_225 = arith.index_cast %mul3A_222 : i32 to index
      %swap3A_226 = tpu.vector_load %arg8[%swap3A_224, %swap3A_225] {strides = array<i32>} : memref<16x768xf32, #tpu.memory_space<vmem>>, vector<16xf32>,
      tpu.vector_store %arg8[%swap3A_224, %swap3A_225], %broadcast_in_dim3A_12 {strides = array<i32>} : memref<16x768xf32, #tpu.memory_space<vmem>>, vector<16xf32>,
      %mul3A_227 = arith.constant 16 : i32
      %mul3A_228 = arith.muli %scan3A_148, %mul3A_227 : i32
      %swap3A_229 = arith.constant 13 : i32
      %swap3A_230 = arith.index_cast %swap3A_229 : i32 to index
      %swap3A_231 = arith.index_cast %mul3A_228 : i32 to index
      %swap3A_232 = tpu.vector_load %arg8[%swap3A_230, %swap3A_231] {strides = array<i32>} : memref<16x768xf32, #tpu.memory_space<vmem>>, vector<16xf32>,
      tpu.vector_store %arg8[%swap3A_230, %swap3A_231], %broadcast_in_dim3A_12 {strides = array<i32>} : memref<16x768xf32, #tpu.memory_space<vmem>>, vector<16xf32>,
      %mul3A_233 = arith.constant 16 : i32
      %mul3A_234 = arith.muli %scan3A_148, %mul3A_233 : i32
      %swap3A_235 = arith.constant 14 : i32
      %swap3A_236 = arith.index_cast %swap3A_235 : i32 to index
      %swap3A_237 = arith.index_cast %mul3A_234 : i32 to index
      %swap3A_238 = tpu.vector_load %arg8[%swap3A_236, %swap3A_237] {strides = array<i32>} : memref<16x768xf32, #tpu.memory_space<vmem>>, vector<16xf32>,
      tpu.vector_store %arg8[%swap3A_236, %swap3A_237], %broadcast_in_dim3A_12 {strides = array<i32>} : memref<16x768xf32, #tpu.memory_space<vmem>>, vector<16xf32>,
      %mul3A_239 = arith.constant 16 : i32
      %mul3A_240 = arith.muli %scan3A_148, %mul3A_239 : i32
      %swap3A_241 = arith.constant 15 : i32
      %swap3A_242 = arith.index_cast %swap3A_241 : i32 to index
      %swap3A_243 = arith.index_cast %mul3A_240 : i32 to index
      %swap3A_244 = tpu.vector_load %arg8[%swap3A_242, %swap3A_243] {strides = array<i32>} : memref<16x768xf32, #tpu.memory_space<vmem>>, vector<16xf32>,
      tpu.vector_store %arg8[%swap3A_242, %swap3A_243], %broadcast_in_dim3A_12 {strides = array<i32>} : memref<16x768xf32, #tpu.memory_space<vmem>>, vector<16xf32>,
      %scan3A_245 = arith.constant 0 : i32
      scf.yield %scan3A_245 : i32
    }
    %scan3A_19 = arith.constant 48 : i32
    %dma_start3A = arith.constant 0 : i32
    %dma_start3A_20 = arith.constant 0 : i32
    %dma_start3A_21 = arith.constant 0 : i32
    %dma_start3A_22 = arith.constant 0 : i32
    %dma_start3A_23 = tpu.memref_slice %arg7[%dma_start3A_20, %dma_start3A_21, %dma_start3A_22] : memref<8x16x768xf32, #tpu.memory_space<vmem>> -> memref<1x16x768xf32, #tpu.memory_space<vmem>>
    %dma_start3A_24 = tpu.memref_squeeze %dma_start3A_23 : memref<1x16x768xf32, #tpu.memory_space<vmem>> -> memref<16x768xf32, #tpu.memory_space<vmem>>
    %dma_start3A_25 = arith.constant 0 : i32
    %dma_start3A_26 = tpu.memref_slice %arg6[%dma_start3A_25] : memref<1024xi32, #tpu.memory_space<vmem>> -> memref<16xi32, #tpu.memory_space<vmem>>
    %dma_start3A_27 = arith.constant 0 : i32
    %dma_start3A_28 = arith.constant 0 : i32
    %dma_start3A_29 = tpu.memref_slice %arg3[%dma_start3A, %dma_start3A_27, %dma_start3A_28] : memref<64x513x768xf32, #tpu.memory_space<hbm>> -> memref<1x513x768xf32, #tpu.memory_space<hbm>>
    %dma_start3A_30 = tpu.memref_squeeze %dma_start3A_29 : memref<1x513x768xf32, #tpu.memory_space<hbm>> -> memref<513x768xf32, #tpu.memory_space<hbm>>
    %dma_start3A_31 = arith.constant 0 : i32
    %dma_start3A_32 = arith.constant 0 : i32
    %dma_start3A_33 = tpu.memref_slice %dma_start3A_30[%dma_start3A_31, %dma_start3A_32] : memref<513x768xf32, #tpu.memory_space<hbm>> -> memref<513x768xf32, #tpu.memory_space<hbm>>
    tpu.enqueue_indirect_dma source(%dma_start3A_33 : memref<513x768xf32, #tpu.memory_space<hbm>>) target(%dma_start3A_24 : memref<16x768xf32, #tpu.memory_space<vmem>>) offsets(%dma_start3A_26 : memref<16xi32, #tpu.memory_space<vmem>>) semaphore(%arg9 : memref<!tpu.dma_semaphore, #tpu.memory_space<semaphore_mem>>)
    %dma_start3A_34 = arith.constant 1 : i32
    %dma_start3A_35 = arith.constant 1 : i32
    %dma_start3A_36 = arith.constant 0 : i32
    %dma_start3A_37 = arith.constant 0 : i32
    %dma_start3A_38 = tpu.memref_slice %arg7[%dma_start3A_35, %dma_start3A_36, %dma_start3A_37] : memref<8x16x768xf32, #tpu.memory_space<vmem>> -> memref<1x16x768xf32, #tpu.memory_space<vmem>>
    %dma_start3A_39 = tpu.memref_squeeze %dma_start3A_38 : memref<1x16x768xf32, #tpu.memory_space<vmem>> -> memref<16x768xf32, #tpu.memory_space<vmem>>
    %dma_start3A_40 = arith.constant 16 : i32
    %dma_start3A_41 = tpu.memref_slice %arg6[%dma_start3A_40] : memref<1024xi32, #tpu.memory_space<vmem>> -> memref<16xi32, #tpu.memory_space<vmem>>
    %dma_start3A_42 = arith.constant 0 : i32
    %dma_start3A_43 = arith.constant 0 : i32
    %dma_start3A_44 = tpu.memref_slice %arg3[%dma_start3A_34, %dma_start3A_42, %dma_start3A_43] : memref<64x513x768xf32, #tpu.memory_space<hbm>> -> memref<1x513x768xf32, #tpu.memory_space<hbm>>
    %dma_start3A_45 = tpu.memref_squeeze %dma_start3A_44 : memref<1x513x768xf32, #tpu.memory_space<hbm>> -> memref<513x768xf32, #tpu.memory_space<hbm>>
    %dma_start3A_46 = arith.constant 0 : i32
    %dma_start3A_47 = arith.constant 0 : i32
    %dma_start3A_48 = tpu.memref_slice %dma_start3A_45[%dma_start3A_46, %dma_start3A_47] : memref<513x768xf32, #tpu.memory_space<hbm>> -> memref<513x768xf32, #tpu.memory_space<hbm>>
    tpu.enqueue_indirect_dma source(%dma_start3A_48 : memref<513x768xf32, #tpu.memory_space<hbm>>) target(%dma_start3A_39 : memref<16x768xf32, #tpu.memory_space<vmem>>) offsets(%dma_start3A_41 : memref<16xi32, #tpu.memory_space<vmem>>) semaphore(%arg10 : memref<!tpu.dma_semaphore, #tpu.memory_space<semaphore_mem>>)
    %dma_start3A_49 = arith.constant 2 : i32
    %dma_start3A_50 = arith.constant 2 : i32
    %dma_start3A_51 = arith.constant 0 : i32
    %dma_start3A_52 = arith.constant 0 : i32
    %dma_start3A_53 = tpu.memref_slice %arg7[%dma_start3A_50, %dma_start3A_51, %dma_start3A_52] : memref<8x16x768xf32, #tpu.memory_space<vmem>> -> memref<1x16x768xf32, #tpu.memory_space<vmem>>
    %dma_start3A_54 = tpu.memref_squeeze %dma_start3A_53 : memref<1x16x768xf32, #tpu.memory_space<vmem>> -> memref<16x768xf32, #tpu.memory_space<vmem>>
    %dma_start3A_55 = arith.constant 32 : i32
    %dma_start3A_56 = tpu.memref_slice %arg6[%dma_start3A_55] : memref<1024xi32, #tpu.memory_space<vmem>> -> memref<16xi32, #tpu.memory_space<vmem>>
    %dma_start3A_57 = arith.constant 0 : i32
    %dma_start3A_58 = arith.constant 0 : i32
    %dma_start3A_59 = tpu.memref_slice %arg3[%dma_start3A_49, %dma_start3A_57, %dma_start3A_58] : memref<64x513x768xf32, #tpu.memory_space<hbm>> -> memref<1x513x768xf32, #tpu.memory_space<hbm>>
    %dma_start3A_60 = tpu.memref_squeeze %dma_start3A_59 : memref<1x513x768xf32, #tpu.memory_space<hbm>> -> memref<513x768xf32, #tpu.memory_space<hbm>>
    %dma_start3A_61 = arith.constant 0 : i32
    %dma_start3A_62 = arith.constant 0 : i32
    %dma_start3A_63 = tpu.memref_slice %dma_start3A_60[%dma_start3A_61, %dma_start3A_62] : memref<513x768xf32, #tpu.memory_space<hbm>> -> memref<513x768xf32, #tpu.memory_space<hbm>>
    tpu.enqueue_indirect_dma source(%dma_start3A_63 : memref<513x768xf32, #tpu.memory_space<hbm>>) target(%dma_start3A_54 : memref<16x768xf32, #tpu.memory_space<vmem>>) offsets(%dma_start3A_56 : memref<16xi32, #tpu.memory_space<vmem>>) semaphore(%arg11 : memref<!tpu.dma_semaphore, #tpu.memory_space<semaphore_mem>>)
    %dma_start3A_64 = arith.constant 3 : i32
    %dma_start3A_65 = arith.constant 3 : i32
    %dma_start3A_66 = arith.constant 0 : i32
    %dma_start3A_67 = arith.constant 0 : i32
    %dma_start3A_68 = tpu.memref_slice %arg7[%dma_start3A_65, %dma_start3A_66, %dma_start3A_67] : memref<8x16x768xf32, #tpu.memory_space<vmem>> -> memref<1x16x768xf32, #tpu.memory_space<vmem>>
    %dma_start3A_69 = tpu.memref_squeeze %dma_start3A_68 : memref<1x16x768xf32, #tpu.memory_space<vmem>> -> memref<16x768xf32, #tpu.memory_space<vmem>>
    %dma_start3A_70 = arith.constant 48 : i32
    %dma_start3A_71 = tpu.memref_slice %arg6[%dma_start3A_70] : memref<1024xi32, #tpu.memory_space<vmem>> -> memref<16xi32, #tpu.memory_space<vmem>>
    %dma_start3A_72 = arith.constant 0 : i32
    %dma_start3A_73 = arith.constant 0 : i32
    %dma_start3A_74 = tpu.memref_slice %arg3[%dma_start3A_64, %dma_start3A_72, %dma_start3A_73] : memref<64x513x768xf32, #tpu.memory_space<hbm>> -> memref<1x513x768xf32, #tpu.memory_space<hbm>>
    %dma_start3A_75 = tpu.memref_squeeze %dma_start3A_74 : memref<1x513x768xf32, #tpu.memory_space<hbm>> -> memref<513x768xf32, #tpu.memory_space<hbm>>
    %dma_start3A_76 = arith.constant 0 : i32
    %dma_start3A_77 = arith.constant 0 : i32
    %dma_start3A_78 = tpu.memref_slice %dma_start3A_75[%dma_start3A_76, %dma_start3A_77] : memref<513x768xf32, #tpu.memory_space<hbm>> -> memref<513x768xf32, #tpu.memory_space<hbm>>
    tpu.enqueue_indirect_dma source(%dma_start3A_78 : memref<513x768xf32, #tpu.memory_space<hbm>>) target(%dma_start3A_69 : memref<16x768xf32, #tpu.memory_space<vmem>>) offsets(%dma_start3A_71 : memref<16xi32, #tpu.memory_space<vmem>>) semaphore(%arg12 : memref<!tpu.dma_semaphore, #tpu.memory_space<semaphore_mem>>)
    %dma_start3A_79 = arith.constant 4 : i32
    %dma_start3A_80 = arith.constant 4 : i32
    %dma_start3A_81 = arith.constant 0 : i32
    %dma_start3A_82 = arith.constant 0 : i32
    %dma_start3A_83 = tpu.memref_slice %arg7[%dma_start3A_80, %dma_start3A_81, %dma_start3A_82] : memref<8x16x768xf32, #tpu.memory_space<vmem>> -> memref<1x16x768xf32, #tpu.memory_space<vmem>>
    %dma_start3A_84 = tpu.memref_squeeze %dma_start3A_83 : memref<1x16x768xf32, #tpu.memory_space<vmem>> -> memref<16x768xf32, #tpu.memory_space<vmem>>
    %dma_start3A_85 = arith.constant 64 : i32
    %dma_start3A_86 = tpu.memref_slice %arg6[%dma_start3A_85] : memref<1024xi32, #tpu.memory_space<vmem>> -> memref<16xi32, #tpu.memory_space<vmem>>
    %dma_start3A_87 = arith.constant 0 : i32
    %dma_start3A_88 = arith.constant 0 : i32
    %dma_start3A_89 = tpu.memref_slice %arg3[%dma_start3A_79, %dma_start3A_87, %dma_start3A_88] : memref<64x513x768xf32, #tpu.memory_space<hbm>> -> memref<1x513x768xf32, #tpu.memory_space<hbm>>
    %dma_start3A_90 = tpu.memref_squeeze %dma_start3A_89 : memref<1x513x768xf32, #tpu.memory_space<hbm>> -> memref<513x768xf32, #tpu.memory_space<hbm>>
    %dma_start3A_91 = arith.constant 0 : i32
    %dma_start3A_92 = arith.constant 0 : i32
    %dma_start3A_93 = tpu.memref_slice %dma_start3A_90[%dma_start3A_91, %dma_start3A_92] : memref<513x768xf32, #tpu.memory_space<hbm>> -> memref<513x768xf32, #tpu.memory_space<hbm>>
    tpu.enqueue_indirect_dma source(%dma_start3A_93 : memref<513x768xf32, #tpu.memory_space<hbm>>) target(%dma_start3A_84 : memref<16x768xf32, #tpu.memory_space<vmem>>) offsets(%dma_start3A_86 : memref<16xi32, #tpu.memory_space<vmem>>) semaphore(%arg13 : memref<!tpu.dma_semaphore, #tpu.memory_space<semaphore_mem>>)
    %dma_start3A_94 = arith.constant 5 : i32
    %dma_start3A_95 = arith.constant 5 : i32
    %dma_start3A_96 = arith.constant 0 : i32
    %dma_start3A_97 = arith.constant 0 : i32
    %dma_start3A_98 = tpu.memref_slice %arg7[%dma_start3A_95, %dma_start3A_96, %dma_start3A_97] : memref<8x16x768xf32, #tpu.memory_space<vmem>> -> memref<1x16x768xf32, #tpu.memory_space<vmem>>
    %dma_start3A_99 = tpu.memref_squeeze %dma_start3A_98 : memref<1x16x768xf32, #tpu.memory_space<vmem>> -> memref<16x768xf32, #tpu.memory_space<vmem>>
    %dma_start3A_100 = arith.constant 80 : i32
    %dma_start3A_101 = tpu.memref_slice %arg6[%dma_start3A_100] : memref<1024xi32, #tpu.memory_space<vmem>> -> memref<16xi32, #tpu.memory_space<vmem>>
    %dma_start3A_102 = arith.constant 0 : i32
    %dma_start3A_103 = arith.constant 0 : i32
    %dma_start3A_104 = tpu.memref_slice %arg3[%dma_start3A_94, %dma_start3A_102, %dma_start3A_103] : memref<64x513x768xf32, #tpu.memory_space<hbm>> -> memref<1x513x768xf32, #tpu.memory_space<hbm>>
    %dma_start3A_105 = tpu.memref_squeeze %dma_start3A_104 : memref<1x513x768xf32, #tpu.memory_space<hbm>> -> memref<513x768xf32, #tpu.memory_space<hbm>>
    %dma_start3A_106 = arith.constant 0 : i32
    %dma_start3A_107 = arith.constant 0 : i32
    %dma_start3A_108 = tpu.memref_slice %dma_start3A_105[%dma_start3A_106, %dma_start3A_107] : memref<513x768xf32, #tpu.memory_space<hbm>> -> memref<513x768xf32, #tpu.memory_space<hbm>>
    tpu.enqueue_indirect_dma source(%dma_start3A_108 : memref<513x768xf32, #tpu.memory_space<hbm>>) target(%dma_start3A_99 : memref<16x768xf32, #tpu.memory_space<vmem>>) offsets(%dma_start3A_101 : memref<16xi32, #tpu.memory_space<vmem>>) semaphore(%arg14 : memref<!tpu.dma_semaphore, #tpu.memory_space<semaphore_mem>>)
    %dma_start3A_109 = arith.constant 6 : i32
    %dma_start3A_110 = arith.constant 6 : i32
    %dma_start3A_111 = arith.constant 0 : i32
    %dma_start3A_112 = arith.constant 0 : i32
    %dma_start3A_113 = tpu.memref_slice %arg7[%dma_start3A_110, %dma_start3A_111, %dma_start3A_112] : memref<8x16x768xf32, #tpu.memory_space<vmem>> -> memref<1x16x768xf32, #tpu.memory_space<vmem>>
    %dma_start3A_114 = tpu.memref_squeeze %dma_start3A_113 : memref<1x16x768xf32, #tpu.memory_space<vmem>> -> memref<16x768xf32, #tpu.memory_space<vmem>>
    %dma_start3A_115 = arith.constant 96 : i32
    %dma_start3A_116 = tpu.memref_slice %arg6[%dma_start3A_115] : memref<1024xi32, #tpu.memory_space<vmem>> -> memref<16xi32, #tpu.memory_space<vmem>>
    %dma_start3A_117 = arith.constant 0 : i32
    %dma_start3A_118 = arith.constant 0 : i32
    %dma_start3A_119 = tpu.memref_slice %arg3[%dma_start3A_109, %dma_start3A_117, %dma_start3A_118] : memref<64x513x768xf32, #tpu.memory_space<hbm>> -> memref<1x513x768xf32, #tpu.memory_space<hbm>>
    %dma_start3A_120 = tpu.memref_squeeze %dma_start3A_119 : memref<1x513x768xf32, #tpu.memory_space<hbm>> -> memref<513x768xf32, #tpu.memory_space<hbm>>
    %dma_start3A_121 = arith.constant 0 : i32
    %dma_start3A_122 = arith.constant 0 : i32
    %dma_start3A_123 = tpu.memref_slice %dma_start3A_120[%dma_start3A_121, %dma_start3A_122] : memref<513x768xf32, #tpu.memory_space<hbm>> -> memref<513x768xf32, #tpu.memory_space<hbm>>
    tpu.enqueue_indirect_dma source(%dma_start3A_123 : memref<513x768xf32, #tpu.memory_space<hbm>>) target(%dma_start3A_114 : memref<16x768xf32, #tpu.memory_space<vmem>>) offsets(%dma_start3A_116 : memref<16xi32, #tpu.memory_space<vmem>>) semaphore(%arg15 : memref<!tpu.dma_semaphore, #tpu.memory_space<semaphore_mem>>)
    %dma_start3A_124 = arith.constant 7 : i32
    %dma_start3A_125 = arith.constant 7 : i32
    %dma_start3A_126 = arith.constant 0 : i32
    %dma_start3A_127 = arith.constant 0 : i32
    %dma_start3A_128 = tpu.memref_slice %arg7[%dma_start3A_125, %dma_start3A_126, %dma_start3A_127] : memref<8x16x768xf32, #tpu.memory_space<vmem>> -> memref<1x16x768xf32, #tpu.memory_space<vmem>>
    %dma_start3A_129 = tpu.memref_squeeze %dma_start3A_128 : memref<1x16x768xf32, #tpu.memory_space<vmem>> -> memref<16x768xf32, #tpu.memory_space<vmem>>
    %dma_start3A_130 = arith.constant 112 : i32
    %dma_start3A_131 = tpu.memref_slice %arg6[%dma_start3A_130] : memref<1024xi32, #tpu.memory_space<vmem>> -> memref<16xi32, #tpu.memory_space<vmem>>
    %dma_start3A_132 = arith.constant 0 : i32
    %dma_start3A_133 = arith.constant 0 : i32
    %dma_start3A_134 = tpu.memref_slice %arg3[%dma_start3A_124, %dma_start3A_132, %dma_start3A_133] : memref<64x513x768xf32, #tpu.memory_space<hbm>> -> memref<1x513x768xf32, #tpu.memory_space<hbm>>
    %dma_start3A_135 = tpu.memref_squeeze %dma_start3A_134 : memref<1x513x768xf32, #tpu.memory_space<hbm>> -> memref<513x768xf32, #tpu.memory_space<hbm>>
    %dma_start3A_136 = arith.constant 0 : i32
    %dma_start3A_137 = arith.constant 0 : i32
    %dma_start3A_138 = tpu.memref_slice %dma_start3A_135[%dma_start3A_136, %dma_start3A_137] : memref<513x768xf32, #tpu.memory_space<hbm>> -> memref<513x768xf32, #tpu.memory_space<hbm>>
    tpu.enqueue_indirect_dma source(%dma_start3A_138 : memref<513x768xf32, #tpu.memory_space<hbm>>) target(%dma_start3A_129 : memref<16x768xf32, #tpu.memory_space<vmem>>) offsets(%dma_start3A_131 : memref<16xi32, #tpu.memory_space<vmem>>) semaphore(%arg16 : memref<!tpu.dma_semaphore, #tpu.memory_space<semaphore_mem>>)
    %scan3A_139 = arith.constant 0 : i32
    %scan3A_140 = arith.constant 0 : i32
    %scan3A_141 = arith.constant 8 : i32
    %scan3A_142 = arith.addi %scan3A_140, %scan3A_141 : i32
    %scan3A_143 = arith.constant 1 : i32
    %scan3A_144 = scf.for %scan3A_148 = %scan3A_140 to %scan3A_142 step %scan3A_143 iter_args(%scan3A_149 = %scan3A_139) -> (i32)  : i32 {
      %mul3A_150 = arith.constant 8 : i32
      %mul3A_151 = arith.muli %mul3A_150, %scan3A_148 : i32
      %add3A_152 = arith.constant 0 : i32
      %add3A_153 = arith.addi %mul3A_151, %add3A_152 : i32
      %add3A_154 = arith.constant 0 : i32
      %add3A_155 = arith.addi %add3A_153, %add3A_154 : i32
      %mul3A_156 = arith.constant 16 : i32
      %mul3A_157 = arith.muli %add3A_155, %mul3A_156 : i32
      %dma_wait3A = arith.constant 0 : i32
      %dma_wait3A_158 = arith.constant 0 : i32
      %dma_wait3A_159 = arith.constant 0 : i32
      %dma_wait3A_160 = tpu.memref_slice %arg7[%dma_wait3A, %dma_wait3A_158, %dma_wait3A_159] : memref<8x16x768xf32, #tpu.memory_space<vmem>> -> memref<1x16x768xf32, #tpu.memory_space<vmem>>
      %dma_wait3A_161 = tpu.memref_squeeze %dma_wait3A_160 : memref<1x16x768xf32, #tpu.memory_space<vmem>> -> memref<16x768xf32, #tpu.memory_space<vmem>>
      %dma_wait3A_162 = tpu.memref_slice %arg6[%mul3A_157] : memref<1024xi32, #tpu.memory_space<vmem>> -> memref<16xi32, #tpu.memory_space<vmem>>
      %dma_wait3A_163 = arith.constant 0 : i32
      %dma_wait3A_164 = arith.constant 0 : i32
      %dma_wait3A_165 = tpu.memref_slice %arg3[%add3A_155, %dma_wait3A_163, %dma_wait3A_164] : memref<64x513x768xf32, #tpu.memory_space<hbm>> -> memref<1x513x768xf32, #tpu.memory_space<hbm>>
      %dma_wait3A_166 = tpu.memref_squeeze %dma_wait3A_165 : memref<1x513x768xf32, #tpu.memory_space<hbm>> -> memref<513x768xf32, #tpu.memory_space<hbm>>
      %dma_wait3A_167 = arith.constant 0 : i32
      %dma_wait3A_168 = arith.constant 0 : i32
      %dma_wait3A_169 = tpu.memref_slice %dma_wait3A_166[%dma_wait3A_167, %dma_wait3A_168] : memref<513x768xf32, #tpu.memory_space<hbm>> -> memref<513x768xf32, #tpu.memory_space<hbm>>
      tpu.wait_indirect_dma semaphore(%arg9 : memref<!tpu.dma_semaphore, #tpu.memory_space<semaphore_mem>>) src(%dma_wait3A_169 : memref<513x768xf32, #tpu.memory_space<hbm>>) dst(%dma_wait3A_161 : memref<16x768xf32, #tpu.memory_space<vmem>>)
      %add3A_170 = arith.constant 1 : i32
      %add3A_171 = arith.addi %add3A_153, %add3A_170 : i32
      %mul3A_172 = arith.constant 16 : i32
      %mul3A_173 = arith.muli %add3A_171, %mul3A_172 : i32
      %dma_wait3A_174 = arith.constant 1 : i32
      %dma_wait3A_175 = arith.constant 0 : i32
      %dma_wait3A_176 = arith.constant 0 : i32
      %dma_wait3A_177 = tpu.memref_slice %arg7[%dma_wait3A_174, %dma_wait3A_175, %dma_wait3A_176] : memref<8x16x768xf32, #tpu.memory_space<vmem>> -> memref<1x16x768xf32, #tpu.memory_space<vmem>>
      %dma_wait3A_178 = tpu.memref_squeeze %dma_wait3A_177 : memref<1x16x768xf32, #tpu.memory_space<vmem>> -> memref<16x768xf32, #tpu.memory_space<vmem>>
      %dma_wait3A_179 = tpu.memref_slice %arg6[%mul3A_173] : memref<1024xi32, #tpu.memory_space<vmem>> -> memref<16xi32, #tpu.memory_space<vmem>>
      %dma_wait3A_180 = arith.constant 0 : i32
      %dma_wait3A_181 = arith.constant 0 : i32
      %dma_wait3A_182 = tpu.memref_slice %arg3[%add3A_171, %dma_wait3A_180, %dma_wait3A_181] : memref<64x513x768xf32, #tpu.memory_space<hbm>> -> memref<1x513x768xf32, #tpu.memory_space<hbm>>
      %dma_wait3A_183 = tpu.memref_squeeze %dma_wait3A_182 : memref<1x513x768xf32, #tpu.memory_space<hbm>> -> memref<513x768xf32, #tpu.memory_space<hbm>>
      %dma_wait3A_184 = arith.constant 0 : i32
      %dma_wait3A_185 = arith.constant 0 : i32
      %dma_wait3A_186 = tpu.memref_slice %dma_wait3A_183[%dma_wait3A_184, %dma_wait3A_185] : memref<513x768xf32, #tpu.memory_space<hbm>> -> memref<513x768xf32, #tpu.memory_space<hbm>>
      tpu.wait_indirect_dma semaphore(%arg10 : memref<!tpu.dma_semaphore, #tpu.memory_space<semaphore_mem>>) src(%dma_wait3A_186 : memref<513x768xf32, #tpu.memory_space<hbm>>) dst(%dma_wait3A_178 : memref<16x768xf32, #tpu.memory_space<vmem>>)
      %add3A_187 = arith.constant 2 : i32
      %add3A_188 = arith.addi %add3A_153, %add3A_187 : i32
      %mul3A_189 = arith.constant 16 : i32
      %mul3A_190 = arith.muli %add3A_188, %mul3A_189 : i32
      %dma_wait3A_191 = arith.constant 2 : i32
      %dma_wait3A_192 = arith.constant 0 : i32
      %dma_wait3A_193 = arith.constant 0 : i32
      %dma_wait3A_194 = tpu.memref_slice %arg7[%dma_wait3A_191, %dma_wait3A_192, %dma_wait3A_193] : memref<8x16x768xf32, #tpu.memory_space<vmem>> -> memref<1x16x768xf32, #tpu.memory_space<vmem>>
      %dma_wait3A_195 = tpu.memref_squeeze %dma_wait3A_194 : memref<1x16x768xf32, #tpu.memory_space<vmem>> -> memref<16x768xf32, #tpu.memory_space<vmem>>
      %dma_wait3A_196 = tpu.memref_slice %arg6[%mul3A_190] : memref<1024xi32, #tpu.memory_space<vmem>> -> memref<16xi32, #tpu.memory_space<vmem>>
      %dma_wait3A_197 = arith.constant 0 : i32
      %dma_wait3A_198 = arith.constant 0 : i32
      %dma_wait3A_199 = tpu.memref_slice %arg3[%add3A_188, %dma_wait3A_197, %dma_wait3A_198] : memref<64x513x768xf32, #tpu.memory_space<hbm>> -> memref<1x513x768xf32, #tpu.memory_space<hbm>>
      %dma_wait3A_200 = tpu.memref_squeeze %dma_wait3A_199 : memref<1x513x768xf32, #tpu.memory_space<hbm>> -> memref<513x768xf32, #tpu.memory_space<hbm>>
      %dma_wait3A_201 = arith.constant 0 : i32
      %dma_wait3A_202 = arith.constant 0 : i32
      %dma_wait3A_203 = tpu.memref_slice %dma_wait3A_200[%dma_wait3A_201, %dma_wait3A_202] : memref<513x768xf32, #tpu.memory_space<hbm>> -> memref<513x768xf32, #tpu.memory_space<hbm>>
      tpu.wait_indirect_dma semaphore(%arg11 : memref<!tpu.dma_semaphore, #tpu.memory_space<semaphore_mem>>) src(%dma_wait3A_203 : memref<513x768xf32, #tpu.memory_space<hbm>>) dst(%dma_wait3A_195 : memref<16x768xf32, #tpu.memory_space<vmem>>)
      %add3A_204 = arith.constant 3 : i32
      %add3A_205 = arith.addi %add3A_153, %add3A_204 : i32
      %mul3A_206 = arith.constant 16 : i32
      %mul3A_207 = arith.muli %add3A_205, %mul3A_206 : i32
      %dma_wait3A_208 = arith.constant 3 : i32
      %dma_wait3A_209 = arith.constant 0 : i32
      %dma_wait3A_210 = arith.constant 0 : i32
      %dma_wait3A_211 = tpu.memref_slice %arg7[%dma_wait3A_208, %dma_wait3A_209, %dma_wait3A_210] : memref<8x16x768xf32, #tpu.memory_space<vmem>> -> memref<1x16x768xf32, #tpu.memory_space<vmem>>
      %dma_wait3A_212 = tpu.memref_squeeze %dma_wait3A_211 : memref<1x16x768xf32, #tpu.memory_space<vmem>> -> memref<16x768xf32, #tpu.memory_space<vmem>>
      %dma_wait3A_213 = tpu.memref_slice %arg6[%mul3A_207] : memref<1024xi32, #tpu.memory_space<vmem>> -> memref<16xi32, #tpu.memory_space<vmem>>
      %dma_wait3A_214 = arith.constant 0 : i32
      %dma_wait3A_215 = arith.constant 0 : i32
      %dma_wait3A_216 = tpu.memref_slice %arg3[%add3A_205, %dma_wait3A_214, %dma_wait3A_215] : memref<64x513x768xf32, #tpu.memory_space<hbm>> -> memref<1x513x768xf32, #tpu.memory_space<hbm>>
      %dma_wait3A_217 = tpu.memref_squeeze %dma_wait3A_216 : memref<1x513x768xf32, #tpu.memory_space<hbm>> -> memref<513x768xf32, #tpu.memory_space<hbm>>
      %dma_wait3A_218 = arith.constant 0 : i32
      %dma_wait3A_219 = arith.constant 0 : i32
      %dma_wait3A_220 = tpu.memref_slice %dma_wait3A_217[%dma_wait3A_218, %dma_wait3A_219] : memref<513x768xf32, #tpu.memory_space<hbm>> -> memref<513x768xf32, #tpu.memory_space<hbm>>
      tpu.wait_indirect_dma semaphore(%arg12 : memref<!tpu.dma_semaphore, #tpu.memory_space<semaphore_mem>>) src(%dma_wait3A_220 : memref<513x768xf32, #tpu.memory_space<hbm>>) dst(%dma_wait3A_212 : memref<16x768xf32, #tpu.memory_space<vmem>>)
      %scan3A_221 = arith.constant 0 : i32
      %scan3A_222 = arith.constant 0 : i32
      %scan3A_223 = arith.constant 48 : i32
      %scan3A_224 = arith.addi %scan3A_222, %scan3A_223 : i32
      %scan3A_225 = arith.constant 1 : i32
      %scan3A_226 = scf.for %scan3A_375 = %scan3A_222 to %scan3A_224 step %scan3A_225 iter_args(%scan3A_376 = %scan3A_221) -> (i32)  : i32 {
        %mul3A_377 = arith.constant 16 : i32
        %mul3A_378 = arith.muli %scan3A_375, %mul3A_377 : i32
        %get3A = arith.constant 0 : i32
        %get3A_379 = arith.constant 0 : i32
        %get3A_380 = arith.index_cast %get3A : i32 to index
        %get3A_381 = arith.index_cast %get3A_379 : i32 to index
        %get3A_382 = arith.index_cast %mul3A_378 : i32 to index
        %get3A_383 = tpu.vector_load %arg7[%get3A_380, %get3A_381, %get3A_382] {strides = array<i32>} : memref<8x16x768xf32, #tpu.memory_space<vmem>>, vector<16xf32>,
        %get3A_384 = arith.constant 1 : i32
        %get3A_385 = arith.constant 0 : i32
        %get3A_386 = arith.index_cast %get3A_384 : i32 to index
        %get3A_387 = arith.index_cast %get3A_385 : i32 to index
        %get3A_388 = arith.index_cast %mul3A_378 : i32 to index
        %get3A_389 = tpu.vector_load %arg7[%get3A_386, %get3A_387, %get3A_388] {strides = array<i32>} : memref<8x16x768xf32, #tpu.memory_space<vmem>>, vector<16xf32>,
        %add3A_390 = arith.addf %get3A_383, %get3A_389 : vector<16xf32>
        %get3A_391 = arith.constant 2 : i32
        %get3A_392 = arith.constant 0 : i32
        %get3A_393 = arith.index_cast %get3A_391 : i32 to index
        %get3A_394 = arith.index_cast %get3A_392 : i32 to index
        %get3A_395 = arith.index_cast %mul3A_378 : i32 to index
        %get3A_396 = tpu.vector_load %arg7[%get3A_393, %get3A_394, %get3A_395] {strides = array<i32>} : memref<8x16x768xf32, #tpu.memory_space<vmem>>, vector<16xf32>,
        %get3A_397 = arith.constant 3 : i32
        %get3A_398 = arith.constant 0 : i32
        %get3A_399 = arith.index_cast %get3A_397 : i32 to index
        %get3A_400 = arith.index_cast %get3A_398 : i32 to index
        %get3A_401 = arith.index_cast %mul3A_378 : i32 to index
        %get3A_402 = tpu.vector_load %arg7[%get3A_399, %get3A_400, %get3A_401] {strides = array<i32>} : memref<8x16x768xf32, #tpu.memory_space<vmem>>, vector<16xf32>,
        %add3A_403 = arith.addf %get3A_396, %get3A_402 : vector<16xf32>
        %add3A_404 = arith.addf %add3A_390, %add3A_403 : vector<16xf32>
        %swap3A = arith.constant 0 : i32
        %swap3A_405 = arith.index_cast %swap3A : i32 to index
        %swap3A_406 = arith.index_cast %mul3A_378 : i32 to index
        %swap3A_407 = tpu.vector_load %arg8[%swap3A_405, %swap3A_406] {strides = array<i32>} : memref<16x768xf32, #tpu.memory_space<vmem>>, vector<16xf32>,
        tpu.vector_store %arg8[%swap3A_405, %swap3A_406], %add3A_404 {add = true, strides = array<i32>} : memref<16x768xf32, #tpu.memory_space<vmem>>, vector<16xf32>,
        %mul3A_408 = arith.constant 16 : i32
        %mul3A_409 = arith.muli %scan3A_375, %mul3A_408 : i32
        %get3A_410 = arith.constant 0 : i32
        %get3A_411 = arith.constant 1 : i32
        %get3A_412 = arith.index_cast %get3A_410 : i32 to index
        %get3A_413 = arith.index_cast %get3A_411 : i32 to index
        %get3A_414 = arith.index_cast %mul3A_409 : i32 to index
        %get3A_415 = tpu.vector_load %arg7[%get3A_412, %get3A_413, %get3A_414] {strides = array<i32>} : memref<8x16x768xf32, #tpu.memory_space<vmem>>, vector<16xf32>,
        %get3A_416 = arith.constant 1 : i32
        %get3A_417 = arith.constant 1 : i32
        %get3A_418 = arith.index_cast %get3A_416 : i32 to index
        %get3A_419 = arith.index_cast %get3A_417 : i32 to index
        %get3A_420 = arith.index_cast %mul3A_409 : i32 to index
        %get3A_421 = tpu.vector_load %arg7[%get3A_418, %get3A_419, %get3A_420] {strides = array<i32>} : memref<8x16x768xf32, #tpu.memory_space<vmem>>, vector<16xf32>,
        %add3A_422 = arith.addf %get3A_415, %get3A_421 : vector<16xf32>
        %get3A_423 = arith.constant 2 : i32
        %get3A_424 = arith.constant 1 : i32
        %get3A_425 = arith.index_cast %get3A_423 : i32 to index
        %get3A_426 = arith.index_cast %get3A_424 : i32 to index
        %get3A_427 = arith.index_cast %mul3A_409 : i32 to index
        %get3A_428 = tpu.vector_load %arg7[%get3A_425, %get3A_426, %get3A_427] {strides = array<i32>} : memref<8x16x768xf32, #tpu.memory_space<vmem>>, vector<16xf32>,
        %get3A_429 = arith.constant 3 : i32
        %get3A_430 = arith.constant 1 : i32
        %get3A_431 = arith.index_cast %get3A_429 : i32 to index
        %get3A_432 = arith.index_cast %get3A_430 : i32 to index
        %get3A_433 = arith.index_cast %mul3A_409 : i32 to index
        %get3A_434 = tpu.vector_load %arg7[%get3A_431, %get3A_432, %get3A_433] {strides = array<i32>} : memref<8x16x768xf32, #tpu.memory_space<vmem>>, vector<16xf32>,
        %add3A_435 = arith.addf %get3A_428, %get3A_434 : vector<16xf32>
        %add3A_436 = arith.addf %add3A_422, %add3A_435 : vector<16xf32>
        %swap3A_437 = arith.constant 1 : i32
        %swap3A_438 = arith.index_cast %swap3A_437 : i32 to index
        %swap3A_439 = arith.index_cast %mul3A_409 : i32 to index
        %swap3A_440 = tpu.vector_load %arg8[%swap3A_438, %swap3A_439] {strides = array<i32>} : memref<16x768xf32, #tpu.memory_space<vmem>>, vector<16xf32>,
        tpu.vector_store %arg8[%swap3A_438, %swap3A_439], %add3A_436 {add = true, strides = array<i32>} : memref<16x768xf32, #tpu.memory_space<vmem>>, vector<16xf32>,
        %mul3A_441 = arith.constant 16 : i32
        %mul3A_442 = arith.muli %scan3A_375, %mul3A_441 : i32
        %get3A_443 = arith.constant 0 : i32
        %get3A_444 = arith.constant 2 : i32
        %get3A_445 = arith.index_cast %get3A_443 : i32 to index
        %get3A_446 = arith.index_cast %get3A_444 : i32 to index
        %get3A_447 = arith.index_cast %mul3A_442 : i32 to index
        %get3A_448 = tpu.vector_load %arg7[%get3A_445, %get3A_446, %get3A_447] {strides = array<i32>} : memref<8x16x768xf32, #tpu.memory_space<vmem>>, vector<16xf32>,
        %get3A_449 = arith.constant 1 : i32
        %get3A_450 = arith.constant 2 : i32
        %get3A_451 = arith.index_cast %get3A_449 : i32 to index
        %get3A_452 = arith.index_cast %get3A_450 : i32 to index
        %get3A_453 = arith.index_cast %mul3A_442 : i32 to index
        %get3A_454 = tpu.vector_load %arg7[%get3A_451, %get3A_452, %get3A_453] {strides = array<i32>} : memref<8x16x768xf32, #tpu.memory_space<vmem>>, vector<16xf32>,
        %add3A_455 = arith.addf %get3A_448, %get3A_454 : vector<16xf32>
        %get3A_456 = arith.constant 2 : i32
        %get3A_457 = arith.constant 2 : i32
        %get3A_458 = arith.index_cast %get3A_456 : i32 to index
        %get3A_459 = arith.index_cast %get3A_457 : i32 to index
        %get3A_460 = arith.index_cast %mul3A_442 : i32 to index
        %get3A_461 = tpu.vector_load %arg7[%get3A_458, %get3A_459, %get3A_460] {strides = array<i32>} : memref<8x16x768xf32, #tpu.memory_space<vmem>>, vector<16xf32>,
        %get3A_462 = arith.constant 3 : i32
        %get3A_463 = arith.constant 2 : i32
        %get3A_464 = arith.index_cast %get3A_462 : i32 to index
        %get3A_465 = arith.index_cast %get3A_463 : i32 to index
        %get3A_466 = arith.index_cast %mul3A_442 : i32 to index
        %get3A_467 = tpu.vector_load %arg7[%get3A_464, %get3A_465, %get3A_466] {strides = array<i32>} : memref<8x16x768xf32, #tpu.memory_space<vmem>>, vector<16xf32>,
        %add3A_468 = arith.addf %get3A_461, %get3A_467 : vector<16xf32>
        %add3A_469 = arith.addf %add3A_455, %add3A_468 : vector<16xf32>
        %swap3A_470 = arith.constant 2 : i32
        %swap3A_471 = arith.index_cast %swap3A_470 : i32 to index
        %swap3A_472 = arith.index_cast %mul3A_442 : i32 to index
        %swap3A_473 = tpu.vector_load %arg8[%swap3A_471, %swap3A_472] {strides = array<i32>} : memref<16x768xf32, #tpu.memory_space<vmem>>, vector<16xf32>,
        tpu.vector_store %arg8[%swap3A_471, %swap3A_472], %add3A_469 {add = true, strides = array<i32>} : memref<16x768xf32, #tpu.memory_space<vmem>>, vector<16xf32>,
        %mul3A_474 = arith.constant 16 : i32
        %mul3A_475 = arith.muli %scan3A_375, %mul3A_474 : i32
        %get3A_476 = arith.constant 0 : i32
        %get3A_477 = arith.constant 3 : i32
        %get3A_478 = arith.index_cast %get3A_476 : i32 to index
        %get3A_479 = arith.index_cast %get3A_477 : i32 to index
        %get3A_480 = arith.index_cast %mul3A_475 : i32 to index
        %get3A_481 = tpu.vector_load %arg7[%get3A_478, %get3A_479, %get3A_480] {strides = array<i32>} : memref<8x16x768xf32, #tpu.memory_space<vmem>>, vector<16xf32>,
        %get3A_482 = arith.constant 1 : i32
        %get3A_483 = arith.constant 3 : i32
        %get3A_484 = arith.index_cast %get3A_482 : i32 to index
        %get3A_485 = arith.index_cast %get3A_483 : i32 to index
        %get3A_486 = arith.index_cast %mul3A_475 : i32 to index
        %get3A_487 = tpu.vector_load %arg7[%get3A_484, %get3A_485, %get3A_486] {strides = array<i32>} : memref<8x16x768xf32, #tpu.memory_space<vmem>>, vector<16xf32>,
        %add3A_488 = arith.addf %get3A_481, %get3A_487 : vector<16xf32>
        %get3A_489 = arith.constant 2 : i32
        %get3A_490 = arith.constant 3 : i32
        %get3A_491 = arith.index_cast %get3A_489 : i32 to index
        %get3A_492 = arith.index_cast %get3A_490 : i32 to index
        %get3A_493 = arith.index_cast %mul3A_475 : i32 to index
        %get3A_494 = tpu.vector_load %arg7[%get3A_491, %get3A_492, %get3A_493] {strides = array<i32>} : memref<8x16x768xf32, #tpu.memory_space<vmem>>, vector<16xf32>,
        %get3A_495 = arith.constant 3 : i32
        %get3A_496 = arith.constant 3 : i32
        %get3A_497 = arith.index_cast %get3A_495 : i32 to index
        %get3A_498 = arith.index_cast %get3A_496 : i32 to index
        %get3A_499 = arith.index_cast %mul3A_475 : i32 to index
        %get3A_500 = tpu.vector_load %arg7[%get3A_497, %get3A_498, %get3A_499] {strides = array<i32>} : memref<8x16x768xf32, #tpu.memory_space<vmem>>, vector<16xf32>,
        %add3A_501 = arith.addf %get3A_494, %get3A_500 : vector<16xf32>
        %add3A_502 = arith.addf %add3A_488, %add3A_501 : vector<16xf32>
        %swap3A_503 = arith.constant 3 : i32
        %swap3A_504 = arith.index_cast %swap3A_503 : i32 to index
        %swap3A_505 = arith.index_cast %mul3A_475 : i32 to index
        %swap3A_506 = tpu.vector_load %arg8[%swap3A_504, %swap3A_505] {strides = array<i32>} : memref<16x768xf32, #tpu.memory_space<vmem>>, vector<16xf32>,
        tpu.vector_store %arg8[%swap3A_504, %swap3A_505], %add3A_502 {add = true, strides = array<i32>} : memref<16x768xf32, #tpu.memory_space<vmem>>, vector<16xf32>,
        %mul3A_507 = arith.constant 16 : i32
        %mul3A_508 = arith.muli %scan3A_375, %mul3A_507 : i32
        %get3A_509 = arith.constant 0 : i32
        %get3A_510 = arith.constant 4 : i32
        %get3A_511 = arith.index_cast %get3A_509 : i32 to index
        %get3A_512 = arith.index_cast %get3A_510 : i32 to index
        %get3A_513 = arith.index_cast %mul3A_508 : i32 to index
        %get3A_514 = tpu.vector_load %arg7[%get3A_511, %get3A_512, %get3A_513] {strides = array<i32>} : memref<8x16x768xf32, #tpu.memory_space<vmem>>, vector<16xf32>,
        %get3A_515 = arith.constant 1 : i32
        %get3A_516 = arith.constant 4 : i32
        %get3A_517 = arith.index_cast %get3A_515 : i32 to index
        %get3A_518 = arith.index_cast %get3A_516 : i32 to index
        %get3A_519 = arith.index_cast %mul3A_508 : i32 to index
        %get3A_520 = tpu.vector_load %arg7[%get3A_517, %get3A_518, %get3A_519] {strides = array<i32>} : memref<8x16x768xf32, #tpu.memory_space<vmem>>, vector<16xf32>,
        %add3A_521 = arith.addf %get3A_514, %get3A_520 : vector<16xf32>
        %get3A_522 = arith.constant 2 : i32
        %get3A_523 = arith.constant 4 : i32
        %get3A_524 = arith.index_cast %get3A_522 : i32 to index
        %get3A_525 = arith.index_cast %get3A_523 : i32 to index
        %get3A_526 = arith.index_cast %mul3A_508 : i32 to index
        %get3A_527 = tpu.vector_load %arg7[%get3A_524, %get3A_525, %get3A_526] {strides = array<i32>} : memref<8x16x768xf32, #tpu.memory_space<vmem>>, vector<16xf32>,
        %get3A_528 = arith.constant 3 : i32
        %get3A_529 = arith.constant 4 : i32
        %get3A_530 = arith.index_cast %get3A_528 : i32 to index
        %get3A_531 = arith.index_cast %get3A_529 : i32 to index
        %get3A_532 = arith.index_cast %mul3A_508 : i32 to index
        %get3A_533 = tpu.vector_load %arg7[%get3A_530, %get3A_531, %get3A_532] {strides = array<i32>} : memref<8x16x768xf32, #tpu.memory_space<vmem>>, vector<16xf32>,
        %add3A_534 = arith.addf %get3A_527, %get3A_533 : vector<16xf32>
        %add3A_535 = arith.addf %add3A_521, %add3A_534 : vector<16xf32>
        %swap3A_536 = arith.constant 4 : i32
        %swap3A_537 = arith.index_cast %swap3A_536 : i32 to index
        %swap3A_538 = arith.index_cast %mul3A_508 : i32 to index
        %swap3A_539 = tpu.vector_load %arg8[%swap3A_537, %swap3A_538] {strides = array<i32>} : memref<16x768xf32, #tpu.memory_space<vmem>>, vector<16xf32>,
        tpu.vector_store %arg8[%swap3A_537, %swap3A_538], %add3A_535 {add = true, strides = array<i32>} : memref<16x768xf32, #tpu.memory_space<vmem>>, vector<16xf32>,
        %mul3A_540 = arith.constant 16 : i32
        %mul3A_541 = arith.muli %scan3A_375, %mul3A_540 : i32
        %get3A_542 = arith.constant 0 : i32
        %get3A_543 = arith.constant 5 : i32
        %get3A_544 = arith.index_cast %get3A_542 : i32 to index
        %get3A_545 = arith.index_cast %get3A_543 : i32 to index
        %get3A_546 = arith.index_cast %mul3A_541 : i32 to index
        %get3A_547 = tpu.vector_load %arg7[%get3A_544, %get3A_545, %get3A_546] {strides = array<i32>} : memref<8x16x768xf32, #tpu.memory_space<vmem>>, vector<16xf32>,
        %get3A_548 = arith.constant 1 : i32
        %get3A_549 = arith.constant 5 : i32
        %get3A_550 = arith.index_cast %get3A_548 : i32 to index
        %get3A_551 = arith.index_cast %get3A_549 : i32 to index
        %get3A_552 = arith.index_cast %mul3A_541 : i32 to index
        %get3A_553 = tpu.vector_load %arg7[%get3A_550, %get3A_551, %get3A_552] {strides = array<i32>} : memref<8x16x768xf32, #tpu.memory_space<vmem>>, vector<16xf32>,
        %add3A_554 = arith.addf %get3A_547, %get3A_553 : vector<16xf32>
        %get3A_555 = arith.constant 2 : i32
        %get3A_556 = arith.constant 5 : i32
        %get3A_557 = arith.index_cast %get3A_555 : i32 to index
        %get3A_558 = arith.index_cast %get3A_556 : i32 to index
        %get3A_559 = arith.index_cast %mul3A_541 : i32 to index
        %get3A_560 = tpu.vector_load %arg7[%get3A_557, %get3A_558, %get3A_559] {strides = array<i32>} : memref<8x16x768xf32, #tpu.memory_space<vmem>>, vector<16xf32>,
        %get3A_561 = arith.constant 3 : i32
        %get3A_562 = arith.constant 5 : i32
        %get3A_563 = arith.index_cast %get3A_561 : i32 to index
        %get3A_564 = arith.index_cast %get3A_562 : i32 to index
        %get3A_565 = arith.index_cast %mul3A_541 : i32 to index
        %get3A_566 = tpu.vector_load %arg7[%get3A_563, %get3A_564, %get3A_565] {strides = array<i32>} : memref<8x16x768xf32, #tpu.memory_space<vmem>>, vector<16xf32>,
        %add3A_567 = arith.addf %get3A_560, %get3A_566 : vector<16xf32>
        %add3A_568 = arith.addf %add3A_554, %add3A_567 : vector<16xf32>
        %swap3A_569 = arith.constant 5 : i32
        %swap3A_570 = arith.index_cast %swap3A_569 : i32 to index
        %swap3A_571 = arith.index_cast %mul3A_541 : i32 to index
        %swap3A_572 = tpu.vector_load %arg8[%swap3A_570, %swap3A_571] {strides = array<i32>} : memref<16x768xf32, #tpu.memory_space<vmem>>, vector<16xf32>,
        tpu.vector_store %arg8[%swap3A_570, %swap3A_571], %add3A_568 {add = true, strides = array<i32>} : memref<16x768xf32, #tpu.memory_space<vmem>>, vector<16xf32>,
        %mul3A_573 = arith.constant 16 : i32
        %mul3A_574 = arith.muli %scan3A_375, %mul3A_573 : i32
        %get3A_575 = arith.constant 0 : i32
        %get3A_576 = arith.constant 6 : i32
        %get3A_577 = arith.index_cast %get3A_575 : i32 to index
        %get3A_578 = arith.index_cast %get3A_576 : i32 to index
        %get3A_579 = arith.index_cast %mul3A_574 : i32 to index
        %get3A_580 = tpu.vector_load %arg7[%get3A_577, %get3A_578, %get3A_579] {strides = array<i32>} : memref<8x16x768xf32, #tpu.memory_space<vmem>>, vector<16xf32>,
        %get3A_581 = arith.constant 1 : i32
        %get3A_582 = arith.constant 6 : i32
        %get3A_583 = arith.index_cast %get3A_581 : i32 to index
        %get3A_584 = arith.index_cast %get3A_582 : i32 to index
        %get3A_585 = arith.index_cast %mul3A_574 : i32 to index
        %get3A_586 = tpu.vector_load %arg7[%get3A_583, %get3A_584, %get3A_585] {strides = array<i32>} : memref<8x16x768xf32, #tpu.memory_space<vmem>>, vector<16xf32>,
        %add3A_587 = arith.addf %get3A_580, %get3A_586 : vector<16xf32>
        %get3A_588 = arith.constant 2 : i32
        %get3A_589 = arith.constant 6 : i32
        %get3A_590 = arith.index_cast %get3A_588 : i32 to index
        %get3A_591 = arith.index_cast %get3A_589 : i32 to index
        %get3A_592 = arith.index_cast %mul3A_574 : i32 to index
        %get3A_593 = tpu.vector_load %arg7[%get3A_590, %get3A_591, %get3A_592] {strides = array<i32>} : memref<8x16x768xf32, #tpu.memory_space<vmem>>, vector<16xf32>,
        %get3A_594 = arith.constant 3 : i32
        %get3A_595 = arith.constant 6 : i32
        %get3A_596 = arith.index_cast %get3A_594 : i32 to index
        %get3A_597 = arith.index_cast %get3A_595 : i32 to index
        %get3A_598 = arith.index_cast %mul3A_574 : i32 to index
        %get3A_599 = tpu.vector_load %arg7[%get3A_596, %get3A_597, %get3A_598] {strides = array<i32>} : memref<8x16x768xf32, #tpu.memory_space<vmem>>, vector<16xf32>,
        %add3A_600 = arith.addf %get3A_593, %get3A_599 : vector<16xf32>
        %add3A_601 = arith.addf %add3A_587, %add3A_600 : vector<16xf32>
        %swap3A_602 = arith.constant 6 : i32
        %swap3A_603 = arith.index_cast %swap3A_602 : i32 to index
        %swap3A_604 = arith.index_cast %mul3A_574 : i32 to index
        %swap3A_605 = tpu.vector_load %arg8[%swap3A_603, %swap3A_604] {strides = array<i32>} : memref<16x768xf32, #tpu.memory_space<vmem>>, vector<16xf32>,
        tpu.vector_store %arg8[%swap3A_603, %swap3A_604], %add3A_601 {add = true, strides = array<i32>} : memref<16x768xf32, #tpu.memory_space<vmem>>, vector<16xf32>,
        %mul3A_606 = arith.constant 16 : i32
        %mul3A_607 = arith.muli %scan3A_375, %mul3A_606 : i32
        %get3A_608 = arith.constant 0 : i32
        %get3A_609 = arith.constant 7 : i32
        %get3A_610 = arith.index_cast %get3A_608 : i32 to index
        %get3A_611 = arith.index_cast %get3A_609 : i32 to index
        %get3A_612 = arith.index_cast %mul3A_607 : i32 to index
        %get3A_613 = tpu.vector_load %arg7[%get3A_610, %get3A_611, %get3A_612] {strides = array<i32>} : memref<8x16x768xf32, #tpu.memory_space<vmem>>, vector<16xf32>,
        %get3A_614 = arith.constant 1 : i32
        %get3A_615 = arith.constant 7 : i32
        %get3A_616 = arith.index_cast %get3A_614 : i32 to index
        %get3A_617 = arith.index_cast %get3A_615 : i32 to index
        %get3A_618 = arith.index_cast %mul3A_607 : i32 to index
        %get3A_619 = tpu.vector_load %arg7[%get3A_616, %get3A_617, %get3A_618] {strides = array<i32>} : memref<8x16x768xf32, #tpu.memory_space<vmem>>, vector<16xf32>,
        %add3A_620 = arith.addf %get3A_613, %get3A_619 : vector<16xf32>
        %get3A_621 = arith.constant 2 : i32
        %get3A_622 = arith.constant 7 : i32
        %get3A_623 = arith.index_cast %get3A_621 : i32 to index
        %get3A_624 = arith.index_cast %get3A_622 : i32 to index
        %get3A_625 = arith.index_cast %mul3A_607 : i32 to index
        %get3A_626 = tpu.vector_load %arg7[%get3A_623, %get3A_624, %get3A_625] {strides = array<i32>} : memref<8x16x768xf32, #tpu.memory_space<vmem>>, vector<16xf32>,
        %get3A_627 = arith.constant 3 : i32
        %get3A_628 = arith.constant 7 : i32
        %get3A_629 = arith.index_cast %get3A_627 : i32 to index
        %get3A_630 = arith.index_cast %get3A_628 : i32 to index
        %get3A_631 = arith.index_cast %mul3A_607 : i32 to index
        %get3A_632 = tpu.vector_load %arg7[%get3A_629, %get3A_630, %get3A_631] {strides = array<i32>} : memref<8x16x768xf32, #tpu.memory_space<vmem>>, vector<16xf32>,
        %add3A_633 = arith.addf %get3A_626, %get3A_632 : vector<16xf32>
        %add3A_634 = arith.addf %add3A_620, %add3A_633 : vector<16xf32>
        %swap3A_635 = arith.constant 7 : i32
        %swap3A_636 = arith.index_cast %swap3A_635 : i32 to index
        %swap3A_637 = arith.index_cast %mul3A_607 : i32 to index
        %swap3A_638 = tpu.vector_load %arg8[%swap3A_636, %swap3A_637] {strides = array<i32>} : memref<16x768xf32, #tpu.memory_space<vmem>>, vector<16xf32>,
        tpu.vector_store %arg8[%swap3A_636, %swap3A_637], %add3A_634 {add = true, strides = array<i32>} : memref<16x768xf32, #tpu.memory_space<vmem>>, vector<16xf32>,
        %mul3A_639 = arith.constant 16 : i32
        %mul3A_640 = arith.muli %scan3A_375, %mul3A_639 : i32
        %get3A_641 = arith.constant 0 : i32
        %get3A_642 = arith.constant 8 : i32
        %get3A_643 = arith.index_cast %get3A_641 : i32 to index
        %get3A_644 = arith.index_cast %get3A_642 : i32 to index
        %get3A_645 = arith.index_cast %mul3A_640 : i32 to index
        %get3A_646 = tpu.vector_load %arg7[%get3A_643, %get3A_644, %get3A_645] {strides = array<i32>} : memref<8x16x768xf32, #tpu.memory_space<vmem>>, vector<16xf32>,
        %get3A_647 = arith.constant 1 : i32
        %get3A_648 = arith.constant 8 : i32
        %get3A_649 = arith.index_cast %get3A_647 : i32 to index
        %get3A_650 = arith.index_cast %get3A_648 : i32 to index
        %get3A_651 = arith.index_cast %mul3A_640 : i32 to index
        %get3A_652 = tpu.vector_load %arg7[%get3A_649, %get3A_650, %get3A_651] {strides = array<i32>} : memref<8x16x768xf32, #tpu.memory_space<vmem>>, vector<16xf32>,
        %add3A_653 = arith.addf %get3A_646, %get3A_652 : vector<16xf32>
        %get3A_654 = arith.constant 2 : i32
        %get3A_655 = arith.constant 8 : i32
        %get3A_656 = arith.index_cast %get3A_654 : i32 to index
        %get3A_657 = arith.index_cast %get3A_655 : i32 to index
        %get3A_658 = arith.index_cast %mul3A_640 : i32 to index
        %get3A_659 = tpu.vector_load %arg7[%get3A_656, %get3A_657, %get3A_658] {strides = array<i32>} : memref<8x16x768xf32, #tpu.memory_space<vmem>>, vector<16xf32>,
        %get3A_660 = arith.constant 3 : i32
        %get3A_661 = arith.constant 8 : i32
        %get3A_662 = arith.index_cast %get3A_660 : i32 to index
        %get3A_663 = arith.index_cast %get3A_661 : i32 to index
        %get3A_664 = arith.index_cast %mul3A_640 : i32 to index
        %get3A_665 = tpu.vector_load %arg7[%get3A_662, %get3A_663, %get3A_664] {strides = array<i32>} : memref<8x16x768xf32, #tpu.memory_space<vmem>>, vector<16xf32>,
        %add3A_666 = arith.addf %get3A_659, %get3A_665 : vector<16xf32>
        %add3A_667 = arith.addf %add3A_653, %add3A_666 : vector<16xf32>
        %swap3A_668 = arith.constant 8 : i32
        %swap3A_669 = arith.index_cast %swap3A_668 : i32 to index
        %swap3A_670 = arith.index_cast %mul3A_640 : i32 to index
        %swap3A_671 = tpu.vector_load %arg8[%swap3A_669, %swap3A_670] {strides = array<i32>} : memref<16x768xf32, #tpu.memory_space<vmem>>, vector<16xf32>,
        tpu.vector_store %arg8[%swap3A_669, %swap3A_670], %add3A_667 {add = true, strides = array<i32>} : memref<16x768xf32, #tpu.memory_space<vmem>>, vector<16xf32>,
        %mul3A_672 = arith.constant 16 : i32
        %mul3A_673 = arith.muli %scan3A_375, %mul3A_672 : i32
        %get3A_674 = arith.constant 0 : i32
        %get3A_675 = arith.constant 9 : i32
        %get3A_676 = arith.index_cast %get3A_674 : i32 to index
        %get3A_677 = arith.index_cast %get3A_675 : i32 to index
        %get3A_678 = arith.index_cast %mul3A_673 : i32 to index
        %get3A_679 = tpu.vector_load %arg7[%get3A_676, %get3A_677, %get3A_678] {strides = array<i32>} : memref<8x16x768xf32, #tpu.memory_space<vmem>>, vector<16xf32>,
        %get3A_680 = arith.constant 1 : i32
        %get3A_681 = arith.constant 9 : i32
        %get3A_682 = arith.index_cast %get3A_680 : i32 to index
        %get3A_683 = arith.index_cast %get3A_681 : i32 to index
        %get3A_684 = arith.index_cast %mul3A_673 : i32 to index
        %get3A_685 = tpu.vector_load %arg7[%get3A_682, %get3A_683, %get3A_684] {strides = array<i32>} : memref<8x16x768xf32, #tpu.memory_space<vmem>>, vector<16xf32>,
        %add3A_686 = arith.addf %get3A_679, %get3A_685 : vector<16xf32>
        %get3A_687 = arith.constant 2 : i32
        %get3A_688 = arith.constant 9 : i32
        %get3A_689 = arith.index_cast %get3A_687 : i32 to index
        %get3A_690 = arith.index_cast %get3A_688 : i32 to index
        %get3A_691 = arith.index_cast %mul3A_673 : i32 to index
        %get3A_692 = tpu.vector_load %arg7[%get3A_689, %get3A_690, %get3A_691] {strides = array<i32>} : memref<8x16x768xf32, #tpu.memory_space<vmem>>, vector<16xf32>,
        %get3A_693 = arith.constant 3 : i32
        %get3A_694 = arith.constant 9 : i32
        %get3A_695 = arith.index_cast %get3A_693 : i32 to index
        %get3A_696 = arith.index_cast %get3A_694 : i32 to index
        %get3A_697 = arith.index_cast %mul3A_673 : i32 to index
        %get3A_698 = tpu.vector_load %arg7[%get3A_695, %get3A_696, %get3A_697] {strides = array<i32>} : memref<8x16x768xf32, #tpu.memory_space<vmem>>, vector<16xf32>,
        %add3A_699 = arith.addf %get3A_692, %get3A_698 : vector<16xf32>
        %add3A_700 = arith.addf %add3A_686, %add3A_699 : vector<16xf32>
        %swap3A_701 = arith.constant 9 : i32
        %swap3A_702 = arith.index_cast %swap3A_701 : i32 to index
        %swap3A_703 = arith.index_cast %mul3A_673 : i32 to index
        %swap3A_704 = tpu.vector_load %arg8[%swap3A_702, %swap3A_703] {strides = array<i32>} : memref<16x768xf32, #tpu.memory_space<vmem>>, vector<16xf32>,
        tpu.vector_store %arg8[%swap3A_702, %swap3A_703], %add3A_700 {add = true, strides = array<i32>} : memref<16x768xf32, #tpu.memory_space<vmem>>, vector<16xf32>,
        %mul3A_705 = arith.constant 16 : i32
        %mul3A_706 = arith.muli %scan3A_375, %mul3A_705 : i32
        %get3A_707 = arith.constant 0 : i32
        %get3A_708 = arith.constant 10 : i32
        %get3A_709 = arith.index_cast %get3A_707 : i32 to index
        %get3A_710 = arith.index_cast %get3A_708 : i32 to index
        %get3A_711 = arith.index_cast %mul3A_706 : i32 to index
        %get3A_712 = tpu.vector_load %arg7[%get3A_709, %get3A_710, %get3A_711] {strides = array<i32>} : memref<8x16x768xf32, #tpu.memory_space<vmem>>, vector<16xf32>,
        %get3A_713 = arith.constant 1 : i32
        %get3A_714 = arith.constant 10 : i32
        %get3A_715 = arith.index_cast %get3A_713 : i32 to index
        %get3A_716 = arith.index_cast %get3A_714 : i32 to index
        %get3A_717 = arith.index_cast %mul3A_706 : i32 to index
        %get3A_718 = tpu.vector_load %arg7[%get3A_715, %get3A_716, %get3A_717] {strides = array<i32>} : memref<8x16x768xf32, #tpu.memory_space<vmem>>, vector<16xf32>,
        %add3A_719 = arith.addf %get3A_712, %get3A_718 : vector<16xf32>
        %get3A_720 = arith.constant 2 : i32
        %get3A_721 = arith.constant 10 : i32
        %get3A_722 = arith.index_cast %get3A_720 : i32 to index
        %get3A_723 = arith.index_cast %get3A_721 : i32 to index
        %get3A_724 = arith.index_cast %mul3A_706 : i32 to index
        %get3A_725 = tpu.vector_load %arg7[%get3A_722, %get3A_723, %get3A_724] {strides = array<i32>} : memref<8x16x768xf32, #tpu.memory_space<vmem>>, vector<16xf32>,
        %get3A_726 = arith.constant 3 : i32
        %get3A_727 = arith.constant 10 : i32
        %get3A_728 = arith.index_cast %get3A_726 : i32 to index
        %get3A_729 = arith.index_cast %get3A_727 : i32 to index
        %get3A_730 = arith.index_cast %mul3A_706 : i32 to index
        %get3A_731 = tpu.vector_load %arg7[%get3A_728, %get3A_729, %get3A_730] {strides = array<i32>} : memref<8x16x768xf32, #tpu.memory_space<vmem>>, vector<16xf32>,
        %add3A_732 = arith.addf %get3A_725, %get3A_731 : vector<16xf32>
        %add3A_733 = arith.addf %add3A_719, %add3A_732 : vector<16xf32>
        %swap3A_734 = arith.constant 10 : i32
        %swap3A_735 = arith.index_cast %swap3A_734 : i32 to index
        %swap3A_736 = arith.index_cast %mul3A_706 : i32 to index
        %swap3A_737 = tpu.vector_load %arg8[%swap3A_735, %swap3A_736] {strides = array<i32>} : memref<16x768xf32, #tpu.memory_space<vmem>>, vector<16xf32>,
        tpu.vector_store %arg8[%swap3A_735, %swap3A_736], %add3A_733 {add = true, strides = array<i32>} : memref<16x768xf32, #tpu.memory_space<vmem>>, vector<16xf32>,
        %mul3A_738 = arith.constant 16 : i32
        %mul3A_739 = arith.muli %scan3A_375, %mul3A_738 : i32
        %get3A_740 = arith.constant 0 : i32
        %get3A_741 = arith.constant 11 : i32
        %get3A_742 = arith.index_cast %get3A_740 : i32 to index
        %get3A_743 = arith.index_cast %get3A_741 : i32 to index
        %get3A_744 = arith.index_cast %mul3A_739 : i32 to index
        %get3A_745 = tpu.vector_load %arg7[%get3A_742, %get3A_743, %get3A_744] {strides = array<i32>} : memref<8x16x768xf32, #tpu.memory_space<vmem>>, vector<16xf32>,
        %get3A_746 = arith.constant 1 : i32
        %get3A_747 = arith.constant 11 : i32
        %get3A_748 = arith.index_cast %get3A_746 : i32 to index
        %get3A_749 = arith.index_cast %get3A_747 : i32 to index
        %get3A_750 = arith.index_cast %mul3A_739 : i32 to index
        %get3A_751 = tpu.vector_load %arg7[%get3A_748, %get3A_749, %get3A_750] {strides = array<i32>} : memref<8x16x768xf32, #tpu.memory_space<vmem>>, vector<16xf32>,
        %add3A_752 = arith.addf %get3A_745, %get3A_751 : vector<16xf32>
        %get3A_753 = arith.constant 2 : i32
        %get3A_754 = arith.constant 11 : i32
        %get3A_755 = arith.index_cast %get3A_753 : i32 to index
        %get3A_756 = arith.index_cast %get3A_754 : i32 to index
        %get3A_757 = arith.index_cast %mul3A_739 : i32 to index
        %get3A_758 = tpu.vector_load %arg7[%get3A_755, %get3A_756, %get3A_757] {strides = array<i32>} : memref<8x16x768xf32, #tpu.memory_space<vmem>>, vector<16xf32>,
        %get3A_759 = arith.constant 3 : i32
        %get3A_760 = arith.constant 11 : i32
        %get3A_761 = arith.index_cast %get3A_759 : i32 to index
        %get3A_762 = arith.index_cast %get3A_760 : i32 to index
        %get3A_763 = arith.index_cast %mul3A_739 : i32 to index
        %get3A_764 = tpu.vector_load %arg7[%get3A_761, %get3A_762, %get3A_763] {strides = array<i32>} : memref<8x16x768xf32, #tpu.memory_space<vmem>>, vector<16xf32>,
        %add3A_765 = arith.addf %get3A_758, %get3A_764 : vector<16xf32>
        %add3A_766 = arith.addf %add3A_752, %add3A_765 : vector<16xf32>
        %swap3A_767 = arith.constant 11 : i32
        %swap3A_768 = arith.index_cast %swap3A_767 : i32 to index
        %swap3A_769 = arith.index_cast %mul3A_739 : i32 to index
        %swap3A_770 = tpu.vector_load %arg8[%swap3A_768, %swap3A_769] {strides = array<i32>} : memref<16x768xf32, #tpu.memory_space<vmem>>, vector<16xf32>,
        tpu.vector_store %arg8[%swap3A_768, %swap3A_769], %add3A_766 {add = true, strides = array<i32>} : memref<16x768xf32, #tpu.memory_space<vmem>>, vector<16xf32>,
        %mul3A_771 = arith.constant 16 : i32
        %mul3A_772 = arith.muli %scan3A_375, %mul3A_771 : i32
        %get3A_773 = arith.constant 0 : i32
        %get3A_774 = arith.constant 12 : i32
        %get3A_775 = arith.index_cast %get3A_773 : i32 to index
        %get3A_776 = arith.index_cast %get3A_774 : i32 to index
        %get3A_777 = arith.index_cast %mul3A_772 : i32 to index
        %get3A_778 = tpu.vector_load %arg7[%get3A_775, %get3A_776, %get3A_777] {strides = array<i32>} : memref<8x16x768xf32, #tpu.memory_space<vmem>>, vector<16xf32>,
        %get3A_779 = arith.constant 1 : i32
        %get3A_780 = arith.constant 12 : i32
        %get3A_781 = arith.index_cast %get3A_779 : i32 to index
        %get3A_782 = arith.index_cast %get3A_780 : i32 to index
        %get3A_783 = arith.index_cast %mul3A_772 : i32 to index
        %get3A_784 = tpu.vector_load %arg7[%get3A_781, %get3A_782, %get3A_783] {strides = array<i32>} : memref<8x16x768xf32, #tpu.memory_space<vmem>>, vector<16xf32>,
        %add3A_785 = arith.addf %get3A_778, %get3A_784 : vector<16xf32>
        %get3A_786 = arith.constant 2 : i32
        %get3A_787 = arith.constant 12 : i32
        %get3A_788 = arith.index_cast %get3A_786 : i32 to index
        %get3A_789 = arith.index_cast %get3A_787 : i32 to index
        %get3A_790 = arith.index_cast %mul3A_772 : i32 to index
        %get3A_791 = tpu.vector_load %arg7[%get3A_788, %get3A_789, %get3A_790] {strides = array<i32>} : memref<8x16x768xf32, #tpu.memory_space<vmem>>, vector<16xf32>,
        %get3A_792 = arith.constant 3 : i32
        %get3A_793 = arith.constant 12 : i32
        %get3A_794 = arith.index_cast %get3A_792 : i32 to index
        %get3A_795 = arith.index_cast %get3A_793 : i32 to index
        %get3A_796 = arith.index_cast %mul3A_772 : i32 to index
        %get3A_797 = tpu.vector_load %arg7[%get3A_794, %get3A_795, %get3A_796] {strides = array<i32>} : memref<8x16x768xf32, #tpu.memory_space<vmem>>, vector<16xf32>,
        %add3A_798 = arith.addf %get3A_791, %get3A_797 : vector<16xf32>
        %add3A_799 = arith.addf %add3A_785, %add3A_798 : vector<16xf32>
        %swap3A_800 = arith.constant 12 : i32
        %swap3A_801 = arith.index_cast %swap3A_800 : i32 to index
        %swap3A_802 = arith.index_cast %mul3A_772 : i32 to index
        %swap3A_803 = tpu.vector_load %arg8[%swap3A_801, %swap3A_802] {strides = array<i32>} : memref<16x768xf32, #tpu.memory_space<vmem>>, vector<16xf32>,
        tpu.vector_store %arg8[%swap3A_801, %swap3A_802], %add3A_799 {add = true, strides = array<i32>} : memref<16x768xf32, #tpu.memory_space<vmem>>, vector<16xf32>,
        %mul3A_804 = arith.constant 16 : i32
        %mul3A_805 = arith.muli %scan3A_375, %mul3A_804 : i32
        %get3A_806 = arith.constant 0 : i32
        %get3A_807 = arith.constant 13 : i32
        %get3A_808 = arith.index_cast %get3A_806 : i32 to index
        %get3A_809 = arith.index_cast %get3A_807 : i32 to index
        %get3A_810 = arith.index_cast %mul3A_805 : i32 to index
        %get3A_811 = tpu.vector_load %arg7[%get3A_808, %get3A_809, %get3A_810] {strides = array<i32>} : memref<8x16x768xf32, #tpu.memory_space<vmem>>, vector<16xf32>,
        %get3A_812 = arith.constant 1 : i32
        %get3A_813 = arith.constant 13 : i32
        %get3A_814 = arith.index_cast %get3A_812 : i32 to index
        %get3A_815 = arith.index_cast %get3A_813 : i32 to index
        %get3A_816 = arith.index_cast %mul3A_805 : i32 to index
        %get3A_817 = tpu.vector_load %arg7[%get3A_814, %get3A_815, %get3A_816] {strides = array<i32>} : memref<8x16x768xf32, #tpu.memory_space<vmem>>, vector<16xf32>,
        %add3A_818 = arith.addf %get3A_811, %get3A_817 : vector<16xf32>
        %get3A_819 = arith.constant 2 : i32
        %get3A_820 = arith.constant 13 : i32
        %get3A_821 = arith.index_cast %get3A_819 : i32 to index
        %get3A_822 = arith.index_cast %get3A_820 : i32 to index
        %get3A_823 = arith.index_cast %mul3A_805 : i32 to index
        %get3A_824 = tpu.vector_load %arg7[%get3A_821, %get3A_822, %get3A_823] {strides = array<i32>} : memref<8x16x768xf32, #tpu.memory_space<vmem>>, vector<16xf32>,
        %get3A_825 = arith.constant 3 : i32
        %get3A_826 = arith.constant 13 : i32
        %get3A_827 = arith.index_cast %get3A_825 : i32 to index
        %get3A_828 = arith.index_cast %get3A_826 : i32 to index
        %get3A_829 = arith.index_cast %mul3A_805 : i32 to index
        %get3A_830 = tpu.vector_load %arg7[%get3A_827, %get3A_828, %get3A_829] {strides = array<i32>} : memref<8x16x768xf32, #tpu.memory_space<vmem>>, vector<16xf32>,
        %add3A_831 = arith.addf %get3A_824, %get3A_830 : vector<16xf32>
        %add3A_832 = arith.addf %add3A_818, %add3A_831 : vector<16xf32>
        %swap3A_833 = arith.constant 13 : i32
        %swap3A_834 = arith.index_cast %swap3A_833 : i32 to index
        %swap3A_835 = arith.index_cast %mul3A_805 : i32 to index
        %swap3A_836 = tpu.vector_load %arg8[%swap3A_834, %swap3A_835] {strides = array<i32>} : memref<16x768xf32, #tpu.memory_space<vmem>>, vector<16xf32>,
        tpu.vector_store %arg8[%swap3A_834, %swap3A_835], %add3A_832 {add = true, strides = array<i32>} : memref<16x768xf32, #tpu.memory_space<vmem>>, vector<16xf32>,
        %mul3A_837 = arith.constant 16 : i32
        %mul3A_838 = arith.muli %scan3A_375, %mul3A_837 : i32
        %get3A_839 = arith.constant 0 : i32
        %get3A_840 = arith.constant 14 : i32
        %get3A_841 = arith.index_cast %get3A_839 : i32 to index
        %get3A_842 = arith.index_cast %get3A_840 : i32 to index
        %get3A_843 = arith.index_cast %mul3A_838 : i32 to index
        %get3A_844 = tpu.vector_load %arg7[%get3A_841, %get3A_842, %get3A_843] {strides = array<i32>} : memref<8x16x768xf32, #tpu.memory_space<vmem>>, vector<16xf32>,
        %get3A_845 = arith.constant 1 : i32
        %get3A_846 = arith.constant 14 : i32
        %get3A_847 = arith.index_cast %get3A_845 : i32 to index
        %get3A_848 = arith.index_cast %get3A_846 : i32 to index
        %get3A_849 = arith.index_cast %mul3A_838 : i32 to index
        %get3A_850 = tpu.vector_load %arg7[%get3A_847, %get3A_848, %get3A_849] {strides = array<i32>} : memref<8x16x768xf32, #tpu.memory_space<vmem>>, vector<16xf32>,
        %add3A_851 = arith.addf %get3A_844, %get3A_850 : vector<16xf32>
        %get3A_852 = arith.constant 2 : i32
        %get3A_853 = arith.constant 14 : i32
        %get3A_854 = arith.index_cast %get3A_852 : i32 to index
        %get3A_855 = arith.index_cast %get3A_853 : i32 to index
        %get3A_856 = arith.index_cast %mul3A_838 : i32 to index
        %get3A_857 = tpu.vector_load %arg7[%get3A_854, %get3A_855, %get3A_856] {strides = array<i32>} : memref<8x16x768xf32, #tpu.memory_space<vmem>>, vector<16xf32>,
        %get3A_858 = arith.constant 3 : i32
        %get3A_859 = arith.constant 14 : i32
        %get3A_860 = arith.index_cast %get3A_858 : i32 to index
        %get3A_861 = arith.index_cast %get3A_859 : i32 to index
        %get3A_862 = arith.index_cast %mul3A_838 : i32 to index
        %get3A_863 = tpu.vector_load %arg7[%get3A_860, %get3A_861, %get3A_862] {strides = array<i32>} : memref<8x16x768xf32, #tpu.memory_space<vmem>>, vector<16xf32>,
        %add3A_864 = arith.addf %get3A_857, %get3A_863 : vector<16xf32>
        %add3A_865 = arith.addf %add3A_851, %add3A_864 : vector<16xf32>
        %swap3A_866 = arith.constant 14 : i32
        %swap3A_867 = arith.index_cast %swap3A_866 : i32 to index
        %swap3A_868 = arith.index_cast %mul3A_838 : i32 to index
        %swap3A_869 = tpu.vector_load %arg8[%swap3A_867, %swap3A_868] {strides = array<i32>} : memref<16x768xf32, #tpu.memory_space<vmem>>, vector<16xf32>,
        tpu.vector_store %arg8[%swap3A_867, %swap3A_868], %add3A_865 {add = true, strides = array<i32>} : memref<16x768xf32, #tpu.memory_space<vmem>>, vector<16xf32>,
        %mul3A_870 = arith.constant 16 : i32
        %mul3A_871 = arith.muli %scan3A_375, %mul3A_870 : i32
        %get3A_872 = arith.constant 0 : i32
        %get3A_873 = arith.constant 15 : i32
        %get3A_874 = arith.index_cast %get3A_872 : i32 to index
        %get3A_875 = arith.index_cast %get3A_873 : i32 to index
        %get3A_876 = arith.index_cast %mul3A_871 : i32 to index
        %get3A_877 = tpu.vector_load %arg7[%get3A_874, %get3A_875, %get3A_876] {strides = array<i32>} : memref<8x16x768xf32, #tpu.memory_space<vmem>>, vector<16xf32>,
        %get3A_878 = arith.constant 1 : i32
        %get3A_879 = arith.constant 15 : i32
        %get3A_880 = arith.index_cast %get3A_878 : i32 to index
        %get3A_881 = arith.index_cast %get3A_879 : i32 to index
        %get3A_882 = arith.index_cast %mul3A_871 : i32 to index
        %get3A_883 = tpu.vector_load %arg7[%get3A_880, %get3A_881, %get3A_882] {strides = array<i32>} : memref<8x16x768xf32, #tpu.memory_space<vmem>>, vector<16xf32>,
        %add3A_884 = arith.addf %get3A_877, %get3A_883 : vector<16xf32>
        %get3A_885 = arith.constant 2 : i32
        %get3A_886 = arith.constant 15 : i32
        %get3A_887 = arith.index_cast %get3A_885 : i32 to index
        %get3A_888 = arith.index_cast %get3A_886 : i32 to index
        %get3A_889 = arith.index_cast %mul3A_871 : i32 to index
        %get3A_890 = tpu.vector_load %arg7[%get3A_887, %get3A_888, %get3A_889] {strides = array<i32>} : memref<8x16x768xf32, #tpu.memory_space<vmem>>, vector<16xf32>,
        %get3A_891 = arith.constant 3 : i32
        %get3A_892 = arith.constant 15 : i32
        %get3A_893 = arith.index_cast %get3A_891 : i32 to index
        %get3A_894 = arith.index_cast %get3A_892 : i32 to index
        %get3A_895 = arith.index_cast %mul3A_871 : i32 to index
        %get3A_896 = tpu.vector_load %arg7[%get3A_893, %get3A_894, %get3A_895] {strides = array<i32>} : memref<8x16x768xf32, #tpu.memory_space<vmem>>, vector<16xf32>,
        %add3A_897 = arith.addf %get3A_890, %get3A_896 : vector<16xf32>
        %add3A_898 = arith.addf %add3A_884, %add3A_897 : vector<16xf32>
        %swap3A_899 = arith.constant 15 : i32
        %swap3A_900 = arith.index_cast %swap3A_899 : i32 to index
        %swap3A_901 = arith.index_cast %mul3A_871 : i32 to index
        %swap3A_902 = tpu.vector_load %arg8[%swap3A_900, %swap3A_901] {strides = array<i32>} : memref<16x768xf32, #tpu.memory_space<vmem>>, vector<16xf32>,
        tpu.vector_store %arg8[%swap3A_900, %swap3A_901], %add3A_898 {add = true, strides = array<i32>} : memref<16x768xf32, #tpu.memory_space<vmem>>, vector<16xf32>,
        %scan3A_903 = arith.constant 0 : i32
        scf.yield %scan3A_903 : i32
      }
      %scan3A_227 = arith.constant 48 : i32
      %add3A_228 = arith.constant 8 : i32
      %add3A_229 = arith.addi %add3A_153, %add3A_228 : i32
      %add3A_230 = arith.constant 0 : i32
      %add3A_231 = arith.addi %add3A_229, %add3A_230 : i32
      %lt3A = arith.constant 64 : i32
      %lt3A_232 = arith.cmpi slt, %add3A_231, %lt3A : i32
      %convert_element_type3A = arith.extui %lt3A_232 : i1 to i32
      %cond3A = arith.constant 0 : i32
      %cond3A_233 = arith.cmpi ne, %convert_element_type3A, %cond3A : i32
      scf.if %cond3A_233 {
        %add3A_375 = arith.constant 8 : i32
        %add3A_376 = arith.addi %add3A_153, %add3A_375 : i32
        %add3A_377 = arith.constant 0 : i32
        %add3A_378 = arith.addi %add3A_376, %add3A_377 : i32
        %mul3A_379 = arith.constant 16 : i32
        %mul3A_380 = arith.muli %add3A_378, %mul3A_379 : i32
        %dma_start3A_381 = arith.constant 0 : i32
        %dma_start3A_382 = arith.constant 0 : i32
        %dma_start3A_383 = arith.constant 0 : i32
        %dma_start3A_384 = tpu.memref_slice %arg7[%dma_start3A_381, %dma_start3A_382, %dma_start3A_383] : memref<8x16x768xf32, #tpu.memory_space<vmem>> -> memref<1x16x768xf32, #tpu.memory_space<vmem>>
        %dma_start3A_385 = tpu.memref_squeeze %dma_start3A_384 : memref<1x16x768xf32, #tpu.memory_space<vmem>> -> memref<16x768xf32, #tpu.memory_space<vmem>>
        %dma_start3A_386 = tpu.memref_slice %arg6[%mul3A_380] : memref<1024xi32, #tpu.memory_space<vmem>> -> memref<16xi32, #tpu.memory_space<vmem>>
        %dma_start3A_387 = arith.constant 0 : i32
        %dma_start3A_388 = arith.constant 0 : i32
        %dma_start3A_389 = tpu.memref_slice %arg3[%add3A_378, %dma_start3A_387, %dma_start3A_388] : memref<64x513x768xf32, #tpu.memory_space<hbm>> -> memref<1x513x768xf32, #tpu.memory_space<hbm>>
        %dma_start3A_390 = tpu.memref_squeeze %dma_start3A_389 : memref<1x513x768xf32, #tpu.memory_space<hbm>> -> memref<513x768xf32, #tpu.memory_space<hbm>>
        %dma_start3A_391 = arith.constant 0 : i32
        %dma_start3A_392 = arith.constant 0 : i32
        %dma_start3A_393 = tpu.memref_slice %dma_start3A_390[%dma_start3A_391, %dma_start3A_392] : memref<513x768xf32, #tpu.memory_space<hbm>> -> memref<513x768xf32, #tpu.memory_space<hbm>>
        tpu.enqueue_indirect_dma source(%dma_start3A_393 : memref<513x768xf32, #tpu.memory_space<hbm>>) target(%dma_start3A_385 : memref<16x768xf32, #tpu.memory_space<vmem>>) offsets(%dma_start3A_386 : memref<16xi32, #tpu.memory_space<vmem>>) semaphore(%arg9 : memref<!tpu.dma_semaphore, #tpu.memory_space<semaphore_mem>>)
      } else {
      }
      %add3A_234 = arith.constant 8 : i32
      %add3A_235 = arith.addi %add3A_153, %add3A_234 : i32
      %add3A_236 = arith.constant 1 : i32
      %add3A_237 = arith.addi %add3A_235, %add3A_236 : i32
      %lt3A_238 = arith.constant 64 : i32
      %lt3A_239 = arith.cmpi slt, %add3A_237, %lt3A_238 : i32
      %convert_element_type3A_240 = arith.extui %lt3A_239 : i1 to i32
      %cond3A_241 = arith.constant 0 : i32
      %cond3A_242 = arith.cmpi ne, %convert_element_type3A_240, %cond3A_241 : i32
      scf.if %cond3A_242 {
        %add3A_375 = arith.constant 8 : i32
        %add3A_376 = arith.addi %add3A_153, %add3A_375 : i32
        %add3A_377 = arith.constant 1 : i32
        %add3A_378 = arith.addi %add3A_376, %add3A_377 : i32
        %mul3A_379 = arith.constant 16 : i32
        %mul3A_380 = arith.muli %add3A_378, %mul3A_379 : i32
        %dma_start3A_381 = arith.constant 1 : i32
        %dma_start3A_382 = arith.constant 0 : i32
        %dma_start3A_383 = arith.constant 0 : i32
        %dma_start3A_384 = tpu.memref_slice %arg7[%dma_start3A_381, %dma_start3A_382, %dma_start3A_383] : memref<8x16x768xf32, #tpu.memory_space<vmem>> -> memref<1x16x768xf32, #tpu.memory_space<vmem>>
        %dma_start3A_385 = tpu.memref_squeeze %dma_start3A_384 : memref<1x16x768xf32, #tpu.memory_space<vmem>> -> memref<16x768xf32, #tpu.memory_space<vmem>>
        %dma_start3A_386 = tpu.memref_slice %arg6[%mul3A_380] : memref<1024xi32, #tpu.memory_space<vmem>> -> memref<16xi32, #tpu.memory_space<vmem>>
        %dma_start3A_387 = arith.constant 0 : i32
        %dma_start3A_388 = arith.constant 0 : i32
        %dma_start3A_389 = tpu.memref_slice %arg3[%add3A_378, %dma_start3A_387, %dma_start3A_388] : memref<64x513x768xf32, #tpu.memory_space<hbm>> -> memref<1x513x768xf32, #tpu.memory_space<hbm>>
        %dma_start3A_390 = tpu.memref_squeeze %dma_start3A_389 : memref<1x513x768xf32, #tpu.memory_space<hbm>> -> memref<513x768xf32, #tpu.memory_space<hbm>>
        %dma_start3A_391 = arith.constant 0 : i32
        %dma_start3A_392 = arith.constant 0 : i32
        %dma_start3A_393 = tpu.memref_slice %dma_start3A_390[%dma_start3A_391, %dma_start3A_392] : memref<513x768xf32, #tpu.memory_space<hbm>> -> memref<513x768xf32, #tpu.memory_space<hbm>>
        tpu.enqueue_indirect_dma source(%dma_start3A_393 : memref<513x768xf32, #tpu.memory_space<hbm>>) target(%dma_start3A_385 : memref<16x768xf32, #tpu.memory_space<vmem>>) offsets(%dma_start3A_386 : memref<16xi32, #tpu.memory_space<vmem>>) semaphore(%arg10 : memref<!tpu.dma_semaphore, #tpu.memory_space<semaphore_mem>>)
      } else {
      }
      %add3A_243 = arith.constant 8 : i32
      %add3A_244 = arith.addi %add3A_153, %add3A_243 : i32
      %add3A_245 = arith.constant 2 : i32
      %add3A_246 = arith.addi %add3A_244, %add3A_245 : i32
      %lt3A_247 = arith.constant 64 : i32
      %lt3A_248 = arith.cmpi slt, %add3A_246, %lt3A_247 : i32
      %convert_element_type3A_249 = arith.extui %lt3A_248 : i1 to i32
      %cond3A_250 = arith.constant 0 : i32
      %cond3A_251 = arith.cmpi ne, %convert_element_type3A_249, %cond3A_250 : i32
      scf.if %cond3A_251 {
        %add3A_375 = arith.constant 8 : i32
        %add3A_376 = arith.addi %add3A_153, %add3A_375 : i32
        %add3A_377 = arith.constant 2 : i32
        %add3A_378 = arith.addi %add3A_376, %add3A_377 : i32
        %mul3A_379 = arith.constant 16 : i32
        %mul3A_380 = arith.muli %add3A_378, %mul3A_379 : i32
        %dma_start3A_381 = arith.constant 2 : i32
        %dma_start3A_382 = arith.constant 0 : i32
        %dma_start3A_383 = arith.constant 0 : i32
        %dma_start3A_384 = tpu.memref_slice %arg7[%dma_start3A_381, %dma_start3A_382, %dma_start3A_383] : memref<8x16x768xf32, #tpu.memory_space<vmem>> -> memref<1x16x768xf32, #tpu.memory_space<vmem>>
        %dma_start3A_385 = tpu.memref_squeeze %dma_start3A_384 : memref<1x16x768xf32, #tpu.memory_space<vmem>> -> memref<16x768xf32, #tpu.memory_space<vmem>>
        %dma_start3A_386 = tpu.memref_slice %arg6[%mul3A_380] : memref<1024xi32, #tpu.memory_space<vmem>> -> memref<16xi32, #tpu.memory_space<vmem>>
        %dma_start3A_387 = arith.constant 0 : i32
        %dma_start3A_388 = arith.constant 0 : i32
        %dma_start3A_389 = tpu.memref_slice %arg3[%add3A_378, %dma_start3A_387, %dma_start3A_388] : memref<64x513x768xf32, #tpu.memory_space<hbm>> -> memref<1x513x768xf32, #tpu.memory_space<hbm>>
        %dma_start3A_390 = tpu.memref_squeeze %dma_start3A_389 : memref<1x513x768xf32, #tpu.memory_space<hbm>> -> memref<513x768xf32, #tpu.memory_space<hbm>>
        %dma_start3A_391 = arith.constant 0 : i32
        %dma_start3A_392 = arith.constant 0 : i32
        %dma_start3A_393 = tpu.memref_slice %dma_start3A_390[%dma_start3A_391, %dma_start3A_392] : memref<513x768xf32, #tpu.memory_space<hbm>> -> memref<513x768xf32, #tpu.memory_space<hbm>>
        tpu.enqueue_indirect_dma source(%dma_start3A_393 : memref<513x768xf32, #tpu.memory_space<hbm>>) target(%dma_start3A_385 : memref<16x768xf32, #tpu.memory_space<vmem>>) offsets(%dma_start3A_386 : memref<16xi32, #tpu.memory_space<vmem>>) semaphore(%arg11 : memref<!tpu.dma_semaphore, #tpu.memory_space<semaphore_mem>>)
      } else {
      }
      %add3A_252 = arith.constant 8 : i32
      %add3A_253 = arith.addi %add3A_153, %add3A_252 : i32
      %add3A_254 = arith.constant 3 : i32
      %add3A_255 = arith.addi %add3A_253, %add3A_254 : i32
      %lt3A_256 = arith.constant 64 : i32
      %lt3A_257 = arith.cmpi slt, %add3A_255, %lt3A_256 : i32
      %convert_element_type3A_258 = arith.extui %lt3A_257 : i1 to i32
      %cond3A_259 = arith.constant 0 : i32
      %cond3A_260 = arith.cmpi ne, %convert_element_type3A_258, %cond3A_259 : i32
      scf.if %cond3A_260 {
        %add3A_375 = arith.constant 8 : i32
        %add3A_376 = arith.addi %add3A_153, %add3A_375 : i32
        %add3A_377 = arith.constant 3 : i32
        %add3A_378 = arith.addi %add3A_376, %add3A_377 : i32
        %mul3A_379 = arith.constant 16 : i32
        %mul3A_380 = arith.muli %add3A_378, %mul3A_379 : i32
        %dma_start3A_381 = arith.constant 3 : i32
        %dma_start3A_382 = arith.constant 0 : i32
        %dma_start3A_383 = arith.constant 0 : i32
        %dma_start3A_384 = tpu.memref_slice %arg7[%dma_start3A_381, %dma_start3A_382, %dma_start3A_383] : memref<8x16x768xf32, #tpu.memory_space<vmem>> -> memref<1x16x768xf32, #tpu.memory_space<vmem>>
        %dma_start3A_385 = tpu.memref_squeeze %dma_start3A_384 : memref<1x16x768xf32, #tpu.memory_space<vmem>> -> memref<16x768xf32, #tpu.memory_space<vmem>>
        %dma_start3A_386 = tpu.memref_slice %arg6[%mul3A_380] : memref<1024xi32, #tpu.memory_space<vmem>> -> memref<16xi32, #tpu.memory_space<vmem>>
        %dma_start3A_387 = arith.constant 0 : i32
        %dma_start3A_388 = arith.constant 0 : i32
        %dma_start3A_389 = tpu.memref_slice %arg3[%add3A_378, %dma_start3A_387, %dma_start3A_388] : memref<64x513x768xf32, #tpu.memory_space<hbm>> -> memref<1x513x768xf32, #tpu.memory_space<hbm>>
        %dma_start3A_390 = tpu.memref_squeeze %dma_start3A_389 : memref<1x513x768xf32, #tpu.memory_space<hbm>> -> memref<513x768xf32, #tpu.memory_space<hbm>>
        %dma_start3A_391 = arith.constant 0 : i32
        %dma_start3A_392 = arith.constant 0 : i32
        %dma_start3A_393 = tpu.memref_slice %dma_start3A_390[%dma_start3A_391, %dma_start3A_392] : memref<513x768xf32, #tpu.memory_space<hbm>> -> memref<513x768xf32, #tpu.memory_space<hbm>>
        tpu.enqueue_indirect_dma source(%dma_start3A_393 : memref<513x768xf32, #tpu.memory_space<hbm>>) target(%dma_start3A_385 : memref<16x768xf32, #tpu.memory_space<vmem>>) offsets(%dma_start3A_386 : memref<16xi32, #tpu.memory_space<vmem>>) semaphore(%arg12 : memref<!tpu.dma_semaphore, #tpu.memory_space<semaphore_mem>>)
      } else {
      }
      %add3A_261 = arith.constant 4 : i32
      %add3A_262 = arith.addi %mul3A_151, %add3A_261 : i32
      %add3A_263 = arith.constant 0 : i32
      %add3A_264 = arith.addi %add3A_262, %add3A_263 : i32
      %mul3A_265 = arith.constant 16 : i32
      %mul3A_266 = arith.muli %add3A_264, %mul3A_265 : i32
      %dma_wait3A_267 = arith.constant 4 : i32
      %dma_wait3A_268 = arith.constant 0 : i32
      %dma_wait3A_269 = arith.constant 0 : i32
      %dma_wait3A_270 = tpu.memref_slice %arg7[%dma_wait3A_267, %dma_wait3A_268, %dma_wait3A_269] : memref<8x16x768xf32, #tpu.memory_space<vmem>> -> memref<1x16x768xf32, #tpu.memory_space<vmem>>
      %dma_wait3A_271 = tpu.memref_squeeze %dma_wait3A_270 : memref<1x16x768xf32, #tpu.memory_space<vmem>> -> memref<16x768xf32, #tpu.memory_space<vmem>>
      %dma_wait3A_272 = tpu.memref_slice %arg6[%mul3A_266] : memref<1024xi32, #tpu.memory_space<vmem>> -> memref<16xi32, #tpu.memory_space<vmem>>
      %dma_wait3A_273 = arith.constant 0 : i32
      %dma_wait3A_274 = arith.constant 0 : i32
      %dma_wait3A_275 = tpu.memref_slice %arg3[%add3A_264, %dma_wait3A_273, %dma_wait3A_274] : memref<64x513x768xf32, #tpu.memory_space<hbm>> -> memref<1x513x768xf32, #tpu.memory_space<hbm>>
      %dma_wait3A_276 = tpu.memref_squeeze %dma_wait3A_275 : memref<1x513x768xf32, #tpu.memory_space<hbm>> -> memref<513x768xf32, #tpu.memory_space<hbm>>
      %dma_wait3A_277 = arith.constant 0 : i32
      %dma_wait3A_278 = arith.constant 0 : i32
      %dma_wait3A_279 = tpu.memref_slice %dma_wait3A_276[%dma_wait3A_277, %dma_wait3A_278] : memref<513x768xf32, #tpu.memory_space<hbm>> -> memref<513x768xf32, #tpu.memory_space<hbm>>
      tpu.wait_indirect_dma semaphore(%arg13 : memref<!tpu.dma_semaphore, #tpu.memory_space<semaphore_mem>>) src(%dma_wait3A_279 : memref<513x768xf32, #tpu.memory_space<hbm>>) dst(%dma_wait3A_271 : memref<16x768xf32, #tpu.memory_space<vmem>>)
      %add3A_280 = arith.constant 1 : i32
      %add3A_281 = arith.addi %add3A_262, %add3A_280 : i32
      %mul3A_282 = arith.constant 16 : i32
      %mul3A_283 = arith.muli %add3A_281, %mul3A_282 : i32
      %dma_wait3A_284 = arith.constant 5 : i32
      %dma_wait3A_285 = arith.constant 0 : i32
      %dma_wait3A_286 = arith.constant 0 : i32
      %dma_wait3A_287 = tpu.memref_slice %arg7[%dma_wait3A_284, %dma_wait3A_285, %dma_wait3A_286] : memref<8x16x768xf32, #tpu.memory_space<vmem>> -> memref<1x16x768xf32, #tpu.memory_space<vmem>>
      %dma_wait3A_288 = tpu.memref_squeeze %dma_wait3A_287 : memref<1x16x768xf32, #tpu.memory_space<vmem>> -> memref<16x768xf32, #tpu.memory_space<vmem>>
      %dma_wait3A_289 = tpu.memref_slice %arg6[%mul3A_283] : memref<1024xi32, #tpu.memory_space<vmem>> -> memref<16xi32, #tpu.memory_space<vmem>>
      %dma_wait3A_290 = arith.constant 0 : i32
      %dma_wait3A_291 = arith.constant 0 : i32
      %dma_wait3A_292 = tpu.memref_slice %arg3[%add3A_281, %dma_wait3A_290, %dma_wait3A_291] : memref<64x513x768xf32, #tpu.memory_space<hbm>> -> memref<1x513x768xf32, #tpu.memory_space<hbm>>
      %dma_wait3A_293 = tpu.memref_squeeze %dma_wait3A_292 : memref<1x513x768xf32, #tpu.memory_space<hbm>> -> memref<513x768xf32, #tpu.memory_space<hbm>>
      %dma_wait3A_294 = arith.constant 0 : i32
      %dma_wait3A_295 = arith.constant 0 : i32
      %dma_wait3A_296 = tpu.memref_slice %dma_wait3A_293[%dma_wait3A_294, %dma_wait3A_295] : memref<513x768xf32, #tpu.memory_space<hbm>> -> memref<513x768xf32, #tpu.memory_space<hbm>>
      tpu.wait_indirect_dma semaphore(%arg14 : memref<!tpu.dma_semaphore, #tpu.memory_space<semaphore_mem>>) src(%dma_wait3A_296 : memref<513x768xf32, #tpu.memory_space<hbm>>) dst(%dma_wait3A_288 : memref<16x768xf32, #tpu.memory_space<vmem>>)
      %add3A_297 = arith.constant 2 : i32
      %add3A_298 = arith.addi %add3A_262, %add3A_297 : i32
      %mul3A_299 = arith.constant 16 : i32
      %mul3A_300 = arith.muli %add3A_298, %mul3A_299 : i32
      %dma_wait3A_301 = arith.constant 6 : i32
      %dma_wait3A_302 = arith.constant 0 : i32
      %dma_wait3A_303 = arith.constant 0 : i32
      %dma_wait3A_304 = tpu.memref_slice %arg7[%dma_wait3A_301, %dma_wait3A_302, %dma_wait3A_303] : memref<8x16x768xf32, #tpu.memory_space<vmem>> -> memref<1x16x768xf32, #tpu.memory_space<vmem>>
      %dma_wait3A_305 = tpu.memref_squeeze %dma_wait3A_304 : memref<1x16x768xf32, #tpu.memory_space<vmem>> -> memref<16x768xf32, #tpu.memory_space<vmem>>
      %dma_wait3A_306 = tpu.memref_slice %arg6[%mul3A_300] : memref<1024xi32, #tpu.memory_space<vmem>> -> memref<16xi32, #tpu.memory_space<vmem>>
      %dma_wait3A_307 = arith.constant 0 : i32
      %dma_wait3A_308 = arith.constant 0 : i32
      %dma_wait3A_309 = tpu.memref_slice %arg3[%add3A_298, %dma_wait3A_307, %dma_wait3A_308] : memref<64x513x768xf32, #tpu.memory_space<hbm>> -> memref<1x513x768xf32, #tpu.memory_space<hbm>>
      %dma_wait3A_310 = tpu.memref_squeeze %dma_wait3A_309 : memref<1x513x768xf32, #tpu.memory_space<hbm>> -> memref<513x768xf32, #tpu.memory_space<hbm>>
      %dma_wait3A_311 = arith.constant 0 : i32
      %dma_wait3A_312 = arith.constant 0 : i32
      %dma_wait3A_313 = tpu.memref_slice %dma_wait3A_310[%dma_wait3A_311, %dma_wait3A_312] : memref<513x768xf32, #tpu.memory_space<hbm>> -> memref<513x768xf32, #tpu.memory_space<hbm>>
      tpu.wait_indirect_dma semaphore(%arg15 : memref<!tpu.dma_semaphore, #tpu.memory_space<semaphore_mem>>) src(%dma_wait3A_313 : memref<513x768xf32, #tpu.memory_space<hbm>>) dst(%dma_wait3A_305 : memref<16x768xf32, #tpu.memory_space<vmem>>)
      %add3A_314 = arith.constant 3 : i32
      %add3A_315 = arith.addi %add3A_262, %add3A_314 : i32
      %mul3A_316 = arith.constant 16 : i32
      %mul3A_317 = arith.muli %add3A_315, %mul3A_316 : i32
      %dma_wait3A_318 = arith.constant 7 : i32
      %dma_wait3A_319 = arith.constant 0 : i32
      %dma_wait3A_320 = arith.constant 0 : i32
      %dma_wait3A_321 = tpu.memref_slice %arg7[%dma_wait3A_318, %dma_wait3A_319, %dma_wait3A_320] : memref<8x16x768xf32, #tpu.memory_space<vmem>> -> memref<1x16x768xf32, #tpu.memory_space<vmem>>
      %dma_wait3A_322 = tpu.memref_squeeze %dma_wait3A_321 : memref<1x16x768xf32, #tpu.memory_space<vmem>> -> memref<16x768xf32, #tpu.memory_space<vmem>>
      %dma_wait3A_323 = tpu.memref_slice %arg6[%mul3A_317] : memref<1024xi32, #tpu.memory_space<vmem>> -> memref<16xi32, #tpu.memory_space<vmem>>
      %dma_wait3A_324 = arith.constant 0 : i32
      %dma_wait3A_325 = arith.constant 0 : i32
      %dma_wait3A_326 = tpu.memref_slice %arg3[%add3A_315, %dma_wait3A_324, %dma_wait3A_325] : memref<64x513x768xf32, #tpu.memory_space<hbm>> -> memref<1x513x768xf32, #tpu.memory_space<hbm>>
      %dma_wait3A_327 = tpu.memref_squeeze %dma_wait3A_326 : memref<1x513x768xf32, #tpu.memory_space<hbm>> -> memref<513x768xf32, #tpu.memory_space<hbm>>
      %dma_wait3A_328 = arith.constant 0 : i32
      %dma_wait3A_329 = arith.constant 0 : i32
      %dma_wait3A_330 = tpu.memref_slice %dma_wait3A_327[%dma_wait3A_328, %dma_wait3A_329] : memref<513x768xf32, #tpu.memory_space<hbm>> -> memref<513x768xf32, #tpu.memory_space<hbm>>
      tpu.wait_indirect_dma semaphore(%arg16 : memref<!tpu.dma_semaphore, #tpu.memory_space<semaphore_mem>>) src(%dma_wait3A_330 : memref<513x768xf32, #tpu.memory_space<hbm>>) dst(%dma_wait3A_322 : memref<16x768xf32, #tpu.memory_space<vmem>>)
      %scan3A_331 = arith.constant 0 : i32
      %scan3A_332 = arith.constant 0 : i32
      %scan3A_333 = arith.constant 48 : i32
      %scan3A_334 = arith.addi %scan3A_332, %scan3A_333 : i32
      %scan3A_335 = arith.constant 1 : i32
      %scan3A_336 = scf.for %scan3A_375 = %scan3A_332 to %scan3A_334 step %scan3A_335 iter_args(%scan3A_376 = %scan3A_331) -> (i32)  : i32 {
        %mul3A_377 = arith.constant 16 : i32
        %mul3A_378 = arith.muli %scan3A_375, %mul3A_377 : i32
        %get3A = arith.constant 4 : i32
        %get3A_379 = arith.constant 0 : i32
        %get3A_380 = arith.index_cast %get3A : i32 to index
        %get3A_381 = arith.index_cast %get3A_379 : i32 to index
        %get3A_382 = arith.index_cast %mul3A_378 : i32 to index
        %get3A_383 = tpu.vector_load %arg7[%get3A_380, %get3A_381, %get3A_382] {strides = array<i32>} : memref<8x16x768xf32, #tpu.memory_space<vmem>>, vector<16xf32>,
        %get3A_384 = arith.constant 5 : i32
        %get3A_385 = arith.constant 0 : i32
        %get3A_386 = arith.index_cast %get3A_384 : i32 to index
        %get3A_387 = arith.index_cast %get3A_385 : i32 to index
        %get3A_388 = arith.index_cast %mul3A_378 : i32 to index
        %get3A_389 = tpu.vector_load %arg7[%get3A_386, %get3A_387, %get3A_388] {strides = array<i32>} : memref<8x16x768xf32, #tpu.memory_space<vmem>>, vector<16xf32>,
        %add3A_390 = arith.addf %get3A_383, %get3A_389 : vector<16xf32>
        %get3A_391 = arith.constant 6 : i32
        %get3A_392 = arith.constant 0 : i32
        %get3A_393 = arith.index_cast %get3A_391 : i32 to index
        %get3A_394 = arith.index_cast %get3A_392 : i32 to index
        %get3A_395 = arith.index_cast %mul3A_378 : i32 to index
        %get3A_396 = tpu.vector_load %arg7[%get3A_393, %get3A_394, %get3A_395] {strides = array<i32>} : memref<8x16x768xf32, #tpu.memory_space<vmem>>, vector<16xf32>,
        %get3A_397 = arith.constant 7 : i32
        %get3A_398 = arith.constant 0 : i32
        %get3A_399 = arith.index_cast %get3A_397 : i32 to index
        %get3A_400 = arith.index_cast %get3A_398 : i32 to index
        %get3A_401 = arith.index_cast %mul3A_378 : i32 to index
        %get3A_402 = tpu.vector_load %arg7[%get3A_399, %get3A_400, %get3A_401] {strides = array<i32>} : memref<8x16x768xf32, #tpu.memory_space<vmem>>, vector<16xf32>,
        %add3A_403 = arith.addf %get3A_396, %get3A_402 : vector<16xf32>
        %add3A_404 = arith.addf %add3A_390, %add3A_403 : vector<16xf32>
        %swap3A = arith.constant 0 : i32
        %swap3A_405 = arith.index_cast %swap3A : i32 to index
        %swap3A_406 = arith.index_cast %mul3A_378 : i32 to index
        %swap3A_407 = tpu.vector_load %arg8[%swap3A_405, %swap3A_406] {strides = array<i32>} : memref<16x768xf32, #tpu.memory_space<vmem>>, vector<16xf32>,
        tpu.vector_store %arg8[%swap3A_405, %swap3A_406], %add3A_404 {add = true, strides = array<i32>} : memref<16x768xf32, #tpu.memory_space<vmem>>, vector<16xf32>,
        %mul3A_408 = arith.constant 16 : i32
        %mul3A_409 = arith.muli %scan3A_375, %mul3A_408 : i32
        %get3A_410 = arith.constant 4 : i32
        %get3A_411 = arith.constant 1 : i32
        %get3A_412 = arith.index_cast %get3A_410 : i32 to index
        %get3A_413 = arith.index_cast %get3A_411 : i32 to index
        %get3A_414 = arith.index_cast %mul3A_409 : i32 to index
        %get3A_415 = tpu.vector_load %arg7[%get3A_412, %get3A_413, %get3A_414] {strides = array<i32>} : memref<8x16x768xf32, #tpu.memory_space<vmem>>, vector<16xf32>,
        %get3A_416 = arith.constant 5 : i32
        %get3A_417 = arith.constant 1 : i32
        %get3A_418 = arith.index_cast %get3A_416 : i32 to index
        %get3A_419 = arith.index_cast %get3A_417 : i32 to index
        %get3A_420 = arith.index_cast %mul3A_409 : i32 to index
        %get3A_421 = tpu.vector_load %arg7[%get3A_418, %get3A_419, %get3A_420] {strides = array<i32>} : memref<8x16x768xf32, #tpu.memory_space<vmem>>, vector<16xf32>,
        %add3A_422 = arith.addf %get3A_415, %get3A_421 : vector<16xf32>
        %get3A_423 = arith.constant 6 : i32
        %get3A_424 = arith.constant 1 : i32
        %get3A_425 = arith.index_cast %get3A_423 : i32 to index
        %get3A_426 = arith.index_cast %get3A_424 : i32 to index
        %get3A_427 = arith.index_cast %mul3A_409 : i32 to index
        %get3A_428 = tpu.vector_load %arg7[%get3A_425, %get3A_426, %get3A_427] {strides = array<i32>} : memref<8x16x768xf32, #tpu.memory_space<vmem>>, vector<16xf32>,
        %get3A_429 = arith.constant 7 : i32
        %get3A_430 = arith.constant 1 : i32
        %get3A_431 = arith.index_cast %get3A_429 : i32 to index
        %get3A_432 = arith.index_cast %get3A_430 : i32 to index
        %get3A_433 = arith.index_cast %mul3A_409 : i32 to index
        %get3A_434 = tpu.vector_load %arg7[%get3A_431, %get3A_432, %get3A_433] {strides = array<i32>} : memref<8x16x768xf32, #tpu.memory_space<vmem>>, vector<16xf32>,
        %add3A_435 = arith.addf %get3A_428, %get3A_434 : vector<16xf32>
        %add3A_436 = arith.addf %add3A_422, %add3A_435 : vector<16xf32>
        %swap3A_437 = arith.constant 1 : i32
        %swap3A_438 = arith.index_cast %swap3A_437 : i32 to index
        %swap3A_439 = arith.index_cast %mul3A_409 : i32 to index
        %swap3A_440 = tpu.vector_load %arg8[%swap3A_438, %swap3A_439] {strides = array<i32>} : memref<16x768xf32, #tpu.memory_space<vmem>>, vector<16xf32>,
        tpu.vector_store %arg8[%swap3A_438, %swap3A_439], %add3A_436 {add = true, strides = array<i32>} : memref<16x768xf32, #tpu.memory_space<vmem>>, vector<16xf32>,
        %mul3A_441 = arith.constant 16 : i32
        %mul3A_442 = arith.muli %scan3A_375, %mul3A_441 : i32
        %get3A_443 = arith.constant 4 : i32
        %get3A_444 = arith.constant 2 : i32
        %get3A_445 = arith.index_cast %get3A_443 : i32 to index
        %get3A_446 = arith.index_cast %get3A_444 : i32 to index
        %get3A_447 = arith.index_cast %mul3A_442 : i32 to index
        %get3A_448 = tpu.vector_load %arg7[%get3A_445, %get3A_446, %get3A_447] {strides = array<i32>} : memref<8x16x768xf32, #tpu.memory_space<vmem>>, vector<16xf32>,
        %get3A_449 = arith.constant 5 : i32
        %get3A_450 = arith.constant 2 : i32
        %get3A_451 = arith.index_cast %get3A_449 : i32 to index
        %get3A_452 = arith.index_cast %get3A_450 : i32 to index
        %get3A_453 = arith.index_cast %mul3A_442 : i32 to index
        %get3A_454 = tpu.vector_load %arg7[%get3A_451, %get3A_452, %get3A_453] {strides = array<i32>} : memref<8x16x768xf32, #tpu.memory_space<vmem>>, vector<16xf32>,
        %add3A_455 = arith.addf %get3A_448, %get3A_454 : vector<16xf32>
        %get3A_456 = arith.constant 6 : i32
        %get3A_457 = arith.constant 2 : i32
        %get3A_458 = arith.index_cast %get3A_456 : i32 to index
        %get3A_459 = arith.index_cast %get3A_457 : i32 to index
        %get3A_460 = arith.index_cast %mul3A_442 : i32 to index
        %get3A_461 = tpu.vector_load %arg7[%get3A_458, %get3A_459, %get3A_460] {strides = array<i32>} : memref<8x16x768xf32, #tpu.memory_space<vmem>>, vector<16xf32>,
        %get3A_462 = arith.constant 7 : i32
        %get3A_463 = arith.constant 2 : i32
        %get3A_464 = arith.index_cast %get3A_462 : i32 to index
        %get3A_465 = arith.index_cast %get3A_463 : i32 to index
        %get3A_466 = arith.index_cast %mul3A_442 : i32 to index
        %get3A_467 = tpu.vector_load %arg7[%get3A_464, %get3A_465, %get3A_466] {strides = array<i32>} : memref<8x16x768xf32, #tpu.memory_space<vmem>>, vector<16xf32>,
        %add3A_468 = arith.addf %get3A_461, %get3A_467 : vector<16xf32>
        %add3A_469 = arith.addf %add3A_455, %add3A_468 : vector<16xf32>
        %swap3A_470 = arith.constant 2 : i32
        %swap3A_471 = arith.index_cast %swap3A_470 : i32 to index
        %swap3A_472 = arith.index_cast %mul3A_442 : i32 to index
        %swap3A_473 = tpu.vector_load %arg8[%swap3A_471, %swap3A_472] {strides = array<i32>} : memref<16x768xf32, #tpu.memory_space<vmem>>, vector<16xf32>,
        tpu.vector_store %arg8[%swap3A_471, %swap3A_472], %add3A_469 {add = true, strides = array<i32>} : memref<16x768xf32, #tpu.memory_space<vmem>>, vector<16xf32>,
        %mul3A_474 = arith.constant 16 : i32
        %mul3A_475 = arith.muli %scan3A_375, %mul3A_474 : i32
        %get3A_476 = arith.constant 4 : i32
        %get3A_477 = arith.constant 3 : i32
        %get3A_478 = arith.index_cast %get3A_476 : i32 to index
        %get3A_479 = arith.index_cast %get3A_477 : i32 to index
        %get3A_480 = arith.index_cast %mul3A_475 : i32 to index
        %get3A_481 = tpu.vector_load %arg7[%get3A_478, %get3A_479, %get3A_480] {strides = array<i32>} : memref<8x16x768xf32, #tpu.memory_space<vmem>>, vector<16xf32>,
        %get3A_482 = arith.constant 5 : i32
        %get3A_483 = arith.constant 3 : i32
        %get3A_484 = arith.index_cast %get3A_482 : i32 to index
        %get3A_485 = arith.index_cast %get3A_483 : i32 to index
        %get3A_486 = arith.index_cast %mul3A_475 : i32 to index
        %get3A_487 = tpu.vector_load %arg7[%get3A_484, %get3A_485, %get3A_486] {strides = array<i32>} : memref<8x16x768xf32, #tpu.memory_space<vmem>>, vector<16xf32>,
        %add3A_488 = arith.addf %get3A_481, %get3A_487 : vector<16xf32>
        %get3A_489 = arith.constant 6 : i32
        %get3A_490 = arith.constant 3 : i32
        %get3A_491 = arith.index_cast %get3A_489 : i32 to index
        %get3A_492 = arith.index_cast %get3A_490 : i32 to index
        %get3A_493 = arith.index_cast %mul3A_475 : i32 to index
        %get3A_494 = tpu.vector_load %arg7[%get3A_491, %get3A_492, %get3A_493] {strides = array<i32>} : memref<8x16x768xf32, #tpu.memory_space<vmem>>, vector<16xf32>,
        %get3A_495 = arith.constant 7 : i32
        %get3A_496 = arith.constant 3 : i32
        %get3A_497 = arith.index_cast %get3A_495 : i32 to index
        %get3A_498 = arith.index_cast %get3A_496 : i32 to index
        %get3A_499 = arith.index_cast %mul3A_475 : i32 to index
        %get3A_500 = tpu.vector_load %arg7[%get3A_497, %get3A_498, %get3A_499] {strides = array<i32>} : memref<8x16x768xf32, #tpu.memory_space<vmem>>, vector<16xf32>,
        %add3A_501 = arith.addf %get3A_494, %get3A_500 : vector<16xf32>
        %add3A_502 = arith.addf %add3A_488, %add3A_501 : vector<16xf32>
        %swap3A_503 = arith.constant 3 : i32
        %swap3A_504 = arith.index_cast %swap3A_503 : i32 to index
        %swap3A_505 = arith.index_cast %mul3A_475 : i32 to index
        %swap3A_506 = tpu.vector_load %arg8[%swap3A_504, %swap3A_505] {strides = array<i32>} : memref<16x768xf32, #tpu.memory_space<vmem>>, vector<16xf32>,
        tpu.vector_store %arg8[%swap3A_504, %swap3A_505], %add3A_502 {add = true, strides = array<i32>} : memref<16x768xf32, #tpu.memory_space<vmem>>, vector<16xf32>,
        %mul3A_507 = arith.constant 16 : i32
        %mul3A_508 = arith.muli %scan3A_375, %mul3A_507 : i32
        %get3A_509 = arith.constant 4 : i32
        %get3A_510 = arith.constant 4 : i32
        %get3A_511 = arith.index_cast %get3A_509 : i32 to index
        %get3A_512 = arith.index_cast %get3A_510 : i32 to index
        %get3A_513 = arith.index_cast %mul3A_508 : i32 to index
        %get3A_514 = tpu.vector_load %arg7[%get3A_511, %get3A_512, %get3A_513] {strides = array<i32>} : memref<8x16x768xf32, #tpu.memory_space<vmem>>, vector<16xf32>,
        %get3A_515 = arith.constant 5 : i32
        %get3A_516 = arith.constant 4 : i32
        %get3A_517 = arith.index_cast %get3A_515 : i32 to index
        %get3A_518 = arith.index_cast %get3A_516 : i32 to index
        %get3A_519 = arith.index_cast %mul3A_508 : i32 to index
        %get3A_520 = tpu.vector_load %arg7[%get3A_517, %get3A_518, %get3A_519] {strides = array<i32>} : memref<8x16x768xf32, #tpu.memory_space<vmem>>, vector<16xf32>,
        %add3A_521 = arith.addf %get3A_514, %get3A_520 : vector<16xf32>
        %get3A_522 = arith.constant 6 : i32
        %get3A_523 = arith.constant 4 : i32
        %get3A_524 = arith.index_cast %get3A_522 : i32 to index
        %get3A_525 = arith.index_cast %get3A_523 : i32 to index
        %get3A_526 = arith.index_cast %mul3A_508 : i32 to index
        %get3A_527 = tpu.vector_load %arg7[%get3A_524, %get3A_525, %get3A_526] {strides = array<i32>} : memref<8x16x768xf32, #tpu.memory_space<vmem>>, vector<16xf32>,
        %get3A_528 = arith.constant 7 : i32
        %get3A_529 = arith.constant 4 : i32
        %get3A_530 = arith.index_cast %get3A_528 : i32 to index
        %get3A_531 = arith.index_cast %get3A_529 : i32 to index
        %get3A_532 = arith.index_cast %mul3A_508 : i32 to index
        %get3A_533 = tpu.vector_load %arg7[%get3A_530, %get3A_531, %get3A_532] {strides = array<i32>} : memref<8x16x768xf32, #tpu.memory_space<vmem>>, vector<16xf32>,
        %add3A_534 = arith.addf %get3A_527, %get3A_533 : vector<16xf32>
        %add3A_535 = arith.addf %add3A_521, %add3A_534 : vector<16xf32>
        %swap3A_536 = arith.constant 4 : i32
        %swap3A_537 = arith.index_cast %swap3A_536 : i32 to index
        %swap3A_538 = arith.index_cast %mul3A_508 : i32 to index
        %swap3A_539 = tpu.vector_load %arg8[%swap3A_537, %swap3A_538] {strides = array<i32>} : memref<16x768xf32, #tpu.memory_space<vmem>>, vector<16xf32>,
        tpu.vector_store %arg8[%swap3A_537, %swap3A_538], %add3A_535 {add = true, strides = array<i32>} : memref<16x768xf32, #tpu.memory_space<vmem>>, vector<16xf32>,
        %mul3A_540 = arith.constant 16 : i32
        %mul3A_541 = arith.muli %scan3A_375, %mul3A_540 : i32
        %get3A_542 = arith.constant 4 : i32
        %get3A_543 = arith.constant 5 : i32
        %get3A_544 = arith.index_cast %get3A_542 : i32 to index
        %get3A_545 = arith.index_cast %get3A_543 : i32 to index
        %get3A_546 = arith.index_cast %mul3A_541 : i32 to index
        %get3A_547 = tpu.vector_load %arg7[%get3A_544, %get3A_545, %get3A_546] {strides = array<i32>} : memref<8x16x768xf32, #tpu.memory_space<vmem>>, vector<16xf32>,
        %get3A_548 = arith.constant 5 : i32
        %get3A_549 = arith.constant 5 : i32
        %get3A_550 = arith.index_cast %get3A_548 : i32 to index
        %get3A_551 = arith.index_cast %get3A_549 : i32 to index
        %get3A_552 = arith.index_cast %mul3A_541 : i32 to index
        %get3A_553 = tpu.vector_load %arg7[%get3A_550, %get3A_551, %get3A_552] {strides = array<i32>} : memref<8x16x768xf32, #tpu.memory_space<vmem>>, vector<16xf32>,
        %add3A_554 = arith.addf %get3A_547, %get3A_553 : vector<16xf32>
        %get3A_555 = arith.constant 6 : i32
        %get3A_556 = arith.constant 5 : i32
        %get3A_557 = arith.index_cast %get3A_555 : i32 to index
        %get3A_558 = arith.index_cast %get3A_556 : i32 to index
        %get3A_559 = arith.index_cast %mul3A_541 : i32 to index
        %get3A_560 = tpu.vector_load %arg7[%get3A_557, %get3A_558, %get3A_559] {strides = array<i32>} : memref<8x16x768xf32, #tpu.memory_space<vmem>>, vector<16xf32>,
        %get3A_561 = arith.constant 7 : i32
        %get3A_562 = arith.constant 5 : i32
        %get3A_563 = arith.index_cast %get3A_561 : i32 to index
        %get3A_564 = arith.index_cast %get3A_562 : i32 to index
        %get3A_565 = arith.index_cast %mul3A_541 : i32 to index
        %get3A_566 = tpu.vector_load %arg7[%get3A_563, %get3A_564, %get3A_565] {strides = array<i32>} : memref<8x16x768xf32, #tpu.memory_space<vmem>>, vector<16xf32>,
        %add3A_567 = arith.addf %get3A_560, %get3A_566 : vector<16xf32>
        %add3A_568 = arith.addf %add3A_554, %add3A_567 : vector<16xf32>
        %swap3A_569 = arith.constant 5 : i32
        %swap3A_570 = arith.index_cast %swap3A_569 : i32 to index
        %swap3A_571 = arith.index_cast %mul3A_541 : i32 to index
        %swap3A_572 = tpu.vector_load %arg8[%swap3A_570, %swap3A_571] {strides = array<i32>} : memref<16x768xf32, #tpu.memory_space<vmem>>, vector<16xf32>,
        tpu.vector_store %arg8[%swap3A_570, %swap3A_571], %add3A_568 {add = true, strides = array<i32>} : memref<16x768xf32, #tpu.memory_space<vmem>>, vector<16xf32>,
        %mul3A_573 = arith.constant 16 : i32
        %mul3A_574 = arith.muli %scan3A_375, %mul3A_573 : i32
        %get3A_575 = arith.constant 4 : i32
        %get3A_576 = arith.constant 6 : i32
        %get3A_577 = arith.index_cast %get3A_575 : i32 to index
        %get3A_578 = arith.index_cast %get3A_576 : i32 to index
        %get3A_579 = arith.index_cast %mul3A_574 : i32 to index
        %get3A_580 = tpu.vector_load %arg7[%get3A_577, %get3A_578, %get3A_579] {strides = array<i32>} : memref<8x16x768xf32, #tpu.memory_space<vmem>>, vector<16xf32>,
        %get3A_581 = arith.constant 5 : i32
        %get3A_582 = arith.constant 6 : i32
        %get3A_583 = arith.index_cast %get3A_581 : i32 to index
        %get3A_584 = arith.index_cast %get3A_582 : i32 to index
        %get3A_585 = arith.index_cast %mul3A_574 : i32 to index
        %get3A_586 = tpu.vector_load %arg7[%get3A_583, %get3A_584, %get3A_585] {strides = array<i32>} : memref<8x16x768xf32, #tpu.memory_space<vmem>>, vector<16xf32>,
        %add3A_587 = arith.addf %get3A_580, %get3A_586 : vector<16xf32>
        %get3A_588 = arith.constant 6 : i32
        %get3A_589 = arith.constant 6 : i32
        %get3A_590 = arith.index_cast %get3A_588 : i32 to index
        %get3A_591 = arith.index_cast %get3A_589 : i32 to index
        %get3A_592 = arith.index_cast %mul3A_574 : i32 to index
        %get3A_593 = tpu.vector_load %arg7[%get3A_590, %get3A_591, %get3A_592] {strides = array<i32>} : memref<8x16x768xf32, #tpu.memory_space<vmem>>, vector<16xf32>,
        %get3A_594 = arith.constant 7 : i32
        %get3A_595 = arith.constant 6 : i32
        %get3A_596 = arith.index_cast %get3A_594 : i32 to index
        %get3A_597 = arith.index_cast %get3A_595 : i32 to index
        %get3A_598 = arith.index_cast %mul3A_574 : i32 to index
        %get3A_599 = tpu.vector_load %arg7[%get3A_596, %get3A_597, %get3A_598] {strides = array<i32>} : memref<8x16x768xf32, #tpu.memory_space<vmem>>, vector<16xf32>,
        %add3A_600 = arith.addf %get3A_593, %get3A_599 : vector<16xf32>
        %add3A_601 = arith.addf %add3A_587, %add3A_600 : vector<16xf32>
        %swap3A_602 = arith.constant 6 : i32
        %swap3A_603 = arith.index_cast %swap3A_602 : i32 to index
        %swap3A_604 = arith.index_cast %mul3A_574 : i32 to index
        %swap3A_605 = tpu.vector_load %arg8[%swap3A_603, %swap3A_604] {strides = array<i32>} : memref<16x768xf32, #tpu.memory_space<vmem>>, vector<16xf32>,
        tpu.vector_store %arg8[%swap3A_603, %swap3A_604], %add3A_601 {add = true, strides = array<i32>} : memref<16x768xf32, #tpu.memory_space<vmem>>, vector<16xf32>,
        %mul3A_606 = arith.constant 16 : i32
        %mul3A_607 = arith.muli %scan3A_375, %mul3A_606 : i32
        %get3A_608 = arith.constant 4 : i32
        %get3A_609 = arith.constant 7 : i32
        %get3A_610 = arith.index_cast %get3A_608 : i32 to index
        %get3A_611 = arith.index_cast %get3A_609 : i32 to index
        %get3A_612 = arith.index_cast %mul3A_607 : i32 to index
        %get3A_613 = tpu.vector_load %arg7[%get3A_610, %get3A_611, %get3A_612] {strides = array<i32>} : memref<8x16x768xf32, #tpu.memory_space<vmem>>, vector<16xf32>,
        %get3A_614 = arith.constant 5 : i32
        %get3A_615 = arith.constant 7 : i32
        %get3A_616 = arith.index_cast %get3A_614 : i32 to index
        %get3A_617 = arith.index_cast %get3A_615 : i32 to index
        %get3A_618 = arith.index_cast %mul3A_607 : i32 to index
        %get3A_619 = tpu.vector_load %arg7[%get3A_616, %get3A_617, %get3A_618] {strides = array<i32>} : memref<8x16x768xf32, #tpu.memory_space<vmem>>, vector<16xf32>,
        %add3A_620 = arith.addf %get3A_613, %get3A_619 : vector<16xf32>
        %get3A_621 = arith.constant 6 : i32
        %get3A_622 = arith.constant 7 : i32
        %get3A_623 = arith.index_cast %get3A_621 : i32 to index
        %get3A_624 = arith.index_cast %get3A_622 : i32 to index
        %get3A_625 = arith.index_cast %mul3A_607 : i32 to index
        %get3A_626 = tpu.vector_load %arg7[%get3A_623, %get3A_624, %get3A_625] {strides = array<i32>} : memref<8x16x768xf32, #tpu.memory_space<vmem>>, vector<16xf32>,
        %get3A_627 = arith.constant 7 : i32
        %get3A_628 = arith.constant 7 : i32
        %get3A_629 = arith.index_cast %get3A_627 : i32 to index
        %get3A_630 = arith.index_cast %get3A_628 : i32 to index
        %get3A_631 = arith.index_cast %mul3A_607 : i32 to index
        %get3A_632 = tpu.vector_load %arg7[%get3A_629, %get3A_630, %get3A_631] {strides = array<i32>} : memref<8x16x768xf32, #tpu.memory_space<vmem>>, vector<16xf32>,
        %add3A_633 = arith.addf %get3A_626, %get3A_632 : vector<16xf32>
        %add3A_634 = arith.addf %add3A_620, %add3A_633 : vector<16xf32>
        %swap3A_635 = arith.constant 7 : i32
        %swap3A_636 = arith.index_cast %swap3A_635 : i32 to index
        %swap3A_637 = arith.index_cast %mul3A_607 : i32 to index
        %swap3A_638 = tpu.vector_load %arg8[%swap3A_636, %swap3A_637] {strides = array<i32>} : memref<16x768xf32, #tpu.memory_space<vmem>>, vector<16xf32>,
        tpu.vector_store %arg8[%swap3A_636, %swap3A_637], %add3A_634 {add = true, strides = array<i32>} : memref<16x768xf32, #tpu.memory_space<vmem>>, vector<16xf32>,
        %mul3A_639 = arith.constant 16 : i32
        %mul3A_640 = arith.muli %scan3A_375, %mul3A_639 : i32
        %get3A_641 = arith.constant 4 : i32
        %get3A_642 = arith.constant 8 : i32
        %get3A_643 = arith.index_cast %get3A_641 : i32 to index
        %get3A_644 = arith.index_cast %get3A_642 : i32 to index
        %get3A_645 = arith.index_cast %mul3A_640 : i32 to index
        %get3A_646 = tpu.vector_load %arg7[%get3A_643, %get3A_644, %get3A_645] {strides = array<i32>} : memref<8x16x768xf32, #tpu.memory_space<vmem>>, vector<16xf32>,
        %get3A_647 = arith.constant 5 : i32
        %get3A_648 = arith.constant 8 : i32
        %get3A_649 = arith.index_cast %get3A_647 : i32 to index
        %get3A_650 = arith.index_cast %get3A_648 : i32 to index
        %get3A_651 = arith.index_cast %mul3A_640 : i32 to index
        %get3A_652 = tpu.vector_load %arg7[%get3A_649, %get3A_650, %get3A_651] {strides = array<i32>} : memref<8x16x768xf32, #tpu.memory_space<vmem>>, vector<16xf32>,
        %add3A_653 = arith.addf %get3A_646, %get3A_652 : vector<16xf32>
        %get3A_654 = arith.constant 6 : i32
        %get3A_655 = arith.constant 8 : i32
        %get3A_656 = arith.index_cast %get3A_654 : i32 to index
        %get3A_657 = arith.index_cast %get3A_655 : i32 to index
        %get3A_658 = arith.index_cast %mul3A_640 : i32 to index
        %get3A_659 = tpu.vector_load %arg7[%get3A_656, %get3A_657, %get3A_658] {strides = array<i32>} : memref<8x16x768xf32, #tpu.memory_space<vmem>>, vector<16xf32>,
        %get3A_660 = arith.constant 7 : i32
        %get3A_661 = arith.constant 8 : i32
        %get3A_662 = arith.index_cast %get3A_660 : i32 to index
        %get3A_663 = arith.index_cast %get3A_661 : i32 to index
        %get3A_664 = arith.index_cast %mul3A_640 : i32 to index
        %get3A_665 = tpu.vector_load %arg7[%get3A_662, %get3A_663, %get3A_664] {strides = array<i32>} : memref<8x16x768xf32, #tpu.memory_space<vmem>>, vector<16xf32>,
        %add3A_666 = arith.addf %get3A_659, %get3A_665 : vector<16xf32>
        %add3A_667 = arith.addf %add3A_653, %add3A_666 : vector<16xf32>
        %swap3A_668 = arith.constant 8 : i32
        %swap3A_669 = arith.index_cast %swap3A_668 : i32 to index
        %swap3A_670 = arith.index_cast %mul3A_640 : i32 to index
        %swap3A_671 = tpu.vector_load %arg8[%swap3A_669, %swap3A_670] {strides = array<i32>} : memref<16x768xf32, #tpu.memory_space<vmem>>, vector<16xf32>,
        tpu.vector_store %arg8[%swap3A_669, %swap3A_670], %add3A_667 {add = true, strides = array<i32>} : memref<16x768xf32, #tpu.memory_space<vmem>>, vector<16xf32>,
        %mul3A_672 = arith.constant 16 : i32
        %mul3A_673 = arith.muli %scan3A_375, %mul3A_672 : i32
        %get3A_674 = arith.constant 4 : i32
        %get3A_675 = arith.constant 9 : i32
        %get3A_676 = arith.index_cast %get3A_674 : i32 to index
        %get3A_677 = arith.index_cast %get3A_675 : i32 to index
        %get3A_678 = arith.index_cast %mul3A_673 : i32 to index
        %get3A_679 = tpu.vector_load %arg7[%get3A_676, %get3A_677, %get3A_678] {strides = array<i32>} : memref<8x16x768xf32, #tpu.memory_space<vmem>>, vector<16xf32>,
        %get3A_680 = arith.constant 5 : i32
        %get3A_681 = arith.constant 9 : i32
        %get3A_682 = arith.index_cast %get3A_680 : i32 to index
        %get3A_683 = arith.index_cast %get3A_681 : i32 to index
        %get3A_684 = arith.index_cast %mul3A_673 : i32 to index
        %get3A_685 = tpu.vector_load %arg7[%get3A_682, %get3A_683, %get3A_684] {strides = array<i32>} : memref<8x16x768xf32, #tpu.memory_space<vmem>>, vector<16xf32>,
        %add3A_686 = arith.addf %get3A_679, %get3A_685 : vector<16xf32>
        %get3A_687 = arith.constant 6 : i32
        %get3A_688 = arith.constant 9 : i32
        %get3A_689 = arith.index_cast %get3A_687 : i32 to index
        %get3A_690 = arith.index_cast %get3A_688 : i32 to index
        %get3A_691 = arith.index_cast %mul3A_673 : i32 to index
        %get3A_692 = tpu.vector_load %arg7[%get3A_689, %get3A_690, %get3A_691] {strides = array<i32>} : memref<8x16x768xf32, #tpu.memory_space<vmem>>, vector<16xf32>,
        %get3A_693 = arith.constant 7 : i32
        %get3A_694 = arith.constant 9 : i32
        %get3A_695 = arith.index_cast %get3A_693 : i32 to index
        %get3A_696 = arith.index_cast %get3A_694 : i32 to index
        %get3A_697 = arith.index_cast %mul3A_673 : i32 to index
        %get3A_698 = tpu.vector_load %arg7[%get3A_695, %get3A_696, %get3A_697] {strides = array<i32>} : memref<8x16x768xf32, #tpu.memory_space<vmem>>, vector<16xf32>,
        %add3A_699 = arith.addf %get3A_692, %get3A_698 : vector<16xf32>
        %add3A_700 = arith.addf %add3A_686, %add3A_699 : vector<16xf32>
        %swap3A_701 = arith.constant 9 : i32
        %swap3A_702 = arith.index_cast %swap3A_701 : i32 to index
        %swap3A_703 = arith.index_cast %mul3A_673 : i32 to index
        %swap3A_704 = tpu.vector_load %arg8[%swap3A_702, %swap3A_703] {strides = array<i32>} : memref<16x768xf32, #tpu.memory_space<vmem>>, vector<16xf32>,
        tpu.vector_store %arg8[%swap3A_702, %swap3A_703], %add3A_700 {add = true, strides = array<i32>} : memref<16x768xf32, #tpu.memory_space<vmem>>, vector<16xf32>,
        %mul3A_705 = arith.constant 16 : i32
        %mul3A_706 = arith.muli %scan3A_375, %mul3A_705 : i32
        %get3A_707 = arith.constant 4 : i32
        %get3A_708 = arith.constant 10 : i32
        %get3A_709 = arith.index_cast %get3A_707 : i32 to index
        %get3A_710 = arith.index_cast %get3A_708 : i32 to index
        %get3A_711 = arith.index_cast %mul3A_706 : i32 to index
        %get3A_712 = tpu.vector_load %arg7[%get3A_709, %get3A_710, %get3A_711] {strides = array<i32>} : memref<8x16x768xf32, #tpu.memory_space<vmem>>, vector<16xf32>,
        %get3A_713 = arith.constant 5 : i32
        %get3A_714 = arith.constant 10 : i32
        %get3A_715 = arith.index_cast %get3A_713 : i32 to index
        %get3A_716 = arith.index_cast %get3A_714 : i32 to index
        %get3A_717 = arith.index_cast %mul3A_706 : i32 to index
        %get3A_718 = tpu.vector_load %arg7[%get3A_715, %get3A_716, %get3A_717] {strides = array<i32>} : memref<8x16x768xf32, #tpu.memory_space<vmem>>, vector<16xf32>,
        %add3A_719 = arith.addf %get3A_712, %get3A_718 : vector<16xf32>
        %get3A_720 = arith.constant 6 : i32
        %get3A_721 = arith.constant 10 : i32
        %get3A_722 = arith.index_cast %get3A_720 : i32 to index
        %get3A_723 = arith.index_cast %get3A_721 : i32 to index
        %get3A_724 = arith.index_cast %mul3A_706 : i32 to index
        %get3A_725 = tpu.vector_load %arg7[%get3A_722, %get3A_723, %get3A_724] {strides = array<i32>} : memref<8x16x768xf32, #tpu.memory_space<vmem>>, vector<16xf32>,
        %get3A_726 = arith.constant 7 : i32
        %get3A_727 = arith.constant 10 : i32
        %get3A_728 = arith.index_cast %get3A_726 : i32 to index
        %get3A_729 = arith.index_cast %get3A_727 : i32 to index
        %get3A_730 = arith.index_cast %mul3A_706 : i32 to index
        %get3A_731 = tpu.vector_load %arg7[%get3A_728, %get3A_729, %get3A_730] {strides = array<i32>} : memref<8x16x768xf32, #tpu.memory_space<vmem>>, vector<16xf32>,
        %add3A_732 = arith.addf %get3A_725, %get3A_731 : vector<16xf32>
        %add3A_733 = arith.addf %add3A_719, %add3A_732 : vector<16xf32>
        %swap3A_734 = arith.constant 10 : i32
        %swap3A_735 = arith.index_cast %swap3A_734 : i32 to index
        %swap3A_736 = arith.index_cast %mul3A_706 : i32 to index
        %swap3A_737 = tpu.vector_load %arg8[%swap3A_735, %swap3A_736] {strides = array<i32>} : memref<16x768xf32, #tpu.memory_space<vmem>>, vector<16xf32>,
        tpu.vector_store %arg8[%swap3A_735, %swap3A_736], %add3A_733 {add = true, strides = array<i32>} : memref<16x768xf32, #tpu.memory_space<vmem>>, vector<16xf32>,
        %mul3A_738 = arith.constant 16 : i32
        %mul3A_739 = arith.muli %scan3A_375, %mul3A_738 : i32
        %get3A_740 = arith.constant 4 : i32
        %get3A_741 = arith.constant 11 : i32
        %get3A_742 = arith.index_cast %get3A_740 : i32 to index
        %get3A_743 = arith.index_cast %get3A_741 : i32 to index
        %get3A_744 = arith.index_cast %mul3A_739 : i32 to index
        %get3A_745 = tpu.vector_load %arg7[%get3A_742, %get3A_743, %get3A_744] {strides = array<i32>} : memref<8x16x768xf32, #tpu.memory_space<vmem>>, vector<16xf32>,
        %get3A_746 = arith.constant 5 : i32
        %get3A_747 = arith.constant 11 : i32
        %get3A_748 = arith.index_cast %get3A_746 : i32 to index
        %get3A_749 = arith.index_cast %get3A_747 : i32 to index
        %get3A_750 = arith.index_cast %mul3A_739 : i32 to index
        %get3A_751 = tpu.vector_load %arg7[%get3A_748, %get3A_749, %get3A_750] {strides = array<i32>} : memref<8x16x768xf32, #tpu.memory_space<vmem>>, vector<16xf32>,
        %add3A_752 = arith.addf %get3A_745, %get3A_751 : vector<16xf32>
        %get3A_753 = arith.constant 6 : i32
        %get3A_754 = arith.constant 11 : i32
        %get3A_755 = arith.index_cast %get3A_753 : i32 to index
        %get3A_756 = arith.index_cast %get3A_754 : i32 to index
        %get3A_757 = arith.index_cast %mul3A_739 : i32 to index
        %get3A_758 = tpu.vector_load %arg7[%get3A_755, %get3A_756, %get3A_757] {strides = array<i32>} : memref<8x16x768xf32, #tpu.memory_space<vmem>>, vector<16xf32>,
        %get3A_759 = arith.constant 7 : i32
        %get3A_760 = arith.constant 11 : i32
        %get3A_761 = arith.index_cast %get3A_759 : i32 to index
        %get3A_762 = arith.index_cast %get3A_760 : i32 to index
        %get3A_763 = arith.index_cast %mul3A_739 : i32 to index
        %get3A_764 = tpu.vector_load %arg7[%get3A_761, %get3A_762, %get3A_763] {strides = array<i32>} : memref<8x16x768xf32, #tpu.memory_space<vmem>>, vector<16xf32>,
        %add3A_765 = arith.addf %get3A_758, %get3A_764 : vector<16xf32>
        %add3A_766 = arith.addf %add3A_752, %add3A_765 : vector<16xf32>
        %swap3A_767 = arith.constant 11 : i32
        %swap3A_768 = arith.index_cast %swap3A_767 : i32 to index
        %swap3A_769 = arith.index_cast %mul3A_739 : i32 to index
        %swap3A_770 = tpu.vector_load %arg8[%swap3A_768, %swap3A_769] {strides = array<i32>} : memref<16x768xf32, #tpu.memory_space<vmem>>, vector<16xf32>,
        tpu.vector_store %arg8[%swap3A_768, %swap3A_769], %add3A_766 {add = true, strides = array<i32>} : memref<16x768xf32, #tpu.memory_space<vmem>>, vector<16xf32>,
        %mul3A_771 = arith.constant 16 : i32
        %mul3A_772 = arith.muli %scan3A_375, %mul3A_771 : i32
        %get3A_773 = arith.constant 4 : i32
        %get3A_774 = arith.constant 12 : i32
        %get3A_775 = arith.index_cast %get3A_773 : i32 to index
        %get3A_776 = arith.index_cast %get3A_774 : i32 to index
        %get3A_777 = arith.index_cast %mul3A_772 : i32 to index
        %get3A_778 = tpu.vector_load %arg7[%get3A_775, %get3A_776, %get3A_777] {strides = array<i32>} : memref<8x16x768xf32, #tpu.memory_space<vmem>>, vector<16xf32>,
        %get3A_779 = arith.constant 5 : i32
        %get3A_780 = arith.constant 12 : i32
        %get3A_781 = arith.index_cast %get3A_779 : i32 to index
        %get3A_782 = arith.index_cast %get3A_780 : i32 to index
        %get3A_783 = arith.index_cast %mul3A_772 : i32 to index
        %get3A_784 = tpu.vector_load %arg7[%get3A_781, %get3A_782, %get3A_783] {strides = array<i32>} : memref<8x16x768xf32, #tpu.memory_space<vmem>>, vector<16xf32>,
        %add3A_785 = arith.addf %get3A_778, %get3A_784 : vector<16xf32>
        %get3A_786 = arith.constant 6 : i32
        %get3A_787 = arith.constant 12 : i32
        %get3A_788 = arith.index_cast %get3A_786 : i32 to index
        %get3A_789 = arith.index_cast %get3A_787 : i32 to index
        %get3A_790 = arith.index_cast %mul3A_772 : i32 to index
        %get3A_791 = tpu.vector_load %arg7[%get3A_788, %get3A_789, %get3A_790] {strides = array<i32>} : memref<8x16x768xf32, #tpu.memory_space<vmem>>, vector<16xf32>,
        %get3A_792 = arith.constant 7 : i32
        %get3A_793 = arith.constant 12 : i32
        %get3A_794 = arith.index_cast %get3A_792 : i32 to index
        %get3A_795 = arith.index_cast %get3A_793 : i32 to index
        %get3A_796 = arith.index_cast %mul3A_772 : i32 to index
        %get3A_797 = tpu.vector_load %arg7[%get3A_794, %get3A_795, %get3A_796] {strides = array<i32>} : memref<8x16x768xf32, #tpu.memory_space<vmem>>, vector<16xf32>,
        %add3A_798 = arith.addf %get3A_791, %get3A_797 : vector<16xf32>
        %add3A_799 = arith.addf %add3A_785, %add3A_798 : vector<16xf32>
        %swap3A_800 = arith.constant 12 : i32
        %swap3A_801 = arith.index_cast %swap3A_800 : i32 to index
        %swap3A_802 = arith.index_cast %mul3A_772 : i32 to index
        %swap3A_803 = tpu.vector_load %arg8[%swap3A_801, %swap3A_802] {strides = array<i32>} : memref<16x768xf32, #tpu.memory_space<vmem>>, vector<16xf32>,
        tpu.vector_store %arg8[%swap3A_801, %swap3A_802], %add3A_799 {add = true, strides = array<i32>} : memref<16x768xf32, #tpu.memory_space<vmem>>, vector<16xf32>,
        %mul3A_804 = arith.constant 16 : i32
        %mul3A_805 = arith.muli %scan3A_375, %mul3A_804 : i32
        %get3A_806 = arith.constant 4 : i32
        %get3A_807 = arith.constant 13 : i32
        %get3A_808 = arith.index_cast %get3A_806 : i32 to index
        %get3A_809 = arith.index_cast %get3A_807 : i32 to index
        %get3A_810 = arith.index_cast %mul3A_805 : i32 to index
        %get3A_811 = tpu.vector_load %arg7[%get3A_808, %get3A_809, %get3A_810] {strides = array<i32>} : memref<8x16x768xf32, #tpu.memory_space<vmem>>, vector<16xf32>,
        %get3A_812 = arith.constant 5 : i32
        %get3A_813 = arith.constant 13 : i32
        %get3A_814 = arith.index_cast %get3A_812 : i32 to index
        %get3A_815 = arith.index_cast %get3A_813 : i32 to index
        %get3A_816 = arith.index_cast %mul3A_805 : i32 to index
        %get3A_817 = tpu.vector_load %arg7[%get3A_814, %get3A_815, %get3A_816] {strides = array<i32>} : memref<8x16x768xf32, #tpu.memory_space<vmem>>, vector<16xf32>,
        %add3A_818 = arith.addf %get3A_811, %get3A_817 : vector<16xf32>
        %get3A_819 = arith.constant 6 : i32
        %get3A_820 = arith.constant 13 : i32
        %get3A_821 = arith.index_cast %get3A_819 : i32 to index
        %get3A_822 = arith.index_cast %get3A_820 : i32 to index
        %get3A_823 = arith.index_cast %mul3A_805 : i32 to index
        %get3A_824 = tpu.vector_load %arg7[%get3A_821, %get3A_822, %get3A_823] {strides = array<i32>} : memref<8x16x768xf32, #tpu.memory_space<vmem>>, vector<16xf32>,
        %get3A_825 = arith.constant 7 : i32
        %get3A_826 = arith.constant 13 : i32
        %get3A_827 = arith.index_cast %get3A_825 : i32 to index
        %get3A_828 = arith.index_cast %get3A_826 : i32 to index
        %get3A_829 = arith.index_cast %mul3A_805 : i32 to index
        %get3A_830 = tpu.vector_load %arg7[%get3A_827, %get3A_828, %get3A_829] {strides = array<i32>} : memref<8x16x768xf32, #tpu.memory_space<vmem>>, vector<16xf32>,
        %add3A_831 = arith.addf %get3A_824, %get3A_830 : vector<16xf32>
        %add3A_832 = arith.addf %add3A_818, %add3A_831 : vector<16xf32>
        %swap3A_833 = arith.constant 13 : i32
        %swap3A_834 = arith.index_cast %swap3A_833 : i32 to index
        %swap3A_835 = arith.index_cast %mul3A_805 : i32 to index
        %swap3A_836 = tpu.vector_load %arg8[%swap3A_834, %swap3A_835] {strides = array<i32>} : memref<16x768xf32, #tpu.memory_space<vmem>>, vector<16xf32>,
        tpu.vector_store %arg8[%swap3A_834, %swap3A_835], %add3A_832 {add = true, strides = array<i32>} : memref<16x768xf32, #tpu.memory_space<vmem>>, vector<16xf32>,
        %mul3A_837 = arith.constant 16 : i32
        %mul3A_838 = arith.muli %scan3A_375, %mul3A_837 : i32
        %get3A_839 = arith.constant 4 : i32
        %get3A_840 = arith.constant 14 : i32
        %get3A_841 = arith.index_cast %get3A_839 : i32 to index
        %get3A_842 = arith.index_cast %get3A_840 : i32 to index
        %get3A_843 = arith.index_cast %mul3A_838 : i32 to index
        %get3A_844 = tpu.vector_load %arg7[%get3A_841, %get3A_842, %get3A_843] {strides = array<i32>} : memref<8x16x768xf32, #tpu.memory_space<vmem>>, vector<16xf32>,
        %get3A_845 = arith.constant 5 : i32
        %get3A_846 = arith.constant 14 : i32
        %get3A_847 = arith.index_cast %get3A_845 : i32 to index
        %get3A_848 = arith.index_cast %get3A_846 : i32 to index
        %get3A_849 = arith.index_cast %mul3A_838 : i32 to index
        %get3A_850 = tpu.vector_load %arg7[%get3A_847, %get3A_848, %get3A_849] {strides = array<i32>} : memref<8x16x768xf32, #tpu.memory_space<vmem>>, vector<16xf32>,
        %add3A_851 = arith.addf %get3A_844, %get3A_850 : vector<16xf32>
        %get3A_852 = arith.constant 6 : i32
        %get3A_853 = arith.constant 14 : i32
        %get3A_854 = arith.index_cast %get3A_852 : i32 to index
        %get3A_855 = arith.index_cast %get3A_853 : i32 to index
        %get3A_856 = arith.index_cast %mul3A_838 : i32 to index
        %get3A_857 = tpu.vector_load %arg7[%get3A_854, %get3A_855, %get3A_856] {strides = array<i32>} : memref<8x16x768xf32, #tpu.memory_space<vmem>>, vector<16xf32>,
        %get3A_858 = arith.constant 7 : i32
        %get3A_859 = arith.constant 14 : i32
        %get3A_860 = arith.index_cast %get3A_858 : i32 to index
        %get3A_861 = arith.index_cast %get3A_859 : i32 to index
        %get3A_862 = arith.index_cast %mul3A_838 : i32 to index
        %get3A_863 = tpu.vector_load %arg7[%get3A_860, %get3A_861, %get3A_862] {strides = array<i32>} : memref<8x16x768xf32, #tpu.memory_space<vmem>>, vector<16xf32>,
        %add3A_864 = arith.addf %get3A_857, %get3A_863 : vector<16xf32>
        %add3A_865 = arith.addf %add3A_851, %add3A_864 : vector<16xf32>
        %swap3A_866 = arith.constant 14 : i32
        %swap3A_867 = arith.index_cast %swap3A_866 : i32 to index
        %swap3A_868 = arith.index_cast %mul3A_838 : i32 to index
        %swap3A_869 = tpu.vector_load %arg8[%swap3A_867, %swap3A_868] {strides = array<i32>} : memref<16x768xf32, #tpu.memory_space<vmem>>, vector<16xf32>,
        tpu.vector_store %arg8[%swap3A_867, %swap3A_868], %add3A_865 {add = true, strides = array<i32>} : memref<16x768xf32, #tpu.memory_space<vmem>>, vector<16xf32>,
        %mul3A_870 = arith.constant 16 : i32
        %mul3A_871 = arith.muli %scan3A_375, %mul3A_870 : i32
        %get3A_872 = arith.constant 4 : i32
        %get3A_873 = arith.constant 15 : i32
        %get3A_874 = arith.index_cast %get3A_872 : i32 to index
        %get3A_875 = arith.index_cast %get3A_873 : i32 to index
        %get3A_876 = arith.index_cast %mul3A_871 : i32 to index
        %get3A_877 = tpu.vector_load %arg7[%get3A_874, %get3A_875, %get3A_876] {strides = array<i32>} : memref<8x16x768xf32, #tpu.memory_space<vmem>>, vector<16xf32>,
        %get3A_878 = arith.constant 5 : i32
        %get3A_879 = arith.constant 15 : i32
        %get3A_880 = arith.index_cast %get3A_878 : i32 to index
        %get3A_881 = arith.index_cast %get3A_879 : i32 to index
        %get3A_882 = arith.index_cast %mul3A_871 : i32 to index
        %get3A_883 = tpu.vector_load %arg7[%get3A_880, %get3A_881, %get3A_882] {strides = array<i32>} : memref<8x16x768xf32, #tpu.memory_space<vmem>>, vector<16xf32>,
        %add3A_884 = arith.addf %get3A_877, %get3A_883 : vector<16xf32>
        %get3A_885 = arith.constant 6 : i32
        %get3A_886 = arith.constant 15 : i32
        %get3A_887 = arith.index_cast %get3A_885 : i32 to index
        %get3A_888 = arith.index_cast %get3A_886 : i32 to index
        %get3A_889 = arith.index_cast %mul3A_871 : i32 to index
        %get3A_890 = tpu.vector_load %arg7[%get3A_887, %get3A_888, %get3A_889] {strides = array<i32>} : memref<8x16x768xf32, #tpu.memory_space<vmem>>, vector<16xf32>,
        %get3A_891 = arith.constant 7 : i32
        %get3A_892 = arith.constant 15 : i32
        %get3A_893 = arith.index_cast %get3A_891 : i32 to index
        %get3A_894 = arith.index_cast %get3A_892 : i32 to index
        %get3A_895 = arith.index_cast %mul3A_871 : i32 to index
        %get3A_896 = tpu.vector_load %arg7[%get3A_893, %get3A_894, %get3A_895] {strides = array<i32>} : memref<8x16x768xf32, #tpu.memory_space<vmem>>, vector<16xf32>,
        %add3A_897 = arith.addf %get3A_890, %get3A_896 : vector<16xf32>
        %add3A_898 = arith.addf %add3A_884, %add3A_897 : vector<16xf32>
        %swap3A_899 = arith.constant 15 : i32
        %swap3A_900 = arith.index_cast %swap3A_899 : i32 to index
        %swap3A_901 = arith.index_cast %mul3A_871 : i32 to index
        %swap3A_902 = tpu.vector_load %arg8[%swap3A_900, %swap3A_901] {strides = array<i32>} : memref<16x768xf32, #tpu.memory_space<vmem>>, vector<16xf32>,
        tpu.vector_store %arg8[%swap3A_900, %swap3A_901], %add3A_898 {add = true, strides = array<i32>} : memref<16x768xf32, #tpu.memory_space<vmem>>, vector<16xf32>,
        %scan3A_903 = arith.constant 0 : i32
        scf.yield %scan3A_903 : i32
      }
      %scan3A_337 = arith.constant 48 : i32
      %add3A_338 = arith.constant 8 : i32
      %add3A_339 = arith.addi %add3A_262, %add3A_338 : i32
      %add3A_340 = arith.constant 0 : i32
      %add3A_341 = arith.addi %add3A_339, %add3A_340 : i32
      %lt3A_342 = arith.constant 64 : i32
      %lt3A_343 = arith.cmpi slt, %add3A_341, %lt3A_342 : i32
      %convert_element_type3A_344 = arith.extui %lt3A_343 : i1 to i32
      %cond3A_345 = arith.constant 0 : i32
      %cond3A_346 = arith.cmpi ne, %convert_element_type3A_344, %cond3A_345 : i32
      scf.if %cond3A_346 {
        %add3A_375 = arith.constant 8 : i32
        %add3A_376 = arith.addi %add3A_262, %add3A_375 : i32
        %add3A_377 = arith.constant 0 : i32
        %add3A_378 = arith.addi %add3A_376, %add3A_377 : i32
        %mul3A_379 = arith.constant 16 : i32
        %mul3A_380 = arith.muli %add3A_378, %mul3A_379 : i32
        %dma_start3A_381 = arith.constant 4 : i32
        %dma_start3A_382 = arith.constant 0 : i32
        %dma_start3A_383 = arith.constant 0 : i32
        %dma_start3A_384 = tpu.memref_slice %arg7[%dma_start3A_381, %dma_start3A_382, %dma_start3A_383] : memref<8x16x768xf32, #tpu.memory_space<vmem>> -> memref<1x16x768xf32, #tpu.memory_space<vmem>>
        %dma_start3A_385 = tpu.memref_squeeze %dma_start3A_384 : memref<1x16x768xf32, #tpu.memory_space<vmem>> -> memref<16x768xf32, #tpu.memory_space<vmem>>
        %dma_start3A_386 = tpu.memref_slice %arg6[%mul3A_380] : memref<1024xi32, #tpu.memory_space<vmem>> -> memref<16xi32, #tpu.memory_space<vmem>>
        %dma_start3A_387 = arith.constant 0 : i32
        %dma_start3A_388 = arith.constant 0 : i32
        %dma_start3A_389 = tpu.memref_slice %arg3[%add3A_378, %dma_start3A_387, %dma_start3A_388] : memref<64x513x768xf32, #tpu.memory_space<hbm>> -> memref<1x513x768xf32, #tpu.memory_space<hbm>>
        %dma_start3A_390 = tpu.memref_squeeze %dma_start3A_389 : memref<1x513x768xf32, #tpu.memory_space<hbm>> -> memref<513x768xf32, #tpu.memory_space<hbm>>
        %dma_start3A_391 = arith.constant 0 : i32
        %dma_start3A_392 = arith.constant 0 : i32
        %dma_start3A_393 = tpu.memref_slice %dma_start3A_390[%dma_start3A_391, %dma_start3A_392] : memref<513x768xf32, #tpu.memory_space<hbm>> -> memref<513x768xf32, #tpu.memory_space<hbm>>
        tpu.enqueue_indirect_dma source(%dma_start3A_393 : memref<513x768xf32, #tpu.memory_space<hbm>>) target(%dma_start3A_385 : memref<16x768xf32, #tpu.memory_space<vmem>>) offsets(%dma_start3A_386 : memref<16xi32, #tpu.memory_space<vmem>>) semaphore(%arg13 : memref<!tpu.dma_semaphore, #tpu.memory_space<semaphore_mem>>)
      } else {
      }
      %add3A_347 = arith.constant 8 : i32
      %add3A_348 = arith.addi %add3A_262, %add3A_347 : i32
      %add3A_349 = arith.constant 1 : i32
      %add3A_350 = arith.addi %add3A_348, %add3A_349 : i32
      %lt3A_351 = arith.constant 64 : i32
      %lt3A_352 = arith.cmpi slt, %add3A_350, %lt3A_351 : i32
      %convert_element_type3A_353 = arith.extui %lt3A_352 : i1 to i32
      %cond3A_354 = arith.constant 0 : i32
      %cond3A_355 = arith.cmpi ne, %convert_element_type3A_353, %cond3A_354 : i32
      scf.if %cond3A_355 {
        %add3A_375 = arith.constant 8 : i32
        %add3A_376 = arith.addi %add3A_262, %add3A_375 : i32
        %add3A_377 = arith.constant 1 : i32
        %add3A_378 = arith.addi %add3A_376, %add3A_377 : i32
        %mul3A_379 = arith.constant 16 : i32
        %mul3A_380 = arith.muli %add3A_378, %mul3A_379 : i32
        %dma_start3A_381 = arith.constant 5 : i32
        %dma_start3A_382 = arith.constant 0 : i32
        %dma_start3A_383 = arith.constant 0 : i32
        %dma_start3A_384 = tpu.memref_slice %arg7[%dma_start3A_381, %dma_start3A_382, %dma_start3A_383] : memref<8x16x768xf32, #tpu.memory_space<vmem>> -> memref<1x16x768xf32, #tpu.memory_space<vmem>>
        %dma_start3A_385 = tpu.memref_squeeze %dma_start3A_384 : memref<1x16x768xf32, #tpu.memory_space<vmem>> -> memref<16x768xf32, #tpu.memory_space<vmem>>
        %dma_start3A_386 = tpu.memref_slice %arg6[%mul3A_380] : memref<1024xi32, #tpu.memory_space<vmem>> -> memref<16xi32, #tpu.memory_space<vmem>>
        %dma_start3A_387 = arith.constant 0 : i32
        %dma_start3A_388 = arith.constant 0 : i32
        %dma_start3A_389 = tpu.memref_slice %arg3[%add3A_378, %dma_start3A_387, %dma_start3A_388] : memref<64x513x768xf32, #tpu.memory_space<hbm>> -> memref<1x513x768xf32, #tpu.memory_space<hbm>>
        %dma_start3A_390 = tpu.memref_squeeze %dma_start3A_389 : memref<1x513x768xf32, #tpu.memory_space<hbm>> -> memref<513x768xf32, #tpu.memory_space<hbm>>
        %dma_start3A_391 = arith.constant 0 : i32
        %dma_start3A_392 = arith.constant 0 : i32
        %dma_start3A_393 = tpu.memref_slice %dma_start3A_390[%dma_start3A_391, %dma_start3A_392] : memref<513x768xf32, #tpu.memory_space<hbm>> -> memref<513x768xf32, #tpu.memory_space<hbm>>
        tpu.enqueue_indirect_dma source(%dma_start3A_393 : memref<513x768xf32, #tpu.memory_space<hbm>>) target(%dma_start3A_385 : memref<16x768xf32, #tpu.memory_space<vmem>>) offsets(%dma_start3A_386 : memref<16xi32, #tpu.memory_space<vmem>>) semaphore(%arg14 : memref<!tpu.dma_semaphore, #tpu.memory_space<semaphore_mem>>)
      } else {
      }
      %add3A_356 = arith.constant 8 : i32
      %add3A_357 = arith.addi %add3A_262, %add3A_356 : i32
      %add3A_358 = arith.constant 2 : i32
      %add3A_359 = arith.addi %add3A_357, %add3A_358 : i32
      %lt3A_360 = arith.constant 64 : i32
      %lt3A_361 = arith.cmpi slt, %add3A_359, %lt3A_360 : i32
      %convert_element_type3A_362 = arith.extui %lt3A_361 : i1 to i32
      %cond3A_363 = arith.constant 0 : i32
      %cond3A_364 = arith.cmpi ne, %convert_element_type3A_362, %cond3A_363 : i32
      scf.if %cond3A_364 {
        %add3A_375 = arith.constant 8 : i32
        %add3A_376 = arith.addi %add3A_262, %add3A_375 : i32
        %add3A_377 = arith.constant 2 : i32
        %add3A_378 = arith.addi %add3A_376, %add3A_377 : i32
        %mul3A_379 = arith.constant 16 : i32
        %mul3A_380 = arith.muli %add3A_378, %mul3A_379 : i32
        %dma_start3A_381 = arith.constant 6 : i32
        %dma_start3A_382 = arith.constant 0 : i32
        %dma_start3A_383 = arith.constant 0 : i32
        %dma_start3A_384 = tpu.memref_slice %arg7[%dma_start3A_381, %dma_start3A_382, %dma_start3A_383] : memref<8x16x768xf32, #tpu.memory_space<vmem>> -> memref<1x16x768xf32, #tpu.memory_space<vmem>>
        %dma_start3A_385 = tpu.memref_squeeze %dma_start3A_384 : memref<1x16x768xf32, #tpu.memory_space<vmem>> -> memref<16x768xf32, #tpu.memory_space<vmem>>
        %dma_start3A_386 = tpu.memref_slice %arg6[%mul3A_380] : memref<1024xi32, #tpu.memory_space<vmem>> -> memref<16xi32, #tpu.memory_space<vmem>>
        %dma_start3A_387 = arith.constant 0 : i32
        %dma_start3A_388 = arith.constant 0 : i32
        %dma_start3A_389 = tpu.memref_slice %arg3[%add3A_378, %dma_start3A_387, %dma_start3A_388] : memref<64x513x768xf32, #tpu.memory_space<hbm>> -> memref<1x513x768xf32, #tpu.memory_space<hbm>>
        %dma_start3A_390 = tpu.memref_squeeze %dma_start3A_389 : memref<1x513x768xf32, #tpu.memory_space<hbm>> -> memref<513x768xf32, #tpu.memory_space<hbm>>
        %dma_start3A_391 = arith.constant 0 : i32
        %dma_start3A_392 = arith.constant 0 : i32
        %dma_start3A_393 = tpu.memref_slice %dma_start3A_390[%dma_start3A_391, %dma_start3A_392] : memref<513x768xf32, #tpu.memory_space<hbm>> -> memref<513x768xf32, #tpu.memory_space<hbm>>
        tpu.enqueue_indirect_dma source(%dma_start3A_393 : memref<513x768xf32, #tpu.memory_space<hbm>>) target(%dma_start3A_385 : memref<16x768xf32, #tpu.memory_space<vmem>>) offsets(%dma_start3A_386 : memref<16xi32, #tpu.memory_space<vmem>>) semaphore(%arg15 : memref<!tpu.dma_semaphore, #tpu.memory_space<semaphore_mem>>)
      } else {
      }
      %add3A_365 = arith.constant 8 : i32
      %add3A_366 = arith.addi %add3A_262, %add3A_365 : i32
      %add3A_367 = arith.constant 3 : i32
      %add3A_368 = arith.addi %add3A_366, %add3A_367 : i32
      %lt3A_369 = arith.constant 64 : i32
      %lt3A_370 = arith.cmpi slt, %add3A_368, %lt3A_369 : i32
      %convert_element_type3A_371 = arith.extui %lt3A_370 : i1 to i32
      %cond3A_372 = arith.constant 0 : i32
      %cond3A_373 = arith.cmpi ne, %convert_element_type3A_371, %cond3A_372 : i32
      scf.if %cond3A_373 {
        %add3A_375 = arith.constant 8 : i32
        %add3A_376 = arith.addi %add3A_262, %add3A_375 : i32
        %add3A_377 = arith.constant 3 : i32
        %add3A_378 = arith.addi %add3A_376, %add3A_377 : i32
        %mul3A_379 = arith.constant 16 : i32
        %mul3A_380 = arith.muli %add3A_378, %mul3A_379 : i32
        %dma_start3A_381 = arith.constant 7 : i32
        %dma_start3A_382 = arith.constant 0 : i32
        %dma_start3A_383 = arith.constant 0 : i32
        %dma_start3A_384 = tpu.memref_slice %arg7[%dma_start3A_381, %dma_start3A_382, %dma_start3A_383] : memref<8x16x768xf32, #tpu.memory_space<vmem>> -> memref<1x16x768xf32, #tpu.memory_space<vmem>>
        %dma_start3A_385 = tpu.memref_squeeze %dma_start3A_384 : memref<1x16x768xf32, #tpu.memory_space<vmem>> -> memref<16x768xf32, #tpu.memory_space<vmem>>
        %dma_start3A_386 = tpu.memref_slice %arg6[%mul3A_380] : memref<1024xi32, #tpu.memory_space<vmem>> -> memref<16xi32, #tpu.memory_space<vmem>>
        %dma_start3A_387 = arith.constant 0 : i32
        %dma_start3A_388 = arith.constant 0 : i32
        %dma_start3A_389 = tpu.memref_slice %arg3[%add3A_378, %dma_start3A_387, %dma_start3A_388] : memref<64x513x768xf32, #tpu.memory_space<hbm>> -> memref<1x513x768xf32, #tpu.memory_space<hbm>>
        %dma_start3A_390 = tpu.memref_squeeze %dma_start3A_389 : memref<1x513x768xf32, #tpu.memory_space<hbm>> -> memref<513x768xf32, #tpu.memory_space<hbm>>
        %dma_start3A_391 = arith.constant 0 : i32
        %dma_start3A_392 = arith.constant 0 : i32
        %dma_start3A_393 = tpu.memref_slice %dma_start3A_390[%dma_start3A_391, %dma_start3A_392] : memref<513x768xf32, #tpu.memory_space<hbm>> -> memref<513x768xf32, #tpu.memory_space<hbm>>
        tpu.enqueue_indirect_dma source(%dma_start3A_393 : memref<513x768xf32, #tpu.memory_space<hbm>>) target(%dma_start3A_385 : memref<16x768xf32, #tpu.memory_space<vmem>>) offsets(%dma_start3A_386 : memref<16xi32, #tpu.memory_space<vmem>>) semaphore(%arg16 : memref<!tpu.dma_semaphore, #tpu.memory_space<semaphore_mem>>)
      } else {
      }
      %scan3A_374 = arith.constant 0 : i32
      scf.yield %scan3A_374 : i32
    }
    %scan3A_145 = arith.constant 8 : i32
    %mul3A_146 = arith.constant 16 : i32
    %mul3A_147 = arith.muli %add3A, %mul3A_146 : i32
    "tpu.region"() ({
      %run_scoped3A = tpu.sem_alloc : memref<!tpu.dma_semaphore, #tpu.memory_space<semaphore_mem>>
      %dma_start3A_148 = arith.constant 0 : i32
      %dma_start3A_149 = tpu.memref_slice %arg4[%mul3A_147, %dma_start3A_148] : memref<512x768xf32, #tpu.memory_space<hbm>> -> memref<16x768xf32, #tpu.memory_space<hbm>>
      %dma_start3A_150 = arith.constant 0 : i32
      %dma_start3A_151 = tpu.memref_slice %arg4[%mul3A_147, %dma_start3A_150] : memref<512x768xf32, #tpu.memory_space<hbm>> -> memref<16x768xf32, #tpu.memory_space<hbm>>
      tpu.enqueue_dma source(%arg8 : memref<16x768xf32, #tpu.memory_space<vmem>>) target(%dma_start3A_151 : memref<16x768xf32, #tpu.memory_space<hbm>>) target_semaphore(%run_scoped3A : memref<!tpu.dma_semaphore, #tpu.memory_space<semaphore_mem>>)
      %dma_wait3A = arith.constant 0 : i32
      %dma_wait3A_152 = tpu.memref_slice %arg4[%mul3A_147, %dma_wait3A] : memref<512x768xf32, #tpu.memory_space<hbm>> -> memref<16x768xf32, #tpu.memory_space<hbm>>
      %dma_wait3A_153 = arith.constant 0 : i32
      %dma_wait3A_154 = tpu.memref_slice %arg4[%mul3A_147, %dma_wait3A_153] : memref<512x768xf32, #tpu.memory_space<hbm>> -> memref<16x768xf32, #tpu.memory_space<hbm>>
      tpu.wait_dma2 semaphore(%run_scoped3A : memref<!tpu.dma_semaphore, #tpu.memory_space<semaphore_mem>>) src(%arg8 : memref<16x768xf32, #tpu.memory_space<vmem>>) dst(%dma_wait3A_154 : memref<16x768xf32, #tpu.memory_space<hbm>>)
      tpu.yield
    }) : () -> ()
    return
  }
}

</mosaic_0001>

<sc_bundles>
// kernel: kernel.3.cloned.1.call-start
scs
__scs_entry_jumppad:
0x0: {  	(pc) =	sbr.rel $0x88, $3  }
0x1: {  	(tag) =	ssettag $0x0;
	lr =	simm.s32 $0x1  }
0x2: {  	[smem:$0x3F9F] =	sst lr;
	_ =	strace $0xD0000000  }
0x3: {  	_ = 	snop  }
0x4: {  	_ = 	snop  }
0x5: {  	_ = 	snop  }
0x6: {  	_ = 	snop  }
0x7: {  	_ = 	snop  }
__scs_overlays_trampoline_lowered:
0x8: {  	[smem:$0x3FAE] =	sst s0  }
0x9: {  	[smem:$0x3FAF] =	sst s1  }
0xa: {  	[smem:$0x3FB0] =	sst s2  }
0xb: {  	[smem:$0x3FB1] =	sst s3  }
0xc: {  	[smem:$0x3FB2] =	sst s4  }
0xd: {  	[smem:$0x3FB3] =	sst s5  }
0xe: {  	[smem:$0x3FB4] =	sst s6  }
0xf: {  	[smem:$0x3FB5] =	sst s7  }
0x10: {  	[smem:$0x3FB6] =	sst s8  }
0x11: {  	[smem:$0x3FB7] =	sst s9;
	s0 =	simm.s32 @!p0 $0x0  }
0x12: {  	s1 =	sld [smem:$0x3F9D];
	s0 =	simm.s32 @p0 $0x1  }
0x13: {  	[smem:$0x3FB8] =	sst s0;
	s0 =	simm.s32 @!p1 $0x0  }
0x14: {  	s2 =	sld [smem:$0x3F9C];
	s0 =	simm.s32 @p1 $0x1  }
0x15: {  	[smem:$0x3FB9] =	sst s0;
	s0 =	simm.s32 @!p2 $0x0  }
0x16: {  	s3 =	sld [smem:$0x3FDB];
	s0 =	simm.s32 @p2 $0x1  }
0x17: {  	s4 =	simm.s32 $0x1BF5;
	[smem:$0x3FBB] =	sst s0  }
0x18: {  	s0 =	sld [smem:$0x3F9E];
	_ =	swait.ge [sflag:s4], $0x0  }
0x19: {  	s7 =	sld [smem:$0x3F9F]  }
0x1a: {  	s8 =	sadd.s32 $0xFFFFE003, lr  }
0x1b: {  	s9 =	sadd.s32 $0xFFFFFEF7, lr;
	s5 =	simm.s32 $0xFFFFFFFF;
	p2 =	slt.u32 s8, $0xFFFFF086  }
0x1c: {  	p1 =	slt.u32 s9, $0xF7A;
	s5 =	simm.s32 @!p2 $0x0  }
0x1d: {  	s5 =	simm.s32 @p1 $0x1;
	p0 =	seq.s32 s7, s2  }
0x1e: {  	s7 =	smul.u32 @!p0 $0xF7A, s2;
	p2 =	seq.s32 @!p0 s5, $0x0  }
0x1f: {  	s9 =	smul.u32 $0xF7A, s1;
	s8 =	simm.s32 @!p0 $0x1BF5;
	p2 =	por !p2, p0  }
0x20: {  	[sflag:s8] =	ssyncset.s32 @!p0 $0xFFFFF086;
	s6 =	sadd.s32 @!p0 s3, s7;
	s7 =	simm.s32 @!p0 $0x108  }
0x21: {  	s3 =	sadd.s32 s3, s9;
	s6 =	sadd.s32 @!p0 $0x88, s6;
	s7 =	simm.s32 @p2 $0x1082  }
0x22: {  	[simem:s7], [sflag:s8] =	dma.local @!p0 [hbm:s6], $0xF7A  }
0x23: {  	s9 =	sor.u32 $0xD0000000, s2;
	s6 =	simm.s32 $0x108;
	_ =	swait.ge @!p0 [sflag:s8], $0x0  }
0x24: {  	s3 =	sadd.s32 $0x88, s3;
	s6 =	simm.s32 @!p1 $0x1082;
	[sflag:s4] =	ssyncset.s32 $0xFFFFF086  }
0x25: {  	[simem:s6], [sflag:s4] =	dma.local [hbm:s3], $0xF7A  }
0x26: {  	[smem:$0x3F9F] =	sst s1;
	(tag) =	ssettag s2;
	_ =	strace s9  }
0x27: {  	s1 =	sld [smem:$0x3FAF]  }
0x28: {  	s2 =	sld [smem:$0x3FB0]  }
0x29: {  	s4 =	sld [smem:$0x3FB2]  }
0x2a: {  	p0 =	seq.s32 s5, $0x0;
	s5 =	sld [smem:$0x3FB3]  }
0x2b: {  	s6 =	sld [smem:$0x3FB4]  }
0x2c: {  	s7 =	sld [smem:$0x3FB5]  }
0x2d: {  	s3 =	simm.s32 $0x108;
	s8 =	sld [smem:$0x3FB6]  }
0x2e: {  	s3 =	simm.s32 @!p0 $0x1082;
	s9 =	sld [smem:$0x3FB7]  }
0x2f: {  	lr =	sadd.s32 s0, s3;
	s0 =	sld [smem:$0x3FAE]  }
0x30: {  	s3 =	sld [smem:$0x3FB1]  }
0x31: {  	[smem:$0x3FBA] =	sst s10  }
0x32: {  	s10 =	sld [smem:$0x3FB8];
	_ =	sdelay $0x3  }
0x33: {  	p0 =	seq.s32 s10, $0x1;
	s10 =	sld [smem:$0x3FBA];
	_ =	sdelay $0x3  }
0x34: {  	[smem:$0x3FBA] =	sst s10  }
0x35: {  	s10 =	sld [smem:$0x3FB9];
	_ =	sdelay $0x3  }
0x36: {  	p1 =	seq.s32 s10, $0x1;
	s10 =	sld [smem:$0x3FBA];
	_ =	sdelay $0x3  }
0x37: {  	[smem:$0x3FBA] =	sst s10  }
0x38: {  	s10 =	sld [smem:$0x3FBB]  }
0x39: {  	_ = 	snop;
	(pc) =	sbr.ind lr, $3  }
0x3a: {  	_ = 	snop  }
0x3b: {  	_ = 	snop  }
0x3c: {  	p2 =	seq.s32 s10, $0x1;
	s10 =	sld [smem:$0x3FBA]  }
0x3d: {  	_ =	shalt  }
0x3e: {  	_ =	shalt  }
0x3f: {  	_ =	shalt  }
0x40: {  	_ =	shalt  }
0x41: {  	_ =	shalt  }
0x42: {  	_ =	shalt  }
0x43: {  	_ =	shalt  }
0x44: {  	_ =	shalt  }
0x45: {  	_ =	shalt  }
0x46: {  	_ =	shalt  }
0x47: {  	_ =	shalt  }
0x48: {  	_ =	shalt  }
0x49: {  	_ =	shalt  }
0x4a: {  	_ =	shalt  }
0x4b: {  	_ =	shalt  }
0x4c: {  	_ =	shalt  }
0x4d: {  	_ =	shalt  }
0x4e: {  	_ =	shalt  }
0x4f: {  	_ =	shalt  }
0x50: {  	_ =	shalt  }
0x51: {  	_ =	shalt  }
0x52: {  	_ =	shalt  }
0x53: {  	_ =	shalt  }
0x54: {  	_ =	shalt  }
0x55: {  	_ =	shalt  }
0x56: {  	_ =	shalt  }
0x57: {  	_ =	shalt  }
0x58: {  	_ =	shalt  }
0x59: {  	_ =	shalt  }
0x5a: {  	_ =	shalt  }
0x5b: {  	_ =	shalt  }
0x5c: {  	_ =	shalt  }
0x5d: {  	_ =	shalt  }
0x5e: {  	_ =	shalt  }
0x5f: {  	_ =	shalt  }
0x60: {  	_ =	shalt  }
0x61: {  	_ =	shalt  }
0x62: {  	_ =	shalt  }
0x63: {  	_ =	shalt  }
0x64: {  	_ =	shalt  }
0x65: {  	_ =	shalt  }
0x66: {  	_ =	shalt  }
0x67: {  	_ =	shalt  }
0x68: {  	_ =	shalt  }
0x69: {  	_ =	shalt  }
0x6a: {  	_ =	shalt  }
0x6b: {  	_ =	shalt  }
0x6c: {  	_ =	shalt  }
0x6d: {  	_ =	shalt  }
0x6e: {  	_ =	shalt  }
0x6f: {  	_ =	shalt  }
0x70: {  	_ =	shalt  }
0x71: {  	_ =	shalt  }
0x72: {  	_ =	shalt  }
0x73: {  	_ =	shalt  }
0x74: {  	_ =	shalt  }
0x75: {  	_ =	shalt  }
0x76: {  	_ =	shalt  }
0x77: {  	_ =	shalt  }
0x78: {  	_ =	shalt  }
0x79: {  	_ =	shalt  }
0x7a: {  	_ =	shalt  }
0x7b: {  	_ =	shalt  }
0x7c: {  	_ =	shalt  }
0x7d: {  	_ =	shalt  }
0x7e: {  	_ =	shalt  }
0x7f: {  	_ =	shalt  }
0x80: {  	_ =	shalt  }
0x81: {  	_ =	shalt  }
0x82: {  	_ =	shalt  }
0x83: {  	_ =	shalt  }
0x84: {  	_ =	shalt  }
0x85: {  	_ =	shalt  }
0x86: {  	_ =	shalt  }
0x87: {  	_ =	shalt  }
.Lfunc_end0:
.L_simem_size_0:
called_computation_lowered:
.L_overlay_start_0:
0x88: {  	s2 =	sld [smem:$0x3FD9]  }
0x89: {  	s3 =	sld [smem:$0x3FFE];
	_ =	sdelay $0x1  }
0x8a: {  	s1 =	srdreg.scid  }
0x8b: {  	s0 =	sand.u32 $0x1, s1  }
0x8c: {  	s17 =	sshll.u32 s0, $0xA;
	s2 =	sadd.s32 s3, s2  }
0x8d: {  	s2 =	sadd.s32 s2, s17  }
0x8e: {  	[smem:$0x3FC6] =	sst s2  }
0x8f: {  	_ = 	snop  }
0x90: {  	s2 =	sld [smem:$0x3FD0];
	(tm) =	ssettm $0x1  }
0x91: {  	s18 =	sld [smem:$0x3FFB];
	_ =	sdelay $0x3  }
0x92: {  	_ =	strace s18  }
0x93: {  	s3 =	sld [smem:$0x3FFC];
	_ =	sdelay $0x3  }
0x94: {  	_ =	strace s3  }
0x95: {  	s3 =	sld [smem:$0x3FFD];
	_ =	sdelay $0x3  }
0x96: {  	_ =	strace s3  }
0x97: {  	_ =	strace $0x8FFFFFFF  }
0x98: {  	s19 =	sld [smem:$0x3FDB];
	_ =	sdelay $0x1  }
0x99: {  	s4 =	simm.s32 $_scs_section_size  }
0x9a: {  	s5 =	simm.s32 $_size__tile_overlayer_lowered;
	s6 =	simm.s32 $_tile_overlayer_lowered  }
0x9b: {  	s22 =	simm.s32 $0x1BFF;
	s21 =	sshll.u32 s6, $0x1;
	s3 =	sadd.s32 s4, s19  }
0x9c: {  	s7 =	simm.s32 $0x0;
	s20 =	sshll.u32 s5, $0x1;
	s5 =	sadd.s32 s21, s3  }
0x9d: {  	[timem:s7], [sflag:s22] =	dma.local [hbm:s5], s20  }
0x9e: {  	_ =	swait.ge [sflag:s22], s20  }
0x9f: {  	s4 =	ssub.s32 $0x0, s20;
	[sflag:s22] =	ssyncset.done $0x0  }
0xa0: {  	[sflag:s22] =	ssyncadd.s32 s4;
	_ =	sdelay $0x1  }
0xa1: {  	s23 =	simm.s32 $0x1B8B  }
0xa2: {  	_ =	swait.ge [sflag:s23], $0x1  }
0xa3: {  	[sflag:s23] =	ssyncset.done $0x0  }
0xa4: {  	s25 =	simm.s32 $0x1B8E;
	s24 =	sld [smem:$0x3FFE];
	[sflag:s23] =	ssyncadd.s32 $0xFFFFFFFF  }
0xa5: {  	s26 =	simm.s32 $execute0_lowered;
	[smem:$0x3FD2] =	sst s25  }
0xa6: {  	s5 =	sshll.u32 s26, $0x1;
	_ =	strace $0x80000046;
	[dreg:$0x1] =	wrdreg $0xFFFFFFFF  }
0xa7: {  	s28 =	simm.s32 $_size_execute0_lowered;
	s3 =	sadd.s32 s3, s5;
	[dreg:$0x0] =	wrdreg $0x0  }
0xa8: {  	s5 =	sshll.u32 s28, $0x1;
	[dreg:$0x2] =	wrdreg s3  }
0xa9: {  	[dreg:$0x3] =	wrdreg s5  }
0xaa: {  	[dreg:$0x4] =	wrdreg $0xC0  }
0xab: {  	_ =	task [dreg:s7], $0x5FFFF  }
0xac: {  	[dreg:$0x1] =	wrdreg $0xFFFFFFFF  }
0xad: {  	[dreg:$0x0] =	wrdreg $0x60  }
0xae: {  	[dreg:$0x2] =	wrdreg s24  }
0xaf: {  	[dreg:$0x3] =	wrdreg s2  }
0xb0: {  	[dreg:$0x4] =	wrdreg $0x9  }
0xb1: {  	_ =	task.clear_ibuf [dreg:s7], $0x5FFFF;
	_ =	strace $0x90000046  }
0xb2: {  	s29 =	simm.s32 $0x9;
	_ =	strace $0x80000048  }
0xb3: {  	_ =	swait.ge [sflag:s29], $0x1  }
0xb4: {  	[sflag:s29] =	ssyncadd.s32 $0xFFFFFFFF  }
0xb5: {  	_ =	strace $0x90000048  }
0xb6: {  	_ =	sfence  }
0xb7: {  	s30 =	sld [smem:$0x0];
	_ =	sdelay $0x2  }
0xb8: {  	s31 =	sshll.u32 s1, $0xD;
	s1 =	sshrl.u32 s1, $0x2  }
0xb9: {  	s3 =	sand.u32 $0x4000, s31;
	s1 =	sadd.s32 s1, s30  }
0xba: {  	s0 =	sor.u32 s3, s0;
	s1 =	sshll.u32 s1, $0x11  }
0xbb: {  	s0 =	sor.u32 s1, s0  }
0xbc: {  	s0 =	sadd.s32 $0x8F2B, s0  }
0xbd: {  	[sflag:s0] =	ssyncadd.remote.s32 $0x1  }
0xbe: {  	_ =	sfence.sel $0xFFFF  }
0xbf: {  	[dreg:$0x0] =	wrdreg $0xFFFFFFFF;
	(pc) =	sbr.abs _section_cstart, $3  }
0xc0: {  	[dreg:$0x1] =	wrdreg $0xFFFFFFFF  }
0xc1: {  	_ =	task.clear_ibuf [dreg:s7], $0x2FFFF;
	_ =	strace $0x9FFFFFFF  }
0xc2: {  	(tm) =	ssettm $0x7FFFFFFF  }
0xc3: {  	_ =	shalt  }
tec
execute0_lowered:
.L_overlay_start_1:
0x0: {  	(tag) =	ssettag $0x1  }
0x1: {  	s0 =	rddreg [dreg:$0x0]  }
0x2: {  	s1 =	rddreg [dreg:$0x1]  }
0x3: {  	s3 =	srdreg.scid;
	s4 =	stileid.u32;
	s2 =	simm.s32 $0x0  }
0x4: {  	s13 =	simm.s32 $0x9;
	s28 =	simm.s32 $0x14000;
	s29 =	simm.s32 $0x14800  }
0x5: {  	s30 =	simm.s32 $0x15000;
	s31 =	simm.s32 $0x15800;
	s14 =	simm.s32 $0x17800  }
0x6: {  	s8 =	simm.s32 $0x5;
	[smem:$0x7FF] =	sst s2;
	s17 =	sadd.s32 $0x1500, s0  }
0x7: {  	s18 =	sadd.s32 $0x1600, s0;
	_ =	strace $0x80000047;
	[dreg:$0x4] =	wrdreg s17  }
0x8: {  	s9 =	simm.s32 $0x6;
	s19 =	sadd.s32 $0xD700, s0;
	[dreg:$0x5] =	wrdreg s18  }
0x9: {  	s10 =	simm.s32 $0x7;
	s20 =	sadd.s32 $0x19A00, s0;
	[dreg:$0x6] =	wrdreg s19  }
0xa: {  	s11 =	simm.s32 $0x8;
	s21 =	sadd.s32 $0x25D00, s0;
	[dreg:$0x7] =	wrdreg s20  }
0xb: {  	s3 =	sand.u32 $0x1, s3;
	s22 =	sadd.s32 $0x32000, s0;
	[dreg:$0x8] =	wrdreg s21  }
0xc: {  	s4 =	sshll.u32 s4, $0x1;
	s23 =	sadd.s32 $0x3E300, s0;
	[dreg:$0x9] =	wrdreg s22  }
0xd: {  	s24 =	sadd.s32 $0x4A600, s0;
	s4 =	sor.u32 s3, s4;
	[dreg:$0xa] =	wrdreg s23  }
0xe: {  	s5 =	ssub.s32 $0x2, s3;
	s3 =	sadd.s32 $0x1400, s0;
	[dreg:$0xb] =	wrdreg s24  }
0xf: {  	s23 =	simm.s32 $0x12000;
	s24 =	simm.s32 $0x12800;
	s17 =	simm.s32 $0x0  }
0x10: {  	s15 =	sshll.u32 s4, $0x7;
	s6 =	sshrl.u32 s5, $0x1;
	s4 =	smul.u32 $0x600, s4  }
0x11: {  	s7 =	sadd.s32 s15, s0;
	s5 =	ssub.s32 s5, s6;
	s0 =	sadd.s32 $0x56900, s0  }
0x12: {  	s15 =	simm.s32 $0x18000;
	s6 =	simm.s32 $0x2;
	s16 =	sadd.s32 $0x400, s7  }
.Ltmp0:
0x13: {  	[dreg:$0xc] =	wrdreg s0;
	s25 =	sadd.s32 s1, s4;
	(pc) =	sbr.rel .LBB2_1-.Ltmp0, $4  }
0x14: {  	s26 =	smax.u32 s5, $0x1;
	s0 =	simm.s32 $0x16000;
	[dreg:$0x3] =	wrdreg s16  }
0x15: {  	v4 =	vlaneseq.u32;
	v1 =	vimm.f32 $0.0e+00;
	s1 =	simm.s32 $0x16800;
	s4 =	simm.s32 $0x17000;
	[dreg:$0xd] =	wrdreg s25  }
0x16: {  	vm0 =	vmmov $0xffff;
	v0 =	vmul.u32 $0x40, v4;
	v3 =	vshrl.u32 v4, $0x3;
	s5 =	simm.s32 $0x1;
	s7 =	simm.s32 $0x4;
	[dreg:$0xe] =	wrdreg s26  }
0x17: {  	v2 =	vand.u32 $0x7, v4;
	v4 =	vor.u32 $0x8, v4;
	v3 =	vmul.u32 $0x8, v3;
	s25 =	simm.s32 $0x13000;
	s26 =	simm.s32 $0x13800;
	s16 =	simm.s32 $0x3  }
.LBB2_14:
0x18: {  	s12 =	rddreg [dreg:$0xd];
	s13 =	simm.s32 $0x18800  }
0x19: {  	[hbm4b:s12+s2] =	stream.linear.scatter [tilespmem:s13], [sflag:$0x9], $0x3000, $0x38;
	[tilespmem:$0x1B800] =	vst v63  }
0x1a: {  	s13 =	simm.s32 $0x9  }
0x1b: {  	_ =	swait.ge [sflag:s13], $0x3000  }
0x1c: {  	s17 =	rddreg [dreg:$0xf]  }
0x1d: {  	s22 =	rddreg [dreg:$0xe];
	s17 =	sadd.s32 $0x1, s17  }
0x1e: {  	p0 =	sne.s32 s17, s22  }
.Ltmp1:
0x1f: {  	_ = 	snop;
	(pc) =	sbr.rel @!p0 .LBB2_15-.Ltmp1, $3  }
0x20: {  	_ =	sdelay $0x1  }
0x21: {  	[sflag:s13] =	ssyncset.done $0x0  }
0x22: {  	[sflag:s13] =	ssyncadd.s32 $0xFFFFD000  }
.LBB2_1:
0x23: {  	[dreg:$0xf] =	wrdreg s17  }
0x24: {  	v5 =	vor.u32 s2, v0;
	s12 =	rddreg [dreg:$0x3]  }
0x25: {  	[tilespmem:s2], [sflag:$0x9] =	stream.linear.gather [hbm4b:s12+s2], $0x400, $0x38;
	[tilespmem:$0x1B800] =	vst v63  }
0x26: {  	_ =	swait.ge [sflag:s13], $0x400  }
0x27: {  	[sflag:s13] =	ssyncset.done $0x0  }
0x28: {  	[sflag:s13] =	ssyncadd.s32 $0xFFFFFC00  }
0x29: {  	s21 =	simm.s32 $0x1;
	v5 =	vld.idx.msk [tilespmem:v5+s2+$0x0], $0xffff  }
0x2a: {  	v6 =	vor.u32 s21, v0;
	_ =	sdelay $0x2  }
0x2b: {  	s13 =	simm.s32 $0x400  }
0x2c: {  	[tilespmem:s13+$0x0] =	vst v5  }
0x2d: {  	s22 =	simm.s32 $0x2;
	v5 =	vld.idx.msk [tilespmem:v6+s2+$0x0], $0xffff  }
0x2e: {  	s17 =	simm.s32 $0x3;
	v6 =	vor.u32 s22, v0  }
.LBB2_2:
0x2f: {  	p0 =	sne.s32 s17, $0x3F;
	_ =	sdelay $0x1  }
.Ltmp2:
0x30: {  	s13 =	sadd.s32 $0x10, s13;
	(pc) =	sbr.rel @p0 .LBB2_2-.Ltmp2, $3  }
0x31: {  	s12 =	simm.s32 $0x0;
	[tilespmem:s13+$0x0] =	vst v5  }
0x32: {  	v5 =	vld.idx.msk [tilespmem:v6+s12+$0x0], $0xffff;
	_ =	sdelay $0x1  }
0x33: {  	v6 =	vor.u32 s17, v0;
	s17 =	sadd.s32 $0x1, s17  }
0x34: {  	_ =	sdelay $0x1  }
0x35: {  	s13 =	sadd.s32 $0x10, s13  }
0x36: {  	[tilespmem:s13+$0x0] =	vst v5  }
0x37: {  	v5 =	vld.idx.msk [tilespmem:v6+s12+$0x0], $0xffff;
	_ =	sdelay $0x2  }
0x38: {  	s17 =	sand.u32 $0x70, s12;
	s18 =	sand.u32 $0x1C00, s12  }
0x39: {  	s19 =	sadd.s32 $0x10, s13;
	s13 =	sor.u32 s17, s18  }
0x3a: {  	s18 =	sadd.s32 $0x18800, s13;
	[tilespmem:s19+$0x0] =	vst v5  }
0x3b: {  	p0 =	por $0x1, $0x1;
	[tilespmem:s18+$0x280] =	vst v1  }
.Ltmp3:
0x3c: {  	[tilespmem:s18+$0x200] =	vst v1;
	(pc) =	sbr.rel @!p0 .LBB2_5-.Ltmp3, $4  }
0x3d: {  	[tilespmem:s18+$0x180] =	vst v1  }
0x3e: {  	[tilespmem:s18+$0x100] =	vst v1  }
0x3f: {  	[tilespmem:s18+$0x80] =	vst v1  }
0x40: {  	s17 =	simm.s32 $0x10;
	s19 =	sor.u32 s12, s12;
	[tilespmem:s13+$0x18800] =	vst v1  }
.LBB2_4:
0x41: {  	p0 =	sne.s32 s17, $0x2F0;
	[tilespmem:s18+$0x300] =	vst v1;
	s18 =	sor.u32 $0x380, s19  }
0x42: {  	[tilespmem:s18+$0x18800] =	vst v1  }
0x43: {  	[tilespmem:s13+$0x1A000] =	vst v1  }
0x44: {  	[tilespmem:s13+$0x1A080] =	vst v1  }
0x45: {  	[tilespmem:s13+$0x1A100] =	vst v1  }
0x46: {  	[tilespmem:s13+$0x1A180] =	vst v1  }
0x47: {  	s12 =	sadd.s32 $0x80, s12;
	[tilespmem:s13+$0x1A200] =	vst v1  }
0x48: {  	s18 =	sand.u32 $0x70, s17;
	s19 =	sand.u32 $0x1C00, s12;
	[tilespmem:s13+$0x1A280] =	vst v1  }
0x49: {  	s19 =	sor.u32 s18, s19;
	[tilespmem:s13+$0x1A300] =	vst v1  }
0x4a: {  	s18 =	sadd.s32 $0x18800, s19;
	[tilespmem:s13+$0x1A380] =	vst v1;
	s13 =	smov.u32 s19  }
0x4b: {  	[tilespmem:s18+$0x280] =	vst v1  }
.Ltmp4:
0x4c: {  	[tilespmem:s18+$0x200] =	vst v1;
	(pc) =	sbr.rel @p0 .LBB2_4-.Ltmp4, $4  }
0x4d: {  	[tilespmem:s18+$0x180] =	vst v1  }
0x4e: {  	[tilespmem:s18+$0x100] =	vst v1  }
0x4f: {  	[tilespmem:s18+$0x80] =	vst v1  }
0x50: {  	s19 =	sor.u32 s12, s17;
	s17 =	sadd.s32 $0x10, s17;
	[tilespmem:s13+$0x18800] =	vst v1  }
.LBB2_5:
0x51: {  	[tilespmem:s18+$0x300] =	vst v1;
	s12 =	sor.u32 $0x380, s19  }
0x52: {  	[tilespmem:s12+$0x18800] =	vst v1  }
0x53: {  	[tilespmem:s13+$0x1A000] =	vst v1  }
0x54: {  	[tilespmem:s13+$0x1A080] =	vst v1  }
0x55: {  	[tilespmem:s13+$0x1A100] =	vst v1  }
0x56: {  	[tilespmem:s13+$0x1A180] =	vst v1  }
0x57: {  	[tilespmem:s13+$0x1A200] =	vst v1  }
0x58: {  	[tilespmem:s13+$0x1A280] =	vst v1  }
0x59: {  	[tilespmem:s13+$0x1A300] =	vst v1  }
0x5a: {  	[tilespmem:s13+$0x1A380] =	vst v1  }
0x5b: {  	v5 =	vld [tilespmem:$0x400];
	_ =	sdelay $0x4  }
0x5c: {  	v6 =	vshrl.u32 v5, $0x3  }
0x5d: {  	v6 =	vmul.u32 $0x30, v6  }
0x5e: {  	v5 =	vand.u32 $0x7, v5  }
0x5f: {  	v5 =	vor.u32 v5, v6  }
0x60: {  	v6 =	vperm.xlane v5, v2;
	_ =	sdelay $0x1  }
0x61: {  	v6 =	vadd.s32 v3, v6;
	_ =	sdelay $0x3  }
0x62: {  	s20 =	simm.s32 $0x800;
	s12 =	simm.s32 $0x0;
	v5 =	vperm.xlane v5, v4  }
0x63: {  	[tilespmem:s20], [sflag:$0x1] =	stream.indirect_vreg.gather [hbm4b:s3+s12], $0x80, v6, vm0, $0xb8;
	[tilespmem:$0x1B800] =	vst v63  }
0x64: {  	s21 =	rddreg [dreg:$0x4];
	s17 =	simm.s32 $0x1000;
	v5 =	vadd.s32 v3, v5  }
0x65: {  	[tilespmem:s17], [sflag:$0x1] =	stream.indirect_vreg.gather [hbm4b:s21+s12], $0x80, v6, vm0, $0xb8;
	[tilespmem:$0x1B800] =	vst v63  }
0x66: {  	s22 =	simm.s32 $0x1800;
	s17 =	rddreg [dreg:$0x5]  }
0x67: {  	[tilespmem:s22], [sflag:$0x1] =	stream.indirect_vreg.gather [hbm4b:s17+s12], $0x80, v6, vm0, $0xb8;
	[tilespmem:$0x1B800] =	vst v63  }
0x68: {  	s19 =	simm.s32 $0x2000  }
0x69: {  	[tilespmem:s19], [sflag:$0x1] =	stream.indirect_vreg.gather [hbm4b:s3+s12], $0x80, v5, vm0, $0xb8;
	[tilespmem:$0x1B800] =	vst v63  }
0x6a: {  	s20 =	simm.s32 $0x2800  }
0x6b: {  	[tilespmem:s20], [sflag:$0x1] =	stream.indirect_vreg.gather [hbm4b:s21+s12], $0x80, v5, vm0, $0xb8;
	[tilespmem:$0x1B800] =	vst v63  }
0x6c: {  	s21 =	simm.s32 $0x3000  }
0x6d: {  	[tilespmem:s21], [sflag:$0x1] =	stream.indirect_vreg.gather [hbm4b:s17+s12], $0x80, v5, vm0, $0xb8;
	[tilespmem:$0x1B800] =	vst v63  }
0x6e: {  	v5 =	vld [tilespmem:$0x410];
	_ =	sdelay $0x4  }
0x6f: {  	v6 =	vshrl.u32 v5, $0x3  }
0x70: {  	v6 =	vmul.u32 $0x30, v6  }
0x71: {  	v5 =	vand.u32 $0x7, v5  }
0x72: {  	v5 =	vor.u32 v5, v6  }
0x73: {  	v6 =	vperm.xlane v5, v2;
	_ =	sdelay $0x1  }
0x74: {  	v6 =	vadd.s32 v3, v6;
	_ =	sdelay $0x3  }
0x75: {  	s22 =	rddreg [dreg:$0x6];
	s17 =	simm.s32 $0x3800;
	v5 =	vperm.xlane v5, v4  }
0x76: {  	[tilespmem:s17], [sflag:$0x2] =	stream.indirect_vreg.gather [hbm4b:s22+s12], $0x80, v6, vm0, $0xb8;
	[tilespmem:$0x1B800] =	vst v63  }
0x77: {  	s13 =	sadd.s32 $0x100, s22;
	s19 =	simm.s32 $0x4000;
	v5 =	vadd.s32 v3, v5  }
0x78: {  	[tilespmem:s19], [sflag:$0x2] =	stream.indirect_vreg.gather [hbm4b:s13+s12], $0x80, v6, vm0, $0xb8;
	[tilespmem:$0x1B800] =	vst v63  }
0x79: {  	s20 =	simm.s32 $0x4800;
	s17 =	sadd.s32 $0x200, s22  }
0x7a: {  	[tilespmem:s20], [sflag:$0x2] =	stream.indirect_vreg.gather [hbm4b:s17+s12], $0x80, v6, vm0, $0xb8;
	[tilespmem:$0x1B800] =	vst v63  }
0x7b: {  	s21 =	simm.s32 $0x5000  }
0x7c: {  	[tilespmem:s21], [sflag:$0x2] =	stream.indirect_vreg.gather [hbm4b:s22+s12], $0x80, v5, vm0, $0xb8;
	[tilespmem:$0x1B800] =	vst v63  }
0x7d: {  	s22 =	simm.s32 $0x5800  }
0x7e: {  	[tilespmem:s22], [sflag:$0x2] =	stream.indirect_vreg.gather [hbm4b:s13+s12], $0x80, v5, vm0, $0xb8;
	[tilespmem:$0x1B800] =	vst v63  }
0x7f: {  	s18 =	simm.s32 $0x6000  }
0x80: {  	[tilespmem:s18], [sflag:$0x2] =	stream.indirect_vreg.gather [hbm4b:s17+s12], $0x80, v5, vm0, $0xb8;
	[tilespmem:$0x1B800] =	vst v63  }
0x81: {  	v5 =	vld [tilespmem:$0x420];
	_ =	sdelay $0x4  }
0x82: {  	v6 =	vshrl.u32 v5, $0x3  }
0x83: {  	v6 =	vmul.u32 $0x30, v6  }
0x84: {  	v5 =	vand.u32 $0x7, v5  }
0x85: {  	v5 =	vor.u32 v5, v6  }
0x86: {  	v6 =	vperm.xlane v5, v2;
	_ =	sdelay $0x1  }
0x87: {  	v6 =	vadd.s32 v3, v6;
	_ =	sdelay $0x3  }
0x88: {  	s19 =	simm.s32 $0x6800;
	s18 =	rddreg [dreg:$0x7];
	v5 =	vperm.xlane v5, v4  }
0x89: {  	[tilespmem:s19], [sflag:$0x3] =	stream.indirect_vreg.gather [hbm4b:s18+s12], $0x80, v6, vm0, $0xb8;
	[tilespmem:$0x1B800] =	vst v63  }
0x8a: {  	s20 =	simm.s32 $0x7000;
	s13 =	sadd.s32 $0x100, s18;
	v5 =	vadd.s32 v3, v5  }
0x8b: {  	[tilespmem:s20], [sflag:$0x3] =	stream.indirect_vreg.gather [hbm4b:s13+s12], $0x80, v6, vm0, $0xb8;
	[tilespmem:$0x1B800] =	vst v63  }
0x8c: {  	s21 =	simm.s32 $0x7800;
	s17 =	sadd.s32 $0x200, s18  }
0x8d: {  	[tilespmem:s21], [sflag:$0x3] =	stream.indirect_vreg.gather [hbm4b:s17+s12], $0x80, v6, vm0, $0xb8;
	[tilespmem:$0x1B800] =	vst v63  }
0x8e: {  	s22 =	simm.s32 $0x8000  }
0x8f: {  	[tilespmem:s22], [sflag:$0x3] =	stream.indirect_vreg.gather [hbm4b:s18+s12], $0x80, v5, vm0, $0xb8;
	[tilespmem:$0x1B800] =	vst v63  }
0x90: {  	s20 =	simm.s32 $0x8800  }
0x91: {  	[tilespmem:s20], [sflag:$0x3] =	stream.indirect_vreg.gather [hbm4b:s13+s12], $0x80, v5, vm0, $0xb8;
	[tilespmem:$0x1B800] =	vst v63  }
0x92: {  	s21 =	simm.s32 $0x9000  }
0x93: {  	[tilespmem:s21], [sflag:$0x3] =	stream.indirect_vreg.gather [hbm4b:s17+s12], $0x80, v5, vm0, $0xb8;
	[tilespmem:$0x1B800] =	vst v63  }
0x94: {  	v5 =	vld [tilespmem:$0x430];
	_ =	sdelay $0x4  }
0x95: {  	v6 =	vshrl.u32 v5, $0x3  }
0x96: {  	v6 =	vmul.u32 $0x30, v6  }
0x97: {  	v5 =	vand.u32 $0x7, v5  }
0x98: {  	v5 =	vor.u32 v5, v6  }
0x99: {  	v6 =	vperm.xlane v5, v2;
	_ =	sdelay $0x1  }
0x9a: {  	v6 =	vadd.s32 v3, v6;
	_ =	sdelay $0x3  }
0x9b: {  	s22 =	rddreg [dreg:$0x8];
	s17 =	simm.s32 $0x9800;
	v5 =	vperm.xlane v5, v4  }
0x9c: {  	[tilespmem:s17], [sflag:$0x4] =	stream.indirect_vreg.gather [hbm4b:s22+s12], $0x80, v6, vm0, $0xb8;
	[tilespmem:$0x1B800] =	vst v63  }
0x9d: {  	s19 =	simm.s32 $0xA000;
	s13 =	sadd.s32 $0x100, s22;
	v5 =	vadd.s32 v3, v5  }
0x9e: {  	[tilespmem:s19], [sflag:$0x4] =	stream.indirect_vreg.gather [hbm4b:s13+s12], $0x80, v6, vm0, $0xb8;
	[tilespmem:$0x1B800] =	vst v63  }
0x9f: {  	s20 =	simm.s32 $0xA800;
	s17 =	sadd.s32 $0x200, s22  }
0xa0: {  	[tilespmem:s20], [sflag:$0x4] =	stream.indirect_vreg.gather [hbm4b:s17+s12], $0x80, v6, vm0, $0xb8;
	[tilespmem:$0x1B800] =	vst v63  }
0xa1: {  	s21 =	simm.s32 $0xB000  }
0xa2: {  	[tilespmem:s21], [sflag:$0x4] =	stream.indirect_vreg.gather [hbm4b:s22+s12], $0x80, v5, vm0, $0xb8;
	[tilespmem:$0x1B800] =	vst v63  }
0xa3: {  	s22 =	simm.s32 $0xB800  }
0xa4: {  	[tilespmem:s22], [sflag:$0x4] =	stream.indirect_vreg.gather [hbm4b:s13+s12], $0x80, v5, vm0, $0xb8;
	[tilespmem:$0x1B800] =	vst v63  }
0xa5: {  	s18 =	simm.s32 $0xC000  }
0xa6: {  	[tilespmem:s18], [sflag:$0x4] =	stream.indirect_vreg.gather [hbm4b:s17+s12], $0x80, v5, vm0, $0xb8;
	[tilespmem:$0x1B800] =	vst v63  }
0xa7: {  	v5 =	vld [tilespmem:$0x440];
	_ =	sdelay $0x4  }
0xa8: {  	v6 =	vshrl.u32 v5, $0x3  }
0xa9: {  	v6 =	vmul.u32 $0x30, v6  }
0xaa: {  	v5 =	vand.u32 $0x7, v5  }
0xab: {  	v5 =	vor.u32 v5, v6  }
0xac: {  	v6 =	vperm.xlane v5, v2;
	_ =	sdelay $0x1  }
0xad: {  	v6 =	vadd.s32 v3, v6;
	_ =	sdelay $0x3  }
0xae: {  	s19 =	simm.s32 $0xC800;
	s18 =	rddreg [dreg:$0x9];
	v5 =	vperm.xlane v5, v4  }
0xaf: {  	[tilespmem:s19], [sflag:$0x5] =	stream.indirect_vreg.gather [hbm4b:s18+s12], $0x80, v6, vm0, $0xb8;
	[tilespmem:$0x1B800] =	vst v63  }
0xb0: {  	s20 =	simm.s32 $0xD000;
	s13 =	sadd.s32 $0x100, s18;
	v5 =	vadd.s32 v3, v5  }
0xb1: {  	[tilespmem:s20], [sflag:$0x5] =	stream.indirect_vreg.gather [hbm4b:s13+s12], $0x80, v6, vm0, $0xb8;
	[tilespmem:$0x1B800] =	vst v63  }
0xb2: {  	s21 =	simm.s32 $0xD800;
	s17 =	sadd.s32 $0x200, s18  }
0xb3: {  	[tilespmem:s21], [sflag:$0x5] =	stream.indirect_vreg.gather [hbm4b:s17+s12], $0x80, v6, vm0, $0xb8;
	[tilespmem:$0x1B800] =	vst v63  }
0xb4: {  	s22 =	simm.s32 $0xE000  }
0xb5: {  	[tilespmem:s22], [sflag:$0x5] =	stream.indirect_vreg.gather [hbm4b:s18+s12], $0x80, v5, vm0, $0xb8;
	[tilespmem:$0x1B800] =	vst v63  }
0xb6: {  	s20 =	simm.s32 $0xE800  }
0xb7: {  	[tilespmem:s20], [sflag:$0x5] =	stream.indirect_vreg.gather [hbm4b:s13+s12], $0x80, v5, vm0, $0xb8;
	[tilespmem:$0x1B800] =	vst v63  }
0xb8: {  	s21 =	simm.s32 $0xF000  }
0xb9: {  	[tilespmem:s21], [sflag:$0x5] =	stream.indirect_vreg.gather [hbm4b:s17+s12], $0x80, v5, vm0, $0xb8;
	[tilespmem:$0x1B800] =	vst v63  }
0xba: {  	v5 =	vld [tilespmem:$0x450];
	_ =	sdelay $0x4  }
0xbb: {  	v6 =	vshrl.u32 v5, $0x3  }
0xbc: {  	v6 =	vmul.u32 $0x30, v6  }
0xbd: {  	v5 =	vand.u32 $0x7, v5  }
0xbe: {  	v5 =	vor.u32 v5, v6  }
0xbf: {  	v6 =	vperm.xlane v5, v2;
	_ =	sdelay $0x1  }
0xc0: {  	v6 =	vadd.s32 v3, v6;
	_ =	sdelay $0x3  }
0xc1: {  	s22 =	rddreg [dreg:$0xa];
	s17 =	simm.s32 $0xF800;
	v5 =	vperm.xlane v5, v4  }
0xc2: {  	[tilespmem:s17], [sflag:$0x6] =	stream.indirect_vreg.gather [hbm4b:s22+s12], $0x80, v6, vm0, $0xb8;
	[tilespmem:$0x1B800] =	vst v63  }
0xc3: {  	s19 =	simm.s32 $0x10000;
	s13 =	sadd.s32 $0x100, s22;
	v5 =	vadd.s32 v3, v5  }
0xc4: {  	[tilespmem:s19], [sflag:$0x6] =	stream.indirect_vreg.gather [hbm4b:s13+s12], $0x80, v6, vm0, $0xb8;
	[tilespmem:$0x1B800] =	vst v63  }
0xc5: {  	s20 =	simm.s32 $0x10800;
	s17 =	sadd.s32 $0x200, s22  }
0xc6: {  	[tilespmem:s20], [sflag:$0x6] =	stream.indirect_vreg.gather [hbm4b:s17+s12], $0x80, v6, vm0, $0xb8;
	[tilespmem:$0x1B800] =	vst v63  }
0xc7: {  	s21 =	simm.s32 $0x11000  }
0xc8: {  	[tilespmem:s21], [sflag:$0x6] =	stream.indirect_vreg.gather [hbm4b:s22+s12], $0x80, v5, vm0, $0xb8;
	[tilespmem:$0x1B800] =	vst v63  }
0xc9: {  	s22 =	simm.s32 $0x11800  }
0xca: {  	[tilespmem:s22], [sflag:$0x6] =	stream.indirect_vreg.gather [hbm4b:s13+s12], $0x80, v5, vm0, $0xb8;
	[tilespmem:$0x1B800] =	vst v63  }
0xcb: {  	_ = 	snop  }
0xcc: {  	[tilespmem:s23], [sflag:$0x6] =	stream.indirect_vreg.gather [hbm4b:s17+s12], $0x80, v5, vm0, $0xb8;
	[tilespmem:$0x1B800] =	vst v63  }
0xcd: {  	v5 =	vld [tilespmem:$0x460];
	_ =	sdelay $0x4  }
0xce: {  	v6 =	vshrl.u32 v5, $0x3  }
0xcf: {  	v6 =	vmul.u32 $0x30, v6  }
0xd0: {  	v5 =	vand.u32 $0x7, v5  }
0xd1: {  	v5 =	vor.u32 v5, v6  }
0xd2: {  	v6 =	vperm.xlane v5, v2;
	_ =	sdelay $0x1  }
0xd3: {  	v6 =	vadd.s32 v3, v6;
	_ =	sdelay $0x3  }
0xd4: {  	s13 =	rddreg [dreg:$0xb];
	v5 =	vperm.xlane v5, v4  }
0xd5: {  	[tilespmem:s24], [sflag:$0x7] =	stream.indirect_vreg.gather [hbm4b:s13+s12], $0x80, v6, vm0, $0xb8;
	[tilespmem:$0x1B800] =	vst v63  }
0xd6: {  	s17 =	sadd.s32 $0x100, s13;
	v5 =	vadd.s32 v3, v5  }
0xd7: {  	[tilespmem:s25], [sflag:$0x7] =	stream.indirect_vreg.gather [hbm4b:s17+s12], $0x80, v6, vm0, $0xb8;
	[tilespmem:$0x1B800] =	vst v63  }
0xd8: {  	s19 =	sadd.s32 $0x200, s13  }
0xd9: {  	[tilespmem:s26], [sflag:$0x7] =	stream.indirect_vreg.gather [hbm4b:s19+s12], $0x80, v6, vm0, $0xb8;
	[tilespmem:$0x1B800] =	vst v63  }
0xda: {  	_ = 	snop  }
0xdb: {  	[tilespmem:s28], [sflag:$0x7] =	stream.indirect_vreg.gather [hbm4b:s13+s12], $0x80, v5, vm0, $0xb8;
	[tilespmem:$0x1B800] =	vst v63  }
0xdc: {  	_ = 	snop  }
0xdd: {  	[tilespmem:s29], [sflag:$0x7] =	stream.indirect_vreg.gather [hbm4b:s17+s12], $0x80, v5, vm0, $0xb8;
	[tilespmem:$0x1B800] =	vst v63  }
0xde: {  	_ = 	snop  }
0xdf: {  	[tilespmem:s30], [sflag:$0x7] =	stream.indirect_vreg.gather [hbm4b:s19+s12], $0x80, v5, vm0, $0xb8;
	[tilespmem:$0x1B800] =	vst v63  }
0xe0: {  	v5 =	vld [tilespmem:$0x470];
	_ =	sdelay $0x4  }
0xe1: {  	v6 =	vshrl.u32 v5, $0x3  }
0xe2: {  	v6 =	vmul.u32 $0x30, v6  }
0xe3: {  	v5 =	vand.u32 $0x7, v5  }
0xe4: {  	v5 =	vor.u32 v5, v6  }
0xe5: {  	v6 =	vperm.xlane v5, v2;
	_ =	sdelay $0x1  }
0xe6: {  	v6 =	vadd.s32 v3, v6;
	_ =	sdelay $0x3  }
0xe7: {  	s20 =	rddreg [dreg:$0xc];
	v5 =	vperm.xlane v5, v4  }
0xe8: {  	[tilespmem:s31], [sflag:$0x8] =	stream.indirect_vreg.gather [hbm4b:s20+s12], $0x80, v6, vm0, $0xb8;
	[tilespmem:$0x1B800] =	vst v63  }
0xe9: {  	s21 =	sadd.s32 $0x100, s20;
	v5 =	vadd.s32 v3, v5  }
0xea: {  	[tilespmem:s0], [sflag:$0x8] =	stream.indirect_vreg.gather [hbm4b:s21+s12], $0x80, v6, vm0, $0xb8;
	[tilespmem:$0x1B800] =	vst v63  }
0xeb: {  	s22 =	sadd.s32 $0x200, s20  }
0xec: {  	[tilespmem:s1], [sflag:$0x8] =	stream.indirect_vreg.gather [hbm4b:s22+s12], $0x80, v6, vm0, $0xb8;
	[tilespmem:$0x1B800] =	vst v63  }
0xed: {  	_ = 	snop  }
0xee: {  	[tilespmem:s4], [sflag:$0x8] =	stream.indirect_vreg.gather [hbm4b:s20+s12], $0x80, v5, vm0, $0xb8;
	[tilespmem:$0x1B800] =	vst v63  }
0xef: {  	_ = 	snop  }
0xf0: {  	[tilespmem:s14], [sflag:$0x8] =	stream.indirect_vreg.gather [hbm4b:s21+s12], $0x80, v5, vm0, $0xb8;
	[tilespmem:$0x1B800] =	vst v63  }
0xf1: {  	_ = 	snop  }
0xf2: {  	[tilespmem:s15], [sflag:$0x8] =	stream.indirect_vreg.gather [hbm4b:s22+s12], $0x80, v5, vm0, $0xb8;
	[tilespmem:$0x1B800] =	vst v63  }
.LBB2_6:
0xf3: {  	_ =	swait.ge [sflag:s5], $0x3000  }
0xf4: {  	[sflag:s5] =	ssyncset.done $0x0  }
0xf5: {  	[sflag:s5] =	ssyncadd.s32 $0xFFFFD000  }
0xf6: {  	_ =	swait.ge [sflag:s6], $0x3000  }
0xf7: {  	[sflag:s6] =	ssyncset.done $0x0  }
0xf8: {  	[sflag:s6] =	ssyncadd.s32 $0xFFFFD000  }
0xf9: {  	_ =	swait.ge [sflag:s16], $0x3000  }
0xfa: {  	[sflag:s16] =	ssyncset.done $0x0  }
0xfb: {  	[sflag:s16] =	ssyncadd.s32 $0xFFFFD000  }
0xfc: {  	_ =	swait.ge [sflag:s7], $0x3000  }
0xfd: {  	[sflag:s7] =	ssyncset.done $0x0  }
0xfe: {  	s13 =	simm.s32 $0x0;
	s17 =	simm.s32 $0x0;
	[sflag:s7] =	ssyncadd.s32 $0xFFFFD000  }
.LBB2_7:
0xff: {  	s18 =	sand.u32 $0x70, s17;
	s19 =	sand.u32 $0x1C00, s13  }
0x100: {  	s18 =	sor.u32 s18, s19  }
0x101: {  	v5 =	vld [tilespmem:s18+$0x800]  }
0x102: {  	v6 =	vld [tilespmem:s18+$0x3800]  }
0x103: {  	v7 =	vld [tilespmem:s18+$0x6800]  }
0x104: {  	v8 =	vld [tilespmem:s18+$0x9800]  }
0x105: {  	v9 =	vld [tilespmem:s18+$0x880]  }
0x106: {  	v10 =	vld [tilespmem:s18+$0x3880]  }
0x107: {  	v11 =	vld [tilespmem:s18+$0x6880]  }
0x108: {  	v12 =	vld [tilespmem:s18+$0x9880]  }
0x109: {  	v13 =	vld [tilespmem:s18+$0x900]  }
0x10a: {  	v14 =	vld [tilespmem:s18+$0x3900]  }
0x10b: {  	v15 =	vld [tilespmem:s18+$0x6900]  }
0x10c: {  	v16 =	vld [tilespmem:s18+$0x9900]  }
0x10d: {  	v17 =	vld [tilespmem:s18+$0x980]  }
0x10e: {  	v18 =	vld [tilespmem:s18+$0x3980]  }
0x10f: {  	v19 =	vld [tilespmem:s18+$0x6980]  }
0x110: {  	v20 =	vld [tilespmem:s18+$0x9980]  }
0x111: {  	v21 =	vld [tilespmem:s18+$0xA00]  }
0x112: {  	v22 =	vld [tilespmem:s18+$0x3A00]  }
0x113: {  	v23 =	vld [tilespmem:s18+$0x6A00]  }
0x114: {  	v24 =	vld [tilespmem:s18+$0x9A00]  }
0x115: {  	v25 =	vld [tilespmem:s18+$0xA80]  }
0x116: {  	v26 =	vld [tilespmem:s18+$0x3A80]  }
0x117: {  	v40 =	vld [tilespmem:s18+$0x9A80]  }
0x118: {  	v42 =	vld [tilespmem:s18+$0x3B00];
	v5 =	vadd.f32 v6, v5  }
0x119: {  	v45 =	vld [tilespmem:s18+$0x6B00];
	v6 =	vadd.f32 v8, v7;
	v9 =	vadd.f32 v10, v9  }
0x11a: {  	v48 =	vld [tilespmem:s18+$0x9B00];
	v41 =	vadd.f32 v12, v11;
	v43 =	vadd.f32 v14, v13  }
0x11b: {  	v7 =	vld [tilespmem:s18+$0x6A80];
	v44 =	vadd.f32 v16, v15;
	v46 =	vadd.f32 v18, v17  }
0x11c: {  	v49 =	vadd.f32 v22, v21;
	v5 =	vadd.f32 v6, v5;
	v6 =	vld [tilespmem:s18+$0xB00]  }
0x11d: {  	v55 =	vld [tilespmem:s18+$0x9B80];
	v50 =	vadd.f32 v24, v23;
	v9 =	vadd.f32 v41, v9  }
0x11e: {  	v47 =	vadd.f32 v20, v19;
	v51 =	vadd.f32 v44, v43;
	[tilespmem:s18+$0x18800] =	vst.add.f32.msk $0xffff, v5  }
0x11f: {  	v53 =	vadd.f32 v26, v25;
	v52 =	vadd.f32 v50, v49;
	[tilespmem:s18+$0x18880] =	vst.add.f32.msk $0xffff, v9  }
0x120: {  	v5 =	vadd.f32 v47, v46;
	[tilespmem:s18+$0x18900] =	vst.add.f32.msk $0xffff, v51;
	v7 =	vadd.f32 v40, v7  }
0x121: {  	v54 =	vadd.f32 v48, v45;
	[tilespmem:s18+$0x18A00] =	vst.add.f32.msk $0xffff, v52;
	v6 =	vadd.f32 v42, v6  }
0x122: {  	[tilespmem:s18+$0x18980] =	vst.add.f32.msk $0xffff, v5;
	v5 =	vadd.f32 v7, v53  }
0x123: {  	v7 =	vld [tilespmem:s18+$0x6B80];
	v6 =	vadd.f32 v54, v6  }
0x124: {  	[tilespmem:s18+$0x18A80] =	vst.add.f32.msk $0xffff, v5  }
0x125: {  	s21 =	sor.u32 s13, s17;
	[tilespmem:s18+$0x18B00] =	vst.add.f32.msk $0xffff, v6  }
0x126: {  	s19 =	sor.u32 $0x380, s21;
	v6 =	vld [tilespmem:s18+$0x3B80]  }
0x127: {  	v5 =	vld [tilespmem:s19+$0x800];
	_ =	sdelay $0x4  }
0x128: {  	v5 =	vadd.f32 v6, v5;
	v6 =	vadd.f32 v55, v7;
	_ =	sdelay $0x1  }
0x129: {  	v5 =	vadd.f32 v6, v5;
	_ =	sdelay $0x1  }
0x12a: {  	[tilespmem:s19+$0x18800] =	vst.add.f32.msk $0xffff, v5  }
0x12b: {  	v5 =	vld [tilespmem:s18+$0x2000]  }
0x12c: {  	v6 =	vld [tilespmem:s18+$0x5000]  }
0x12d: {  	v7 =	vld [tilespmem:s18+$0x8000]  }
0x12e: {  	v56 =	vld [tilespmem:s18+$0xB000];
	_ =	sdelay $0x4  }
0x12f: {  	v5 =	vadd.f32 v6, v5;
	v6 =	vadd.f32 v56, v7;
	_ =	sdelay $0x1  }
0x130: {  	v5 =	vadd.f32 v6, v5  }
0x131: {  	s22 =	sor.u32 $0x1A000, s18  }
0x132: {  	[tilespmem:s22+$0x0] =	vst.add.f32.msk $0xffff, v5  }
0x133: {  	v5 =	vld [tilespmem:s18+$0x2080]  }
0x134: {  	v6 =	vld [tilespmem:s18+$0x5080]  }
0x135: {  	v7 =	vld [tilespmem:s18+$0x8080]  }
0x136: {  	v57 =	vld [tilespmem:s18+$0xB080];
	_ =	sdelay $0x4  }
0x137: {  	v5 =	vadd.f32 v6, v5;
	v6 =	vadd.f32 v57, v7;
	_ =	sdelay $0x1  }
0x138: {  	v5 =	vadd.f32 v6, v5  }
0x139: {  	s20 =	sor.u32 $0x1A080, s18  }
0x13a: {  	[tilespmem:s20+$0x0] =	vst.add.f32.msk $0xffff, v5  }
0x13b: {  	v5 =	vld [tilespmem:s18+$0x2100]  }
0x13c: {  	v6 =	vld [tilespmem:s18+$0x5100]  }
0x13d: {  	v7 =	vld [tilespmem:s18+$0x8100]  }
0x13e: {  	v58 =	vld [tilespmem:s18+$0xB100];
	_ =	sdelay $0x4  }
0x13f: {  	v5 =	vadd.f32 v6, v5;
	v6 =	vadd.f32 v58, v7;
	_ =	sdelay $0x1  }
0x140: {  	v5 =	vadd.f32 v6, v5  }
0x141: {  	s21 =	sor.u32 $0x1A100, s18  }
0x142: {  	[tilespmem:s21+$0x0] =	vst.add.f32.msk $0xffff, v5  }
0x143: {  	v5 =	vld [tilespmem:s18+$0x2180]  }
0x144: {  	v6 =	vld [tilespmem:s18+$0x5180]  }
0x145: {  	v7 =	vld [tilespmem:s18+$0x8180]  }
0x146: {  	v59 =	vld [tilespmem:s18+$0xB180];
	_ =	sdelay $0x4  }
0x147: {  	v5 =	vadd.f32 v6, v5;
	v6 =	vadd.f32 v59, v7;
	_ =	sdelay $0x1  }
0x148: {  	v5 =	vadd.f32 v6, v5  }
0x149: {  	s22 =	sor.u32 $0x1A180, s18  }
0x14a: {  	[tilespmem:s22+$0x0] =	vst.add.f32.msk $0xffff, v5  }
0x14b: {  	v5 =	vld [tilespmem:s18+$0x2200]  }
0x14c: {  	v6 =	vld [tilespmem:s18+$0x5200]  }
0x14d: {  	v7 =	vld [tilespmem:s18+$0x8200]  }
0x14e: {  	v60 =	vld [tilespmem:s18+$0xB200];
	_ =	sdelay $0x4  }
0x14f: {  	v5 =	vadd.f32 v6, v5;
	v6 =	vadd.f32 v60, v7;
	_ =	sdelay $0x1  }
0x150: {  	v5 =	vadd.f32 v6, v5  }
0x151: {  	s20 =	sor.u32 $0x1A200, s18  }
0x152: {  	[tilespmem:s20+$0x0] =	vst.add.f32.msk $0xffff, v5  }
0x153: {  	v5 =	vld [tilespmem:s18+$0x2280]  }
0x154: {  	v6 =	vld [tilespmem:s18+$0x5280]  }
0x155: {  	v7 =	vld [tilespmem:s18+$0x8280]  }
0x156: {  	v61 =	vld [tilespmem:s18+$0xB280];
	_ =	sdelay $0x4  }
0x157: {  	v5 =	vadd.f32 v6, v5;
	v6 =	vadd.f32 v61, v7;
	_ =	sdelay $0x1  }
0x158: {  	v5 =	vadd.f32 v6, v5  }
0x159: {  	s21 =	sor.u32 $0x1A280, s18  }
0x15a: {  	[tilespmem:s21+$0x0] =	vst.add.f32.msk $0xffff, v5  }
0x15b: {  	v5 =	vld [tilespmem:s18+$0x2300]  }
0x15c: {  	v6 =	vld [tilespmem:s18+$0x5300]  }
0x15d: {  	v7 =	vld [tilespmem:s18+$0x8300]  }
0x15e: {  	v62 =	vld [tilespmem:s18+$0xB300];
	_ =	sdelay $0x4  }
0x15f: {  	v5 =	vadd.f32 v6, v5;
	v6 =	vadd.f32 v62, v7;
	_ =	sdelay $0x1  }
0x160: {  	v5 =	vadd.f32 v6, v5  }
0x161: {  	s22 =	sor.u32 $0x1A300, s18  }
0x162: {  	[tilespmem:s22+$0x0] =	vst.add.f32.msk $0xffff, v5  }
0x163: {  	v5 =	vld [tilespmem:s18+$0x2380]  }
0x164: {  	v6 =	vld [tilespmem:s18+$0x5380]  }
0x165: {  	v7 =	vld [tilespmem:s18+$0x8380]  }
0x166: {  	v63 =	vld [tilespmem:s18+$0xB380];
	_ =	sdelay $0x3  }
0x167: {  	p0 =	sne.s32 s17, $0x2F0  }
.Ltmp5:
0x168: {  	v5 =	vadd.f32 v6, v5;
	v6 =	vadd.f32 v63, v7;
	(pc) =	sbr.rel @p0 .LBB2_7-.Ltmp5, $4  }
0x169: {  	_ = 	snop  }
0x16a: {  	v5 =	vadd.f32 v6, v5  }
0x16b: {  	s18 =	sor.u32 $0x1A380, s18  }
0x16c: {  	s13 =	sadd.s32 $0x80, s13;
	s17 =	sadd.s32 $0x10, s17;
	[tilespmem:s18+$0x0] =	vst.add.f32.msk $0xffff, v5  }
0x16d: {  	p0 =	seq.s32 s12, $0x7  }
.Ltmp6:
0x16e: {  	_ = 	snop;
	(pc) =	sbr.rel @p0 .LBB2_10-.Ltmp6, $2  }
0x16f: {  	_ =	sdelay $0x2  }
0x170: {  	s13 =	sshll.u32 s12, $0x3  }
0x171: {  	s17 =	sshll.u32 s13, $0x4  }
0x172: {  	s18 =	sadd.s32 $0x80, s17  }
0x173: {  	s18 =	sand.u32 $0x3FFFFFF0, s18  }
0x174: {  	v5 =	vld [tilespmem:s18+$0x400];
	_ =	sdelay $0x4  }
0x175: {  	v6 =	vshrl.u32 v5, $0x3  }
0x176: {  	v6 =	vmul.u32 $0x30, v6  }
0x177: {  	v5 =	vand.u32 $0x7, v5  }
0x178: {  	v5 =	vor.u32 v5, v6  }
0x179: {  	v6 =	vperm.xlane v5, v2;
	_ =	sdelay $0x1  }
0x17a: {  	v6 =	vadd.s32 v3, v6  }
0x17b: {  	s21 =	smul.u32 $0xC300, s13;
	_ =	sdelay $0x1  }
0x17c: {  	s18 =	sadd.s32 s3, s21  }
0x17d: {  	s20 =	simm.s32 $0x800;
	s19 =	sadd.s32 $0x61800, s18;
	v5 =	vperm.xlane v5, v4  }
0x17e: {  	[tilespmem:s20], [sflag:$0x1] =	stream.indirect_vreg.gather [hbm4b:s19+s2], $0x80, v6, vm0, $0xb8;
	[tilespmem:$0x1B800] =	vst v63  }
0x17f: {  	s21 =	simm.s32 $0x1000;
	v5 =	vadd.s32 v3, v5;
	s20 =	sadd.s32 $0x100, s19  }
0x180: {  	[tilespmem:s21], [sflag:$0x1] =	stream.indirect_vreg.gather [hbm4b:s20+s2], $0x80, v6, vm0, $0xb8;
	[tilespmem:$0x1B800] =	vst v63  }
0x181: {  	s22 =	simm.s32 $0x1800;
	s21 =	sadd.s32 $0x200, s19  }
0x182: {  	[tilespmem:s22], [sflag:$0x1] =	stream.indirect_vreg.gather [hbm4b:s21+s2], $0x80, v6, vm0, $0xb8;
	[tilespmem:$0x1B800] =	vst v63  }
0x183: {  	s22 =	simm.s32 $0x2000  }
0x184: {  	[tilespmem:s22], [sflag:$0x1] =	stream.indirect_vreg.gather [hbm4b:s19+s2], $0x80, v5, vm0, $0xb8;
	[tilespmem:$0x1B800] =	vst v63  }
0x185: {  	s22 =	simm.s32 $0x2800  }
0x186: {  	[tilespmem:s22], [sflag:$0x1] =	stream.indirect_vreg.gather [hbm4b:s20+s2], $0x80, v5, vm0, $0xb8;
	[tilespmem:$0x1B800] =	vst v63  }
0x187: {  	s20 =	sadd.s32 $0x90, s17  }
0x188: {  	s22 =	simm.s32 $0x3000;
	s19 =	sand.u32 $0x3FFFFFF0, s20  }
0x189: {  	[tilespmem:s22], [sflag:$0x1] =	stream.indirect_vreg.gather [hbm4b:s21+s2], $0x80, v5, vm0, $0xb8;
	[tilespmem:$0x1B800] =	vst v63  }
0x18a: {  	v5 =	vld [tilespmem:s19+$0x400];
	_ =	sdelay $0x4  }
0x18b: {  	v6 =	vshrl.u32 v5, $0x3  }
0x18c: {  	v6 =	vmul.u32 $0x30, v6  }
0x18d: {  	v5 =	vand.u32 $0x7, v5  }
0x18e: {  	v5 =	vor.u32 v5, v6  }
0x18f: {  	v6 =	vperm.xlane v5, v2;
	_ =	sdelay $0x1  }
0x190: {  	v6 =	vadd.s32 v3, v6;
	_ =	sdelay $0x3  }
0x191: {  	s21 =	simm.s32 $0x3800;
	s19 =	sadd.s32 $0x6DB00, s18;
	v5 =	vperm.xlane v5, v4  }
0x192: {  	[tilespmem:s21], [sflag:$0x2] =	stream.indirect_vreg.gather [hbm4b:s19+s2], $0x80, v6, vm0, $0xb8;
	[tilespmem:$0x1B800] =	vst v63  }
0x193: {  	s22 =	simm.s32 $0x4000;
	s20 =	sadd.s32 $0x100, s19;
	v5 =	vadd.s32 v3, v5  }
0x194: {  	[tilespmem:s22], [sflag:$0x2] =	stream.indirect_vreg.gather [hbm4b:s20+s2], $0x80, v6, vm0, $0xb8;
	[tilespmem:$0x1B800] =	vst v63  }
0x195: {  	s21 =	sadd.s32 $0x200, s19;
	s22 =	simm.s32 $0x4800  }
0x196: {  	[tilespmem:s22], [sflag:$0x2] =	stream.indirect_vreg.gather [hbm4b:s21+s2], $0x80, v6, vm0, $0xb8;
	[tilespmem:$0x1B800] =	vst v63  }
0x197: {  	s22 =	simm.s32 $0x5000  }
0x198: {  	[tilespmem:s22], [sflag:$0x2] =	stream.indirect_vreg.gather [hbm4b:s19+s2], $0x80, v5, vm0, $0xb8;
	[tilespmem:$0x1B800] =	vst v63  }
0x199: {  	s22 =	simm.s32 $0x5800  }
0x19a: {  	[tilespmem:s22], [sflag:$0x2] =	stream.indirect_vreg.gather [hbm4b:s20+s2], $0x80, v5, vm0, $0xb8;
	[tilespmem:$0x1B800] =	vst v63  }
0x19b: {  	s20 =	sadd.s32 $0xA0, s17  }
0x19c: {  	s22 =	simm.s32 $0x6000;
	s19 =	sand.u32 $0x3FFFFFF0, s20  }
0x19d: {  	[tilespmem:s22], [sflag:$0x2] =	stream.indirect_vreg.gather [hbm4b:s21+s2], $0x80, v5, vm0, $0xb8;
	[tilespmem:$0x1B800] =	vst v63  }
0x19e: {  	v5 =	vld [tilespmem:s19+$0x400];
	_ =	sdelay $0x4  }
0x19f: {  	v6 =	vshrl.u32 v5, $0x3  }
0x1a0: {  	v6 =	vmul.u32 $0x30, v6  }
0x1a1: {  	v5 =	vand.u32 $0x7, v5  }
0x1a2: {  	v5 =	vor.u32 v5, v6  }
0x1a3: {  	v6 =	vperm.xlane v5, v2;
	_ =	sdelay $0x1  }
0x1a4: {  	v6 =	vadd.s32 v3, v6;
	_ =	sdelay $0x3  }
0x1a5: {  	s21 =	simm.s32 $0x6800;
	s19 =	sadd.s32 $0x79E00, s18;
	v5 =	vperm.xlane v5, v4  }
0x1a6: {  	[tilespmem:s21], [sflag:$0x3] =	stream.indirect_vreg.gather [hbm4b:s19+s2], $0x80, v6, vm0, $0xb8;
	[tilespmem:$0x1B800] =	vst v63  }
0x1a7: {  	s22 =	simm.s32 $0x7000;
	s20 =	sadd.s32 $0x100, s19;
	v5 =	vadd.s32 v3, v5  }
0x1a8: {  	[tilespmem:s22], [sflag:$0x3] =	stream.indirect_vreg.gather [hbm4b:s20+s2], $0x80, v6, vm0, $0xb8;
	[tilespmem:$0x1B800] =	vst v63  }
0x1a9: {  	s21 =	sadd.s32 $0x200, s19;
	s22 =	simm.s32 $0x7800  }
0x1aa: {  	[tilespmem:s22], [sflag:$0x3] =	stream.indirect_vreg.gather [hbm4b:s21+s2], $0x80, v6, vm0, $0xb8;
	[tilespmem:$0x1B800] =	vst v63  }
0x1ab: {  	s22 =	simm.s32 $0x8000  }
0x1ac: {  	[tilespmem:s22], [sflag:$0x3] =	stream.indirect_vreg.gather [hbm4b:s19+s2], $0x80, v5, vm0, $0xb8;
	[tilespmem:$0x1B800] =	vst v63  }
0x1ad: {  	s17 =	sadd.s32 $0xB0, s17;
	s22 =	simm.s32 $0x8800  }
0x1ae: {  	[tilespmem:s22], [sflag:$0x3] =	stream.indirect_vreg.gather [hbm4b:s20+s2], $0x80, v5, vm0, $0xb8;
	[tilespmem:$0x1B800] =	vst v63  }
0x1af: {  	s17 =	sand.u32 $0x3FFFFFF0, s17;
	s22 =	simm.s32 $0x9000  }
0x1b0: {  	[tilespmem:s22], [sflag:$0x3] =	stream.indirect_vreg.gather [hbm4b:s21+s2], $0x80, v5, vm0, $0xb8;
	[tilespmem:$0x1B800] =	vst v63  }
0x1b1: {  	v5 =	vld [tilespmem:s17+$0x400];
	_ =	sdelay $0x4  }
0x1b2: {  	v6 =	vshrl.u32 v5, $0x3  }
0x1b3: {  	v6 =	vmul.u32 $0x30, v6  }
0x1b4: {  	v5 =	vand.u32 $0x7, v5  }
0x1b5: {  	v5 =	vor.u32 v5, v6  }
0x1b6: {  	v6 =	vperm.xlane v5, v2;
	_ =	sdelay $0x1  }
0x1b7: {  	v6 =	vadd.s32 v3, v6;
	_ =	sdelay $0x3  }
0x1b8: {  	s19 =	simm.s32 $0x9800;
	s17 =	sadd.s32 $0x86100, s18;
	v5 =	vperm.xlane v5, v4  }
0x1b9: {  	[tilespmem:s19], [sflag:$0x4] =	stream.indirect_vreg.gather [hbm4b:s17+s2], $0x80, v6, vm0, $0xb8;
	[tilespmem:$0x1B800] =	vst v63  }
0x1ba: {  	s20 =	simm.s32 $0xA000;
	s18 =	sadd.s32 $0x100, s17;
	v5 =	vadd.s32 v3, v5  }
0x1bb: {  	[tilespmem:s20], [sflag:$0x4] =	stream.indirect_vreg.gather [hbm4b:s18+s2], $0x80, v6, vm0, $0xb8;
	[tilespmem:$0x1B800] =	vst v63  }
0x1bc: {  	s21 =	simm.s32 $0xA800;
	s19 =	sadd.s32 $0x200, s17  }
0x1bd: {  	[tilespmem:s21], [sflag:$0x4] =	stream.indirect_vreg.gather [hbm4b:s19+s2], $0x80, v6, vm0, $0xb8;
	[tilespmem:$0x1B800] =	vst v63  }
0x1be: {  	s22 =	simm.s32 $0xB000  }
0x1bf: {  	[tilespmem:s22], [sflag:$0x4] =	stream.indirect_vreg.gather [hbm4b:s17+s2], $0x80, v5, vm0, $0xb8;
	[tilespmem:$0x1B800] =	vst v63  }
0x1c0: {  	s21 =	simm.s32 $0xB800  }
0x1c1: {  	[tilespmem:s21], [sflag:$0x4] =	stream.indirect_vreg.gather [hbm4b:s18+s2], $0x80, v5, vm0, $0xb8;
	[tilespmem:$0x1B800] =	vst v63  }
0x1c2: {  	s22 =	simm.s32 $0xC000  }
0x1c3: {  	[tilespmem:s22], [sflag:$0x4] =	stream.indirect_vreg.gather [hbm4b:s19+s2], $0x80, v5, vm0, $0xb8;
	[tilespmem:$0x1B800] =	vst v63  }
.LBB2_10:
0x1c4: {  	_ =	swait.ge [sflag:s8], $0x3000  }
0x1c5: {  	[sflag:s8] =	ssyncset.done $0x0  }
0x1c6: {  	[sflag:s8] =	ssyncadd.s32 $0xFFFFD000  }
0x1c7: {  	_ =	swait.ge [sflag:s9], $0x3000  }
0x1c8: {  	[sflag:s9] =	ssyncset.done $0x0  }
0x1c9: {  	[sflag:s9] =	ssyncadd.s32 $0xFFFFD000  }
0x1ca: {  	_ =	swait.ge [sflag:s10], $0x3000  }
0x1cb: {  	[sflag:s10] =	ssyncset.done $0x0  }
0x1cc: {  	[sflag:s10] =	ssyncadd.s32 $0xFFFFD000  }
0x1cd: {  	s18 =	simm.s32 $0x0;
	_ =	swait.ge [sflag:s11], $0x3000  }
0x1ce: {  	s17 =	sand.u32 $0x70, s18;
	s19 =	sand.u32 $0x1C00, s18;
	[sflag:s11] =	ssyncset.done $0x0  }
0x1cf: {  	s17 =	sor.u32 s17, s19;
	[sflag:s11] =	ssyncadd.s32 $0xFFFFD000  }
0x1d0: {  	v5 =	vld [tilespmem:s17+$0x15880]  }
0x1d1: {  	v6 =	vld [tilespmem:s17+$0x12880]  }
0x1d2: {  	v7 =	vld [tilespmem:s17+$0x15800]  }
0x1d3: {  	v8 =	vld [tilespmem:s17+$0xF800]  }
0x1d4: {  	v9 =	vld [tilespmem:s17+$0xC880]  }
0x1d5: {  	v10 =	vld [tilespmem:s17+$0x12800]  }
0x1d6: {  	v11 =	vld [tilespmem:s17+$0xC800]  }
0x1d7: {  	v12 =	vld [tilespmem:s17+$0xF880];
	_ =	sdelay $0x3  }
0x1d8: {  	v7 =	vadd.f32 v7, v10;
	v8 =	vadd.f32 v8, v11  }
0x1d9: {  	v5 =	vadd.f32 v5, v6;
	v6 =	vadd.f32 v12, v9  }
0x1da: {  	v7 =	vadd.f32 v7, v8  }
0x1db: {  	s19 =	sadd.s32 $0x18800, s17;
	v5 =	vadd.f32 v5, v6  }
0x1dc: {  	s20 =	sor.u32 $0x80, s19;
	[tilespmem:s17+$0x18800] =	vst.add.f32.msk $0xffff, v7  }
0x1dd: {  	[tilespmem:s20+$0x0] =	vst.add.f32.msk $0xffff, v5  }
0x1de: {  	v5 =	vld [tilespmem:s17+$0xF900]  }
0x1df: {  	v6 =	vld [tilespmem:s17+$0x15900]  }
0x1e0: {  	v7 =	vld [tilespmem:s17+$0x12900]  }
0x1e1: {  	v8 =	vld [tilespmem:s17+$0xC900];
	_ =	sdelay $0x4  }
0x1e2: {  	v6 =	vadd.f32 v6, v7;
	v5 =	vadd.f32 v5, v8;
	_ =	sdelay $0x1  }
0x1e3: {  	v5 =	vadd.f32 v6, v5  }
0x1e4: {  	s21 =	sor.u32 $0x100, s19  }
0x1e5: {  	[tilespmem:s21+$0x0] =	vst.add.f32.msk $0xffff, v5  }
0x1e6: {  	v5 =	vld [tilespmem:s17+$0xF980]  }
0x1e7: {  	v6 =	vld [tilespmem:s17+$0x15980]  }
0x1e8: {  	v7 =	vld [tilespmem:s17+$0x12980]  }
0x1e9: {  	v8 =	vld [tilespmem:s17+$0xC980];
	_ =	sdelay $0x4  }
0x1ea: {  	v6 =	vadd.f32 v6, v7;
	v5 =	vadd.f32 v5, v8;
	_ =	sdelay $0x1  }
0x1eb: {  	v5 =	vadd.f32 v6, v5  }
0x1ec: {  	s22 =	sor.u32 $0x180, s19  }
0x1ed: {  	[tilespmem:s22+$0x0] =	vst.add.f32.msk $0xffff, v5  }
0x1ee: {  	v5 =	vld [tilespmem:s17+$0xFA00]  }
0x1ef: {  	v6 =	vld [tilespmem:s17+$0x15A00]  }
0x1f0: {  	v7 =	vld [tilespmem:s17+$0xCA00]  }
0x1f1: {  	v8 =	vld [tilespmem:s17+$0x12A00];
	_ =	sdelay $0x4  }
0x1f2: {  	v5 =	vadd.f32 v5, v7;
	v6 =	vadd.f32 v6, v8;
	_ =	sdelay $0x1  }
0x1f3: {  	v5 =	vadd.f32 v6, v5  }
0x1f4: {  	s21 =	sor.u32 $0x200, s19  }
0x1f5: {  	[tilespmem:s21+$0x0] =	vst.add.f32.msk $0xffff, v5  }
0x1f6: {  	v5 =	vld [tilespmem:s17+$0xFA80]  }
0x1f7: {  	v6 =	vld [tilespmem:s17+$0x12A80]  }
0x1f8: {  	v7 =	vld [tilespmem:s17+$0x15A80]  }
0x1f9: {  	v8 =	vld [tilespmem:s17+$0xCA80];
	_ =	sdelay $0x4  }
0x1fa: {  	v6 =	vadd.f32 v7, v6;
	v5 =	vadd.f32 v5, v8;
	_ =	sdelay $0x1  }
0x1fb: {  	v5 =	vadd.f32 v6, v5  }
0x1fc: {  	s22 =	sor.u32 $0x280, s19  }
0x1fd: {  	[tilespmem:s22+$0x0] =	vst.add.f32.msk $0xffff, v5  }
0x1fe: {  	v5 =	vld [tilespmem:s17+$0x12B00]  }
0x1ff: {  	v6 =	vld [tilespmem:s17+$0xFB00]  }
0x200: {  	v7 =	vld [tilespmem:s17+$0xCB00]  }
0x201: {  	v8 =	vld [tilespmem:s17+$0x15B00];
	_ =	sdelay $0x4  }
0x202: {  	v6 =	vadd.f32 v6, v7;
	v5 =	vadd.f32 v8, v5;
	_ =	sdelay $0x1  }
0x203: {  	v5 =	vadd.f32 v5, v6  }
0x204: {  	s19 =	sor.u32 $0x300, s19  }
0x205: {  	[tilespmem:s19+$0x0] =	vst.add.f32.msk $0xffff, v5  }
0x206: {  	v5 =	vld [tilespmem:s17+$0x15B80]  }
0x207: {  	v6 =	vld [tilespmem:s17+$0xFB80]  }
0x208: {  	v7 =	vld [tilespmem:s17+$0xCB80]  }
0x209: {  	v8 =	vld [tilespmem:s17+$0x12B80];
	_ =	sdelay $0x4  }
0x20a: {  	v6 =	vadd.f32 v6, v7;
	v5 =	vadd.f32 v5, v8;
	_ =	sdelay $0x1  }
0x20b: {  	s21 =	sor.u32 s18, s18;
	v5 =	vadd.f32 v5, v6  }
0x20c: {  	s19 =	sor.u32 $0x380, s21  }
0x20d: {  	[tilespmem:s19+$0x18800] =	vst.add.f32.msk $0xffff, v5  }
0x20e: {  	v5 =	vld [tilespmem:s17+$0x11000]  }
0x20f: {  	v6 =	vld [tilespmem:s17+$0x17000]  }
0x210: {  	v7 =	vld [tilespmem:s17+$0xE000]  }
0x211: {  	v8 =	vld [tilespmem:s17+$0x14000];
	_ =	sdelay $0x4  }
0x212: {  	v5 =	vadd.f32 v5, v7;
	v6 =	vadd.f32 v6, v8;
	_ =	sdelay $0x1  }
0x213: {  	v5 =	vadd.f32 v6, v5  }
0x214: {  	s22 =	sor.u32 $0x1A000, s17  }
0x215: {  	[tilespmem:s22+$0x0] =	vst.add.f32.msk $0xffff, v5  }
0x216: {  	v5 =	vld [tilespmem:s17+$0x11080]  }
0x217: {  	v6 =	vld [tilespmem:s17+$0x17080]  }
0x218: {  	v7 =	vld [tilespmem:s17+$0xE080]  }
0x219: {  	v8 =	vld [tilespmem:s17+$0x14080];
	_ =	sdelay $0x4  }
0x21a: {  	v5 =	vadd.f32 v5, v7;
	v6 =	vadd.f32 v6, v8;
	_ =	sdelay $0x1  }
0x21b: {  	v5 =	vadd.f32 v6, v5  }
0x21c: {  	s20 =	sor.u32 $0x1A080, s17  }
0x21d: {  	[tilespmem:s20+$0x0] =	vst.add.f32.msk $0xffff, v5  }
0x21e: {  	v5 =	vld [tilespmem:s17+$0x17100]  }
0x21f: {  	v6 =	vld [tilespmem:s17+$0x11100]  }
0x220: {  	v7 =	vld [tilespmem:s17+$0xE100]  }
0x221: {  	v8 =	vld [tilespmem:s17+$0x14100];
	_ =	sdelay $0x4  }
0x222: {  	v6 =	vadd.f32 v6, v7;
	v5 =	vadd.f32 v5, v8;
	_ =	sdelay $0x1  }
0x223: {  	v5 =	vadd.f32 v5, v6  }
0x224: {  	s21 =	sor.u32 $0x1A100, s17  }
0x225: {  	[tilespmem:s21+$0x0] =	vst.add.f32.msk $0xffff, v5  }
0x226: {  	v5 =	vld [tilespmem:s17+$0xE180]  }
0x227: {  	v6 =	vld [tilespmem:s17+$0x11180]  }
0x228: {  	v7 =	vld [tilespmem:s17+$0x17180]  }
0x229: {  	v8 =	vld [tilespmem:s17+$0x14180];
	_ =	sdelay $0x4  }
0x22a: {  	v5 =	vadd.f32 v6, v5;
	v6 =	vadd.f32 v7, v8;
	_ =	sdelay $0x1  }
0x22b: {  	v5 =	vadd.f32 v6, v5  }
0x22c: {  	s22 =	sor.u32 $0x1A180, s17  }
0x22d: {  	[tilespmem:s22+$0x0] =	vst.add.f32.msk $0xffff, v5  }
0x22e: {  	v5 =	vld [tilespmem:s17+$0x11200]  }
0x22f: {  	s19 =	simm.s32 $0x10;
	v6 =	vld [tilespmem:s17+$0x17200]  }
.LBB2_11:
0x230: {  	p1 =	sne.s32 s19, $0x2F0  }
0x231: {  	v7 =	vld [tilespmem:s17+$0xE200];
	s18 =	sadd.s32 $0x80, s18;
	s20 =	smov.u32 s19;
	s19 =	sadd.s32 $0x10, s19  }
0x232: {  	v8 =	vld [tilespmem:s17+$0x14200];
	_ =	sdelay $0x3  }
0x233: {  	v5 =	vadd.f32 v5, v7  }
0x234: {  	v6 =	vadd.f32 v6, v8;
	_ =	sdelay $0x1  }
0x235: {  	v5 =	vadd.f32 v6, v5  }
0x236: {  	s21 =	sor.u32 $0x1A200, s17  }
0x237: {  	[tilespmem:s21+$0x0] =	vst.add.f32.msk $0xffff, v5  }
0x238: {  	v5 =	vld [tilespmem:s17+$0x11280]  }
0x239: {  	v6 =	vld [tilespmem:s17+$0x17280]  }
0x23a: {  	v7 =	vld [tilespmem:s17+$0x14280]  }
0x23b: {  	v8 =	vld [tilespmem:s17+$0xE280];
	_ =	sdelay $0x3  }
0x23c: {  	v6 =	vadd.f32 v6, v7  }
0x23d: {  	v5 =	vadd.f32 v5, v8;
	_ =	sdelay $0x1  }
0x23e: {  	v5 =	vadd.f32 v6, v5  }
0x23f: {  	s21 =	sor.u32 $0x1A280, s17  }
0x240: {  	[tilespmem:s21+$0x0] =	vst.add.f32.msk $0xffff, v5  }
0x241: {  	v5 =	vld [tilespmem:s17+$0x11300]  }
0x242: {  	v6 =	vld [tilespmem:s17+$0x14300]  }
0x243: {  	v7 =	vld [tilespmem:s17+$0x17300]  }
0x244: {  	v8 =	vld [tilespmem:s17+$0xE300];
	_ =	sdelay $0x3  }
0x245: {  	v6 =	vadd.f32 v7, v6  }
0x246: {  	v5 =	vadd.f32 v5, v8;
	_ =	sdelay $0x1  }
0x247: {  	v5 =	vadd.f32 v6, v5  }
0x248: {  	s21 =	sor.u32 $0x1A300, s17  }
0x249: {  	[tilespmem:s21+$0x0] =	vst.add.f32.msk $0xffff, v5  }
0x24a: {  	v5 =	vld [tilespmem:s17+$0x11380]  }
0x24b: {  	v6 =	vld [tilespmem:s17+$0x17380]  }
0x24c: {  	v7 =	vld [tilespmem:s17+$0xE380]  }
0x24d: {  	v8 =	vld [tilespmem:s17+$0x14380];
	_ =	sdelay $0x3  }
0x24e: {  	v5 =	vadd.f32 v5, v7  }
0x24f: {  	v6 =	vadd.f32 v6, v8;
	_ =	sdelay $0x1  }
0x250: {  	s21 =	sor.u32 $0x1A380, s17;
	v5 =	vadd.f32 v6, v5  }
0x251: {  	s22 =	sand.u32 $0x1C00, s18;
	s17 =	sand.u32 $0x70, s20  }
0x252: {  	s17 =	sor.u32 s17, s22;
	[tilespmem:s21+$0x0] =	vst.add.f32.msk $0xffff, v5  }
0x253: {  	s21 =	sadd.s32 $0x18800, s17;
	v5 =	vld [tilespmem:s17+$0x15880]  }
0x254: {  	v6 =	vld [tilespmem:s17+$0x12880]  }
0x255: {  	v7 =	vld [tilespmem:s17+$0x15800]  }
0x256: {  	v8 =	vld [tilespmem:s17+$0xF800]  }
0x257: {  	v9 =	vld [tilespmem:s17+$0xC880]  }
0x258: {  	v10 =	vld [tilespmem:s17+$0xF880]  }
0x259: {  	v11 =	vld [tilespmem:s17+$0x12800];
	v5 =	vadd.f32 v5, v6  }
0x25a: {  	v6 =	vld [tilespmem:s17+$0xC800];
	_ =	sdelay $0x2  }
0x25b: {  	v9 =	vadd.f32 v10, v9  }
0x25c: {  	v7 =	vadd.f32 v7, v11  }
0x25d: {  	v6 =	vadd.f32 v8, v6;
	_ =	sdelay $0x1  }
0x25e: {  	v6 =	vadd.f32 v7, v6  }
0x25f: {  	v5 =	vadd.f32 v5, v9  }
0x260: {  	s22 =	sor.u32 $0x80, s21;
	[tilespmem:s17+$0x18800] =	vst.add.f32.msk $0xffff, v6  }
0x261: {  	[tilespmem:s22+$0x0] =	vst.add.f32.msk $0xffff, v5  }
0x262: {  	v5 =	vld [tilespmem:s17+$0xF900]  }
0x263: {  	v6 =	vld [tilespmem:s17+$0x15900]  }
0x264: {  	v7 =	vld [tilespmem:s17+$0x12900]  }
0x265: {  	v8 =	vld [tilespmem:s17+$0xC900];
	_ =	sdelay $0x3  }
0x266: {  	v6 =	vadd.f32 v6, v7  }
0x267: {  	v5 =	vadd.f32 v5, v8;
	_ =	sdelay $0x1  }
0x268: {  	v5 =	vadd.f32 v6, v5  }
0x269: {  	s22 =	sor.u32 $0x100, s21  }
0x26a: {  	[tilespmem:s22+$0x0] =	vst.add.f32.msk $0xffff, v5  }
0x26b: {  	v5 =	vld [tilespmem:s17+$0xF980]  }
0x26c: {  	v6 =	vld [tilespmem:s17+$0x15980]  }
0x26d: {  	v7 =	vld [tilespmem:s17+$0x12980]  }
0x26e: {  	v8 =	vld [tilespmem:s17+$0xC980];
	_ =	sdelay $0x3  }
0x26f: {  	v6 =	vadd.f32 v6, v7  }
0x270: {  	v5 =	vadd.f32 v5, v8;
	_ =	sdelay $0x1  }
0x271: {  	v5 =	vadd.f32 v6, v5  }
0x272: {  	s22 =	sor.u32 $0x180, s21  }
0x273: {  	[tilespmem:s22+$0x0] =	vst.add.f32.msk $0xffff, v5  }
0x274: {  	v5 =	vld [tilespmem:s17+$0xFA00]  }
0x275: {  	v6 =	vld [tilespmem:s17+$0x15A00]  }
0x276: {  	v7 =	vld [tilespmem:s17+$0xCA00]  }
0x277: {  	v8 =	vld [tilespmem:s17+$0x12A00];
	_ =	sdelay $0x3  }
0x278: {  	v5 =	vadd.f32 v5, v7  }
0x279: {  	v6 =	vadd.f32 v6, v8;
	_ =	sdelay $0x1  }
0x27a: {  	v5 =	vadd.f32 v6, v5  }
0x27b: {  	s22 =	sor.u32 $0x200, s21  }
0x27c: {  	[tilespmem:s22+$0x0] =	vst.add.f32.msk $0xffff, v5  }
0x27d: {  	v5 =	vld [tilespmem:s17+$0xFA80]  }
0x27e: {  	v6 =	vld [tilespmem:s17+$0x12A80]  }
0x27f: {  	v7 =	vld [tilespmem:s17+$0x15A80]  }
0x280: {  	v8 =	vld [tilespmem:s17+$0xCA80];
	_ =	sdelay $0x3  }
0x281: {  	v6 =	vadd.f32 v7, v6  }
0x282: {  	v5 =	vadd.f32 v5, v8;
	_ =	sdelay $0x1  }
0x283: {  	v5 =	vadd.f32 v6, v5  }
0x284: {  	s22 =	sor.u32 $0x280, s21  }
0x285: {  	[tilespmem:s22+$0x0] =	vst.add.f32.msk $0xffff, v5  }
0x286: {  	v5 =	vld [tilespmem:s17+$0x12B00]  }
0x287: {  	v6 =	vld [tilespmem:s17+$0xFB00]  }
0x288: {  	v7 =	vld [tilespmem:s17+$0xCB00]  }
0x289: {  	v8 =	vld [tilespmem:s17+$0x15B00];
	_ =	sdelay $0x3  }
0x28a: {  	v6 =	vadd.f32 v6, v7  }
0x28b: {  	v5 =	vadd.f32 v8, v5;
	_ =	sdelay $0x1  }
0x28c: {  	v5 =	vadd.f32 v5, v6  }
0x28d: {  	s21 =	sor.u32 $0x300, s21  }
0x28e: {  	[tilespmem:s21+$0x0] =	vst.add.f32.msk $0xffff, v5  }
0x28f: {  	v5 =	vld [tilespmem:s17+$0x15B80]  }
0x290: {  	v6 =	vld [tilespmem:s17+$0xFB80]  }
0x291: {  	v7 =	vld [tilespmem:s17+$0xCB80]  }
0x292: {  	v8 =	vld [tilespmem:s17+$0x12B80];
	_ =	sdelay $0x3  }
0x293: {  	v6 =	vadd.f32 v6, v7  }
0x294: {  	v5 =	vadd.f32 v5, v8;
	_ =	sdelay $0x1  }
0x295: {  	s20 =	sor.u32 s18, s20;
	v5 =	vadd.f32 v5, v6  }
0x296: {  	s20 =	sor.u32 $0x380, s20  }
0x297: {  	[tilespmem:s20+$0x18800] =	vst.add.f32.msk $0xffff, v5  }
0x298: {  	v5 =	vld [tilespmem:s17+$0x11000]  }
0x299: {  	v6 =	vld [tilespmem:s17+$0x17000]  }
0x29a: {  	v7 =	vld [tilespmem:s17+$0xE000]  }
0x29b: {  	v8 =	vld [tilespmem:s17+$0x14000];
	_ =	sdelay $0x3  }
0x29c: {  	v5 =	vadd.f32 v5, v7  }
0x29d: {  	v6 =	vadd.f32 v6, v8;
	_ =	sdelay $0x1  }
0x29e: {  	v5 =	vadd.f32 v6, v5  }
0x29f: {  	s20 =	sor.u32 $0x1A000, s17  }
0x2a0: {  	[tilespmem:s20+$0x0] =	vst.add.f32.msk $0xffff, v5  }
0x2a1: {  	v5 =	vld [tilespmem:s17+$0x11080]  }
0x2a2: {  	v6 =	vld [tilespmem:s17+$0x17080]  }
0x2a3: {  	v7 =	vld [tilespmem:s17+$0xE080]  }
0x2a4: {  	v8 =	vld [tilespmem:s17+$0x14080];
	_ =	sdelay $0x3  }
0x2a5: {  	v5 =	vadd.f32 v5, v7  }
0x2a6: {  	v6 =	vadd.f32 v6, v8;
	_ =	sdelay $0x1  }
0x2a7: {  	v5 =	vadd.f32 v6, v5  }
0x2a8: {  	s20 =	sor.u32 $0x1A080, s17  }
0x2a9: {  	[tilespmem:s20+$0x0] =	vst.add.f32.msk $0xffff, v5  }
0x2aa: {  	v5 =	vld [tilespmem:s17+$0x17100]  }
0x2ab: {  	v6 =	vld [tilespmem:s17+$0x11100]  }
0x2ac: {  	v7 =	vld [tilespmem:s17+$0xE100]  }
0x2ad: {  	v8 =	vld [tilespmem:s17+$0x14100];
	_ =	sdelay $0x3  }
0x2ae: {  	v6 =	vadd.f32 v6, v7  }
0x2af: {  	v5 =	vadd.f32 v5, v8;
	_ =	sdelay $0x1  }
0x2b0: {  	v5 =	vadd.f32 v5, v6  }
0x2b1: {  	s20 =	sor.u32 $0x1A100, s17  }
0x2b2: {  	[tilespmem:s20+$0x0] =	vst.add.f32.msk $0xffff, v5  }
0x2b3: {  	v5 =	vld [tilespmem:s17+$0xE180]  }
0x2b4: {  	v6 =	vld [tilespmem:s17+$0x11180]  }
0x2b5: {  	v7 =	vld [tilespmem:s17+$0x17180]  }
0x2b6: {  	v8 =	vld [tilespmem:s17+$0x14180];
	_ =	sdelay $0x2  }
0x2b7: {  	v5 =	vadd.f32 v6, v5;
	_ =	sdelay $0x1  }
0x2b8: {  	v6 =	vadd.f32 v7, v8;
	_ =	sdelay $0x1  }
.Ltmp7:
0x2b9: {  	v5 =	vadd.f32 v6, v5;
	(pc) =	sbr.rel @p1 .LBB2_11-.Ltmp7, $4  }
0x2ba: {  	s20 =	sor.u32 $0x1A180, s17  }
0x2bb: {  	[tilespmem:s20+$0x0] =	vst.add.f32.msk $0xffff, v5  }
0x2bc: {  	v5 =	vld [tilespmem:s17+$0x11200]  }
0x2bd: {  	v6 =	vld [tilespmem:s17+$0x17200]  }
0x2be: {  	v7 =	vld [tilespmem:s17+$0xE200]  }
0x2bf: {  	v8 =	vld [tilespmem:s17+$0x14200];
	_ =	sdelay $0x4  }
0x2c0: {  	v5 =	vadd.f32 v5, v7;
	v6 =	vadd.f32 v6, v8;
	_ =	sdelay $0x1  }
0x2c1: {  	v5 =	vadd.f32 v6, v5  }
0x2c2: {  	s18 =	sor.u32 $0x1A200, s17  }
0x2c3: {  	[tilespmem:s18+$0x0] =	vst.add.f32.msk $0xffff, v5  }
0x2c4: {  	v5 =	vld [tilespmem:s17+$0x11280]  }
0x2c5: {  	v6 =	vld [tilespmem:s17+$0x17280]  }
0x2c6: {  	v7 =	vld [tilespmem:s17+$0x14280]  }
0x2c7: {  	v61 =	vld [tilespmem:s17+$0xE280];
	_ =	sdelay $0x4  }
0x2c8: {  	v6 =	vadd.f32 v6, v7;
	v5 =	vadd.f32 v5, v61;
	_ =	sdelay $0x1  }
0x2c9: {  	v5 =	vadd.f32 v6, v5  }
0x2ca: {  	s20 =	sor.u32 $0x1A280, s17  }
0x2cb: {  	[tilespmem:s20+$0x0] =	vst.add.f32.msk $0xffff, v5  }
0x2cc: {  	v5 =	vld [tilespmem:s17+$0x11300]  }
0x2cd: {  	v6 =	vld [tilespmem:s17+$0x14300]  }
0x2ce: {  	v7 =	vld [tilespmem:s17+$0x17300]  }
0x2cf: {  	v62 =	vld [tilespmem:s17+$0xE300];
	_ =	sdelay $0x4  }
0x2d0: {  	v6 =	vadd.f32 v7, v6;
	v5 =	vadd.f32 v5, v62;
	_ =	sdelay $0x1  }
0x2d1: {  	v5 =	vadd.f32 v6, v5  }
0x2d2: {  	s21 =	sor.u32 $0x1A300, s17  }
0x2d3: {  	[tilespmem:s21+$0x0] =	vst.add.f32.msk $0xffff, v5  }
0x2d4: {  	v5 =	vld [tilespmem:s17+$0x11380]  }
0x2d5: {  	v6 =	vld [tilespmem:s17+$0x17380]  }
0x2d6: {  	v7 =	vld [tilespmem:s17+$0xE380]  }
0x2d7: {  	v63 =	vld [tilespmem:s17+$0x14380];
	_ =	sdelay $0x4  }
.Ltmp8:
0x2d8: {  	v5 =	vadd.f32 v5, v7;
	v6 =	vadd.f32 v6, v63;
	(pc) =	sbr.rel @p0 .LBB2_14-.Ltmp8, $4  }
0x2d9: {  	_ = 	snop  }
0x2da: {  	v5 =	vadd.f32 v6, v5  }
0x2db: {  	s22 =	sor.u32 $0x1A380, s17  }
0x2dc: {  	[tilespmem:s22+$0x0] =	vst.add.f32.msk $0xffff, v5  }
0x2dd: {  	s17 =	sshll.u32 s13, $0x4  }
0x2de: {  	s18 =	sadd.s32 $0xC0, s17  }
0x2df: {  	s18 =	sand.u32 $0x3FFFFFF0, s18  }
0x2e0: {  	v5 =	vld [tilespmem:s18+$0x400];
	_ =	sdelay $0x4  }
0x2e1: {  	v6 =	vshrl.u32 v5, $0x3  }
0x2e2: {  	v6 =	vmul.u32 $0x30, v6  }
0x2e3: {  	v5 =	vand.u32 $0x7, v5  }
0x2e4: {  	v5 =	vor.u32 v5, v6  }
0x2e5: {  	v6 =	vperm.xlane v5, v2;
	_ =	sdelay $0x1  }
0x2e6: {  	v6 =	vadd.s32 v3, v6  }
0x2e7: {  	s21 =	smul.u32 $0xC300, s13;
	_ =	sdelay $0x1  }
0x2e8: {  	s13 =	sadd.s32 s3, s21  }
0x2e9: {  	s19 =	simm.s32 $0xC800;
	s18 =	sadd.s32 $0x92400, s13;
	v5 =	vperm.xlane v5, v4  }
0x2ea: {  	[tilespmem:s19], [sflag:$0x5] =	stream.indirect_vreg.gather [hbm4b:s18+s2], $0x80, v6, vm0, $0xb8;
	[tilespmem:$0x1B800] =	vst v63  }
0x2eb: {  	s20 =	simm.s32 $0xD000;
	v5 =	vadd.s32 v3, v5;
	s19 =	sadd.s32 $0x100, s18  }
0x2ec: {  	[tilespmem:s20], [sflag:$0x5] =	stream.indirect_vreg.gather [hbm4b:s19+s2], $0x80, v6, vm0, $0xb8;
	[tilespmem:$0x1B800] =	vst v63  }
0x2ed: {  	s21 =	simm.s32 $0xD800;
	s20 =	sadd.s32 $0x200, s18  }
0x2ee: {  	[tilespmem:s21], [sflag:$0x5] =	stream.indirect_vreg.gather [hbm4b:s20+s2], $0x80, v6, vm0, $0xb8;
	[tilespmem:$0x1B800] =	vst v63  }
0x2ef: {  	s22 =	simm.s32 $0xE000  }
0x2f0: {  	[tilespmem:s22], [sflag:$0x5] =	stream.indirect_vreg.gather [hbm4b:s18+s2], $0x80, v5, vm0, $0xb8;
	[tilespmem:$0x1B800] =	vst v63  }
0x2f1: {  	s21 =	simm.s32 $0xE800  }
0x2f2: {  	[tilespmem:s21], [sflag:$0x5] =	stream.indirect_vreg.gather [hbm4b:s19+s2], $0x80, v5, vm0, $0xb8;
	[tilespmem:$0x1B800] =	vst v63  }
0x2f3: {  	s19 =	sadd.s32 $0xD0, s17  }
0x2f4: {  	s22 =	simm.s32 $0xF000;
	s18 =	sand.u32 $0x3FFFFFF0, s19  }
0x2f5: {  	[tilespmem:s22], [sflag:$0x5] =	stream.indirect_vreg.gather [hbm4b:s20+s2], $0x80, v5, vm0, $0xb8;
	[tilespmem:$0x1B800] =	vst v63  }
0x2f6: {  	v5 =	vld [tilespmem:s18+$0x400];
	_ =	sdelay $0x4  }
0x2f7: {  	v6 =	vshrl.u32 v5, $0x3  }
0x2f8: {  	v6 =	vmul.u32 $0x30, v6  }
0x2f9: {  	v5 =	vand.u32 $0x7, v5  }
0x2fa: {  	v5 =	vor.u32 v5, v6  }
0x2fb: {  	v6 =	vperm.xlane v5, v2;
	_ =	sdelay $0x1  }
0x2fc: {  	v6 =	vadd.s32 v3, v6;
	_ =	sdelay $0x3  }
0x2fd: {  	s20 =	simm.s32 $0xF800;
	s18 =	sadd.s32 $0x9E700, s13;
	v5 =	vperm.xlane v5, v4  }
0x2fe: {  	[tilespmem:s20], [sflag:$0x6] =	stream.indirect_vreg.gather [hbm4b:s18+s2], $0x80, v6, vm0, $0xb8;
	[tilespmem:$0x1B800] =	vst v63  }
0x2ff: {  	s21 =	simm.s32 $0x10000;
	s19 =	sadd.s32 $0x100, s18;
	v5 =	vadd.s32 v3, v5  }
0x300: {  	[tilespmem:s21], [sflag:$0x6] =	stream.indirect_vreg.gather [hbm4b:s19+s2], $0x80, v6, vm0, $0xb8;
	[tilespmem:$0x1B800] =	vst v63  }
0x301: {  	s22 =	simm.s32 $0x10800;
	s20 =	sadd.s32 $0x200, s18  }
0x302: {  	[tilespmem:s22], [sflag:$0x6] =	stream.indirect_vreg.gather [hbm4b:s20+s2], $0x80, v6, vm0, $0xb8;
	[tilespmem:$0x1B800] =	vst v63  }
0x303: {  	s22 =	simm.s32 $0x11000  }
0x304: {  	[tilespmem:s22], [sflag:$0x6] =	stream.indirect_vreg.gather [hbm4b:s18+s2], $0x80, v5, vm0, $0xb8;
	[tilespmem:$0x1B800] =	vst v63  }
0x305: {  	s22 =	simm.s32 $0x11800  }
0x306: {  	[tilespmem:s22], [sflag:$0x6] =	stream.indirect_vreg.gather [hbm4b:s19+s2], $0x80, v5, vm0, $0xb8;
	[tilespmem:$0x1B800] =	vst v63  }
0x307: {  	s19 =	sadd.s32 $0xE0, s17  }
0x308: {  	s18 =	sand.u32 $0x3FFFFFF0, s19  }
0x309: {  	[tilespmem:s23], [sflag:$0x6] =	stream.indirect_vreg.gather [hbm4b:s20+s2], $0x80, v5, vm0, $0xb8;
	[tilespmem:$0x1B800] =	vst v63  }
0x30a: {  	v5 =	vld [tilespmem:s18+$0x400];
	_ =	sdelay $0x4  }
0x30b: {  	v6 =	vshrl.u32 v5, $0x3  }
0x30c: {  	v6 =	vmul.u32 $0x30, v6  }
0x30d: {  	v5 =	vand.u32 $0x7, v5  }
0x30e: {  	v5 =	vor.u32 v5, v6  }
0x30f: {  	v6 =	vperm.xlane v5, v2;
	_ =	sdelay $0x1  }
0x310: {  	v6 =	vadd.s32 v3, v6;
	_ =	sdelay $0x3  }
0x311: {  	s20 =	sadd.s32 $0xAAA00, s13;
	v5 =	vperm.xlane v5, v4  }
0x312: {  	[tilespmem:s24], [sflag:$0x7] =	stream.indirect_vreg.gather [hbm4b:s20+s2], $0x80, v6, vm0, $0xb8;
	[tilespmem:$0x1B800] =	vst v63  }
0x313: {  	s21 =	sadd.s32 $0x100, s20;
	v5 =	vadd.s32 v3, v5  }
0x314: {  	[tilespmem:s25], [sflag:$0x7] =	stream.indirect_vreg.gather [hbm4b:s21+s2], $0x80, v6, vm0, $0xb8;
	[tilespmem:$0x1B800] =	vst v63  }
0x315: {  	s22 =	sadd.s32 $0x200, s20  }
0x316: {  	[tilespmem:s26], [sflag:$0x7] =	stream.indirect_vreg.gather [hbm4b:s22+s2], $0x80, v6, vm0, $0xb8;
	[tilespmem:$0x1B800] =	vst v63  }
0x317: {  	_ = 	snop  }
0x318: {  	[tilespmem:s28], [sflag:$0x7] =	stream.indirect_vreg.gather [hbm4b:s20+s2], $0x80, v5, vm0, $0xb8;
	[tilespmem:$0x1B800] =	vst v63  }
0x319: {  	s17 =	sadd.s32 $0xF0, s17  }
0x31a: {  	[tilespmem:s29], [sflag:$0x7] =	stream.indirect_vreg.gather [hbm4b:s21+s2], $0x80, v5, vm0, $0xb8;
	[tilespmem:$0x1B800] =	vst v63  }
0x31b: {  	s17 =	sand.u32 $0x3FFFFFF0, s17  }
0x31c: {  	[tilespmem:s30], [sflag:$0x7] =	stream.indirect_vreg.gather [hbm4b:s22+s2], $0x80, v5, vm0, $0xb8;
	[tilespmem:$0x1B800] =	vst v63  }
0x31d: {  	v5 =	vld [tilespmem:s17+$0x400];
	_ =	sdelay $0x4  }
0x31e: {  	v6 =	vshrl.u32 v5, $0x3  }
0x31f: {  	v6 =	vmul.u32 $0x30, v6  }
0x320: {  	v5 =	vand.u32 $0x7, v5  }
0x321: {  	v5 =	vor.u32 v5, v6  }
0x322: {  	v6 =	vperm.xlane v5, v2;
	_ =	sdelay $0x1  }
0x323: {  	v6 =	vadd.s32 v3, v6;
	_ =	sdelay $0x3  }
0x324: {  	s13 =	sadd.s32 $0xB6D00, s13;
	v5 =	vperm.xlane v5, v4  }
0x325: {  	[tilespmem:s31], [sflag:$0x8] =	stream.indirect_vreg.gather [hbm4b:s13+s2], $0x80, v6, vm0, $0xb8;
	[tilespmem:$0x1B800] =	vst v63  }
0x326: {  	s21 =	sadd.s32 $0x100, s13;
	v5 =	vadd.s32 v3, v5  }
0x327: {  	[tilespmem:s0], [sflag:$0x8] =	stream.indirect_vreg.gather [hbm4b:s21+s2], $0x80, v6, vm0, $0xb8;
	[tilespmem:$0x1B800] =	vst v63  }
0x328: {  	s22 =	sadd.s32 $0x200, s13  }
0x329: {  	[tilespmem:s1], [sflag:$0x8] =	stream.indirect_vreg.gather [hbm4b:s22+s2], $0x80, v6, vm0, $0xb8;
	[tilespmem:$0x1B800] =	vst v63  }
0x32a: {  	_ = 	snop  }
0x32b: {  	[tilespmem:s4], [sflag:$0x8] =	stream.indirect_vreg.gather [hbm4b:s13+s2], $0x80, v5, vm0, $0xb8;
	[tilespmem:$0x1B800] =	vst v63  }
.Ltmp9:
0x32c: {  	_ = 	snop;
	(pc) =	sbr.rel .LBB2_6-.Ltmp9, $4  }
0x32d: {  	_ = 	snop  }
0x32e: {  	[tilespmem:s14], [sflag:$0x8] =	stream.indirect_vreg.gather [hbm4b:s21+s2], $0x80, v5, vm0, $0xb8;
	[tilespmem:$0x1B800] =	vst v63  }
0x32f: {  	s12 =	sadd.s32 $0x1, s12  }
0x330: {  	[tilespmem:s15], [sflag:$0x8] =	stream.indirect_vreg.gather [hbm4b:s22+s2], $0x80, v5, vm0, $0xb8;
	[tilespmem:$0x1B800] =	vst v63  }
.LBB2_15:
0x331: {  	_ =	sfence.sel $0x180000  }
0x332: {  	[bflag:$0x0] =	sbarrier.arrive $0xFFFF  }
0x333: {  	_ =	strace $0x90000047  }
0x334: {  	s0 =	stileid.u32;
	[bflag:$0x2] =	sbarrier.arrive $0xFFFF  }
0x335: {  	p0 =	sne.s32 s0, $0x0;
	s0 =	rddreg [dreg:$0x2]  }
0x336: {  	s0 =	sadd.s32 @!p0 $0x100000, s0  }
0x337: {  	[sflag:s0] =	ssyncadd.tile.s32 @!p0 $0x1;
	_ =	shalt  }
.Lfunc_end2:
_tile_overlayer_lowered:
.L_overlay_start_2:
0x338: {  	(tag) =	ssettag $0x2  }
0x339: {  	s0 =	rddreg [dreg:$0x0];
	s2 =	stileid.u32  }
0x33a: {  	s1 =	rddreg [dreg:$0x1];
	p0 =	sne.s32 s2, $0x0  }
0x33b: {  	s3 =	rddreg [dreg:$0x2];
	[bflag:$0x3] =	sbarrier.arrive $0xFFFF;
	s2 =	simm.s32 @!p0 $0x1C09  }
0x33c: {  	[timem:s3], [sflag:s2] =	dma.local @!p0 [hbm:s0], s1  }
0x33d: {  	s0 =	simm.s32 @!p0 $0x9  }
0x33e: {  	_ =	swait.ge @!p0 [sflag:s0], s1  }
0x33f: {  	s1 =	ssub.s32 @!p0 $0x0, s1;
	[sflag:s0] =	ssyncset.done @!p0 $0x0  }
0x340: {  	[sflag:s0] =	ssyncadd.s32 @!p0 s1  }
0x341: {  	[bflag:$0x3] =	sbarrier.arrive $0xFFFF  }
0x342: {  	_ =	shalt  }

</sc_bundles>
